<compile_context>
chip_gen: v7x
topology: tpu7x:2x2x1
jax: 0.10.2.dev20260603
libtpu: 0.0.44.dev20260713+nightly
codegen_flags: <defaults>
</compile_context>

<pallas_src>
import functools

import jax
import jax.numpy as jnp
from jax import lax
from jax.experimental import pallas as pl
from jax.experimental.pallas import tpu as pltpu
from jax.experimental.pallas import tpu_sc as plsc

V = 256
F_IN = 128
H = 64
W = 2 * H
E = 4096
NUM_LAYERS = 2
G3 = 3 * H

NC = 2
NS = 16
NW = NC * NS
EPW = E // NW

BV = 16
NBV = V // BV

CB = 8
NCB = V // CB


def _embed_body(adj_ref, ew_ref, xm_ref, csnz_ref):
    xb = jnp.dot(adj_ref[...], ew_ref[...], preferred_element_type=jnp.float32)
    xm_ref[...] = jnp.concatenate([xb, xb], axis=-1)
    xb3 = xb.reshape(BV, V, H)
    csb = jnp.sum(xb3, axis=1)
    nzb = jnp.sum((xb3 != 0.0).astype(jnp.float32), axis=1)
    csnz_ref[...] = jnp.concatenate([csb, nzb], axis=-1)


_embed_call = pl.pallas_call(
    _embed_body,
    grid=(NBV,),
    in_specs=[
        pl.BlockSpec((BV * V, F_IN), lambda i: (i, 0)),
        pl.BlockSpec((F_IN, H), lambda i: (0, 0)),
    ],
    out_specs=[
        pl.BlockSpec((BV * V, W), lambda i: (i, 0)),
        pl.BlockSpec((BV, W), lambda i: (i, 0)),
    ],
    out_shape=[
        jax.ShapeDtypeStruct((V * V, W), jnp.float32),
        jax.ShapeDtypeStruct((V, W), jnp.float32),
    ],
)


def _gather_body(xm_hbm, csnz_hbm, edges_hbm,
                 g1_hbm, g2_hbm, g3_hbm, g4_hbm,
                 eu_v, ev_v, fa_v, fb_v,
                 b1, b2, b3, b4, sem):
    wid = lax.axis_index("s") * NC + lax.axis_index("c")
    base = wid * EPW
    pltpu.sync_copy(edges_hbm.at[0, pl.ds(base, EPW)], eu_v)
    pltpu.sync_copy(edges_hbm.at[1, pl.ds(base, EPW)], ev_v)
    for c in range(EPW // 16):
        sl = pl.ds(c * 16, 16)
        u = eu_v[sl]
        v = ev_v[sl]
        fa_v[sl] = v * V + u
        fb_v[sl] = u * V + v
    cps = [
        pltpu.async_copy(xm_hbm.at[fa_v], b1, sem),
        pltpu.async_copy(xm_hbm.at[fb_v], b2, sem),
        pltpu.async_copy(csnz_hbm.at[eu_v], b3, sem),
        pltpu.async_copy(csnz_hbm.at[ev_v], b4, sem),
    ]
    for cp in cps:
        cp.wait()
    out_sl = pl.ds(base, EPW)
    pltpu.sync_copy(b1, g1_hbm.at[out_sl])
    pltpu.sync_copy(b2, g2_hbm.at[out_sl])
    pltpu.sync_copy(b3, g3_hbm.at[out_sl])
    pltpu.sync_copy(b4, g4_hbm.at[out_sl])


@functools.lru_cache(maxsize=None)
def _get_sc_gather():
  return pl.kernel(
    _gather_body,
    out_type=[jax.ShapeDtypeStruct((E, W), jnp.float32)] * 4,
    mesh=plsc.VectorSubcoreMesh(
        core_axis_name="c", subcore_axis_name="s", num_cores=NC, num_subcores=NS
    ),
    scratch_types=[
        pltpu.VMEM((EPW,), jnp.int32),
        pltpu.VMEM((EPW,), jnp.int32),
        pltpu.VMEM((EPW,), jnp.int32),
        pltpu.VMEM((EPW,), jnp.int32),
        pltpu.VMEM((EPW, W), jnp.float32),
        pltpu.VMEM((EPW, W), jnp.float32),
        pltpu.VMEM((EPW, W), jnp.float32),
        pltpu.VMEM((EPW, W), jnp.float32),
        pltpu.SemaphoreType.DMA,
    ],
  )


def _msg_body(g1_ref, g2_ref, g3_ref, g4_ref, w1_ref, w2_ref, w3_ref, out_ref):
    eemb = g1_ref[:, H:]
    xvu = g2_ref[:, H:]
    csu = g3_ref[:, :H]
    nzu = g3_ref[:, H:]
    csv = g4_ref[:, :H]
    nzv = g4_ref[:, H:]
    cnt_u = jnp.sum(nzu, axis=1, keepdims=True)
    cnt_v = jnp.sum(nzv, axis=1, keepdims=True)
    nz_xvu = jnp.sum((xvu != 0.0).astype(jnp.float32), axis=1, keepdims=True)
    nz_eemb = jnp.sum((eemb != 0.0).astype(jnp.float32), axis=1, keepdims=True)
    n_in = (cnt_u - nz_xvu) * (1.0 / H)
    n_in = jnp.where(n_in == 0.0, 1.0, n_in)
    n_out = (cnt_v - nz_eemb) * (1.0 / H)
    n_out = jnp.where(n_out == 0.0, 1.0, n_out)
    e_in = (csu - xvu) / n_in
    e_out = (csv - eemb) / n_out
    acc = jnp.dot(eemb, w1_ref[...], preferred_element_type=jnp.float32)
    acc += jnp.dot(e_in, w2_ref[...], preferred_element_type=jnp.float32)
    acc += jnp.dot(e_out, w3_ref[...], preferred_element_type=jnp.float32)
    msgs = jnp.maximum(acc, 0.0)
    out_ref[...] = jnp.concatenate([msgs, eemb], axis=-1)


_EB = 1024

_msg_mlp = pl.pallas_call(
    _msg_body,
    grid=(E // _EB,),
    in_specs=[pl.BlockSpec((_EB, W), lambda i: (i, 0))] * 4
    + [pl.BlockSpec((H, H), lambda i: (0, 0))] * 3,
    out_specs=pl.BlockSpec((_EB, W), lambda i: (i, 0)),
    out_shape=jax.ShapeDtypeStruct((E, W), jnp.float32),
)


def _scatter_body(msgs_hbm, edges_hbm, xm_hbm, eu_v, ev_v, fa_v, rows_v, sem):
    wid = lax.axis_index("s") * NC + lax.axis_index("c")
    base = wid * EPW
    pltpu.sync_copy(edges_hbm.at[0, pl.ds(base, EPW)], eu_v)
    pltpu.sync_copy(edges_hbm.at[1, pl.ds(base, EPW)], ev_v)
    for c in range(EPW // 16):
        sl = pl.ds(c * 16, 16)
        fa_v[sl] = ev_v[sl] * V + eu_v[sl]
    pltpu.sync_copy(msgs_hbm.at[pl.ds(base, EPW)], rows_v)
    pltpu.async_copy(rows_v, xm_hbm.at[fa_v], sem).wait()


@functools.lru_cache(maxsize=None)
def _get_sc_scatter():
  return pl.kernel(
    _scatter_body,
    out_type=(),
    mesh=plsc.VectorSubcoreMesh(
        core_axis_name="c", subcore_axis_name="s", num_cores=NC, num_subcores=NS
    ),
    scratch_types=[
        pltpu.VMEM((EPW,), jnp.int32),
        pltpu.VMEM((EPW,), jnp.int32),
        pltpu.VMEM((EPW,), jnp.int32),
        pltpu.VMEM((EPW, W), jnp.float32),
        pltpu.SemaphoreType.DMA,
    ],
  )


def _gru_body(with_stats, xm_ref, wih_ref, wh_ref, bih_ref, bhh_ref,
              out_ref, *rest):
    if with_stats:
        csnz_ref, h_ref = rest
    else:
        (h_ref,) = rest
    j = pl.program_id(0)

    @pl.when(j == 0)
    def _():
        h_ref[...] = jnp.zeros((V, H), jnp.float32)

    wih = wih_ref[...]
    bih = bih_ref[...]
    wh = wh_ref[...]
    bhh = bhh_ref[...]
    h = h_ref[...]
    for jj in range(CB):
        gi = jnp.dot(xm_ref[jj], wih,
                     preferred_element_type=jnp.float32) + bih
        gh = jnp.dot(h, wh, preferred_element_type=jnp.float32) + bhh
        rz = jax.nn.sigmoid(gi[:, :2 * H] + gh[:, :2 * H])
        r = rz[:, :H]
        z = rz[:, H:]
        n = jnp.tanh(gi[:, 2 * H:] + r * gh[:, 2 * H:])
        h = (1.0 - z) * n + z * h
        if with_stats:
            out_ref[jj] = jnp.concatenate([h, h], axis=-1)
            cs = jnp.sum(h, axis=0, keepdims=True)
            nzc = jnp.sum((h != 0.0).astype(jnp.float32), axis=0,
                          keepdims=True)
            csnz_ref[jj:jj + 1, :] = jnp.concatenate([cs, nzc], axis=-1)
        else:
            out_ref[jj] = h
    h_ref[...] = h


def _make_gru(with_stats):
    ow = W if with_stats else H
    out_specs = [pl.BlockSpec((CB, V, ow), lambda j: (j, 0, 0))]
    out_shape = [jax.ShapeDtypeStruct((V, V, ow), jnp.float32)]
    if with_stats:
        out_specs += [pl.BlockSpec((CB, W), lambda j: (j, 0))]
        out_shape += [jax.ShapeDtypeStruct((V, W), jnp.float32)]
    return pl.pallas_call(
        functools.partial(_gru_body, with_stats),
        grid=(NCB,),
        in_specs=[
            pl.BlockSpec((CB, V, W), lambda j: (j, 0, 0)),
            pl.BlockSpec((W, G3), lambda j: (0, 0)),
            pl.BlockSpec((H, G3), lambda j: (0, 0)),
            pl.BlockSpec((1, G3), lambda j: (0, 0)),
            pl.BlockSpec((1, G3), lambda j: (0, 0)),
        ],
        out_specs=out_specs,
        out_shape=out_shape,
        scratch_shapes=[pltpu.VMEM((V, H), jnp.float32)],
    )


_gru_stats = _make_gru(True)
_gru_final = _make_gru(False)


def kernel(adj_matrix, edges, emb_w, msg_w1, msg_w2, msg_w3,
           gru_wih, gru_whh, gru_bih, gru_bhh):
    adjT = jnp.swapaxes(adj_matrix, 0, 1).reshape(V * V, F_IN)
    emb_wT = emb_w.T
    wihT = gru_wih.T
    whT = gru_whh.T
    bih = gru_bih.reshape(1, G3)
    bhh = gru_bhh.reshape(1, G3)
    edges_t = edges.T.astype(jnp.int32)

    xm, csnz = _embed_call(adjT, emb_wT)
    out = None
    for layer in range(NUM_LAYERS):
        w1T = msg_w1[layer].T
        w2T = msg_w2[layer].T
        w3T = msg_w3[layer].T
        g1, g2, g3, g4 = _get_sc_gather()(xm, csnz, edges_t)
        msgs = _msg_mlp(g1, g2, g3, g4, w1T, w2T, w3T)
        mref = jax.new_ref(xm)
        _get_sc_scatter()(msgs, edges_t, mref)
        xm3 = jax.freeze(mref).reshape(V, V, W)
        if layer == 0:
            xmn, csnz = _gru_stats(xm3, wihT, whT, bih, bhh)
            xm = xmn.reshape(V * V, W)
        else:
            out = _gru_final(xm3, wihT, whT, bih, bhh)[0]
    return jnp.swapaxes(out, 0, 1)

# --- scband reference (transcript-rebuilt; emitter-appended) ---
"""Pipeline reference for scband-gnnencoder-67740224193371 (READ-ONLY COPY).

The authoritative reference and input builder live on the scoring server;
editing this copy changes nothing except your own understanding.
"""

import jax, jax.numpy as jnp
import numpy as np

V = 256
IN_FEATURES = 128
HIDDEN = 64
NUM_ITER = 2
E = 4096


def setup_inputs(seed: int = 0) -> dict:
    key = jax.random.key(seed)
    ks = jax.random.split(key, 12)
    adj_matrix = jax.random.normal(ks[0], (V, V, IN_FEATURES), dtype=jnp.float32)
    edges = jax.random.randint(ks[1], (E, 2), 0, V, dtype=jnp.int32)
    s_in = 1.0 / np.sqrt(IN_FEATURES)
    s_h = 1.0 / np.sqrt(HIDDEN)
    s_g = 1.0 / np.sqrt(HIDDEN)
    emb_w = jax.random.uniform(ks[2], (HIDDEN, IN_FEATURES), jnp.float32, -s_in, s_in)
    msg_w1 = jax.random.uniform(ks[3], (NUM_ITER, HIDDEN, HIDDEN), jnp.float32, -s_h, s_h)
    msg_w2 = jax.random.uniform(ks[4], (NUM_ITER, HIDDEN, HIDDEN), jnp.float32, -s_h, s_h)
    msg_w3 = jax.random.uniform(ks[5], (NUM_ITER, HIDDEN, HIDDEN), jnp.float32, -s_h, s_h)
    gru_wih = jax.random.uniform(ks[6], (3 * HIDDEN, 2 * HIDDEN), jnp.float32, -s_g, s_g)
    gru_whh = jax.random.uniform(ks[7], (3 * HIDDEN, HIDDEN), jnp.float32, -s_g, s_g)
    gru_bih = jax.random.uniform(ks[8], (3 * HIDDEN,), jnp.float32, -s_g, s_g)
    gru_bhh = jax.random.uniform(ks[9], (3 * HIDDEN,), jnp.float32, -s_g, s_g)
    return {"adj_matrix": adj_matrix, "edges": edges, "emb_w": emb_w,
            "msg_w1": msg_w1, "msg_w2": msg_w2, "msg_w3": msg_w3,
            "gru_wih": gru_wih, "gru_whh": gru_whh, "gru_bih": gru_bih, "gru_bhh": gru_bhh}


def _gru_seq(inp, wih, whh, bih, bhh):
    # inp: (B, T, 2H) batch_first GRU, h0 = zeros; returns output sequence (B, T, H)
    B = inp.shape[0]
    H = whh.shape[1]
    h0 = jnp.zeros((B, H), dtype=inp.dtype)

    def step(h, x_t):
        gi = x_t @ wih.T + bih
        gh = h @ whh.T + bhh
        i_r, i_z, i_n = jnp.split(gi, 3, axis=-1)
        h_r, h_z, h_n = jnp.split(gh, 3, axis=-1)
        r = jax.nn.sigmoid(i_r + h_r)
        z = jax.nn.sigmoid(i_z + h_z)
        n = jnp.tanh(i_n + r * h_n)
        h_new = (1.0 - z) * n + z * h
        return h_new, h_new

    xs = jnp.swapaxes(inp, 0, 1)  # (T, B, 2H)
    _, ys = jax.lax.scan(step, h0, xs)
    return jnp.swapaxes(ys, 0, 1)  # (B, T, H)


def _message_passing(x, edges, w1, w2, w3):
    # x: (V, V, H). All reads come from x (writes go to a copy), so edges vectorize.
    H = x.shape[-1]
    colsum = jnp.sum(x, axis=0)                      # (V, H): sum over rows of each column
    colcnt = jnp.count_nonzero(x, axis=(0, 2))       # (V,): nnz per column slice
    eu = edges[:, 0]
    ev = edges[:, 1]
    e_emb = x[eu, ev]                                # (E, H)
    # incoming: f_in = x[:, u] with row v zeroed -> sum = colsum[u] - x[v, u]
    x_vu = x[ev, eu]
    s_in = colsum[eu] - x_vu
    n_in = (colcnt[eu] - jnp.count_nonzero(x_vu, axis=-1)) / H
    n_in = jnp.where(n_in == 0, 1.0, n_in).astype(x.dtype)
    e_in = s_in / n_in[:, None]
    # outgoing: reversed edge (v, u): f = x[:, v] with row u zeroed -> colsum[v] - x[u, v]
    s_out = colsum[ev] - e_emb
    n_out = (colcnt[ev] - jnp.count_nonzero(e_emb, axis=-1)) / H
    n_out = jnp.where(n_out == 0, 1.0, n_out).astype(x.dtype)
    e_out = s_out / n_out[:, None]
    msgs = jax.nn.relu(e_emb @ w1.T + e_in @ w2.T + e_out @ w3.T)
    return x.at[eu, ev].set(msgs)


def reference(adj_matrix, edges, emb_w, msg_w1, msg_w2, msg_w3, gru_wih, gru_whh, gru_bih, gru_bhh):
    x = adj_matrix @ emb_w.T                          # (V, V, H)
    for layer in range(NUM_ITER):
        m = _message_passing(x, edges, msg_w1[layer], msg_w2[layer], msg_w3[layer])
        inp = jnp.concatenate([m, x], axis=-1)        # (V, V, 2H)
        x = _gru_seq(inp, gru_wih, gru_whh, gru_bih, gru_bhh)
    return x

if __name__ == "__main__":
    import jax
    _d = setup_inputs()
    print(jax.jit(kernel)(*tuple(_d.values())))

</pallas_src>

<mosaic_0001>
#map = affine_map<(d0, d1) -> (0, 0)>
module attributes {stable_mosaic.version = 14 : i64} {
  func.func @new_body(%arg0: i32, %arg1: i32, %arg2: memref<4096x128xf32, #tpu.memory_space<hbm>>, %arg3: memref<2x4096xi32, #tpu.memory_space<hbm>>, %arg4: memref<65536x128xf32, #tpu.memory_space<hbm>>, %arg5: memref<65536x128xf32, #tpu.memory_space<hbm>>, %arg6: memref<128xi32, #tpu.memory_space<vmem>>, %arg7: memref<128xi32, #tpu.memory_space<vmem>>, %arg8: memref<128xi32, #tpu.memory_space<vmem>>, %arg9: memref<128x128xf32, #tpu.memory_space<vmem>>, %arg10: memref<!tpu.dma_semaphore, #tpu.memory_space<semaphore_mem>>) attributes {dimension_semantics = [#tpu.dimension_semantics<core_parallel>, #tpu.dimension_semantics<subcore_parallel>], iteration_bounds = array<i64: 2, 16>, scalar_prefetch = 0 : i64, scratch_operands = 5 : i64, tpu.core_type = #tpu.core_type<sc_vector_subcore>, window_params = [{transform_indices = #map}, {transform_indices = #map}, {transform_indices = #map}, {transform_indices = #map}]} {
    %mul3A = arith.constant 2 : i32
    %mul3A_0 = arith.muli %arg1, %mul3A : i32
    %add3A = arith.addi %mul3A_0, %arg0 : i32
    %mul3A_1 = arith.constant 128 : i32
    %mul3A_2 = arith.muli %add3A, %mul3A_1 : i32
    %run_scoped3A = arith.constant 0 : i32
    "tpu.region"() ({
      %run_scoped3A_118 = tpu.sem_alloc : memref<!tpu.dma_semaphore, #tpu.memory_space<semaphore_mem>>
      %dma_start3A_119 = tpu.memref_slice %arg3[%run_scoped3A, %mul3A_2] : memref<2x4096xi32, #tpu.memory_space<hbm>> -> memref<1x128xi32, #tpu.memory_space<hbm>>
      %dma_start3A_120 = tpu.memref_squeeze %dma_start3A_119 : memref<1x128xi32, #tpu.memory_space<hbm>> -> memref<128xi32, #tpu.memory_space<hbm>>
      %dma_start3A_121 = tpu.memref_slice %arg3[%run_scoped3A, %mul3A_2] : memref<2x4096xi32, #tpu.memory_space<hbm>> -> memref<1x128xi32, #tpu.memory_space<hbm>>
      %dma_start3A_122 = tpu.memref_squeeze %dma_start3A_121 : memref<1x128xi32, #tpu.memory_space<hbm>> -> memref<128xi32, #tpu.memory_space<hbm>>
      tpu.enqueue_dma source(%dma_start3A_122 : memref<128xi32, #tpu.memory_space<hbm>>) target(%arg6 : memref<128xi32, #tpu.memory_space<vmem>>) target_semaphore(%run_scoped3A_118 : memref<!tpu.dma_semaphore, #tpu.memory_space<semaphore_mem>>)
      %dma_wait3A_123 = tpu.memref_slice %arg3[%run_scoped3A, %mul3A_2] : memref<2x4096xi32, #tpu.memory_space<hbm>> -> memref<1x128xi32, #tpu.memory_space<hbm>>
      %dma_wait3A_124 = tpu.memref_squeeze %dma_wait3A_123 : memref<1x128xi32, #tpu.memory_space<hbm>> -> memref<128xi32, #tpu.memory_space<hbm>>
      %dma_wait3A_125 = tpu.memref_slice %arg3[%run_scoped3A, %mul3A_2] : memref<2x4096xi32, #tpu.memory_space<hbm>> -> memref<1x128xi32, #tpu.memory_space<hbm>>
      %dma_wait3A_126 = tpu.memref_squeeze %dma_wait3A_125 : memref<1x128xi32, #tpu.memory_space<hbm>> -> memref<128xi32, #tpu.memory_space<hbm>>
      tpu.wait_dma2 semaphore(%run_scoped3A_118 : memref<!tpu.dma_semaphore, #tpu.memory_space<semaphore_mem>>) src(%dma_wait3A_126 : memref<128xi32, #tpu.memory_space<hbm>>) dst(%arg6 : memref<128xi32, #tpu.memory_space<vmem>>)
      tpu.yield
    }) : () -> ()
    %run_scoped3A_3 = arith.constant 1 : i32
    "tpu.region"() ({
      %run_scoped3A_118 = tpu.sem_alloc : memref<!tpu.dma_semaphore, #tpu.memory_space<semaphore_mem>>
      %dma_start3A_119 = tpu.memref_slice %arg3[%run_scoped3A_3, %mul3A_2] : memref<2x4096xi32, #tpu.memory_space<hbm>> -> memref<1x128xi32, #tpu.memory_space<hbm>>
      %dma_start3A_120 = tpu.memref_squeeze %dma_start3A_119 : memref<1x128xi32, #tpu.memory_space<hbm>> -> memref<128xi32, #tpu.memory_space<hbm>>
      %dma_start3A_121 = tpu.memref_slice %arg3[%run_scoped3A_3, %mul3A_2] : memref<2x4096xi32, #tpu.memory_space<hbm>> -> memref<1x128xi32, #tpu.memory_space<hbm>>
      %dma_start3A_122 = tpu.memref_squeeze %dma_start3A_121 : memref<1x128xi32, #tpu.memory_space<hbm>> -> memref<128xi32, #tpu.memory_space<hbm>>
      tpu.enqueue_dma source(%dma_start3A_122 : memref<128xi32, #tpu.memory_space<hbm>>) target(%arg7 : memref<128xi32, #tpu.memory_space<vmem>>) target_semaphore(%run_scoped3A_118 : memref<!tpu.dma_semaphore, #tpu.memory_space<semaphore_mem>>)
      %dma_wait3A_123 = tpu.memref_slice %arg3[%run_scoped3A_3, %mul3A_2] : memref<2x4096xi32, #tpu.memory_space<hbm>> -> memref<1x128xi32, #tpu.memory_space<hbm>>
      %dma_wait3A_124 = tpu.memref_squeeze %dma_wait3A_123 : memref<1x128xi32, #tpu.memory_space<hbm>> -> memref<128xi32, #tpu.memory_space<hbm>>
      %dma_wait3A_125 = tpu.memref_slice %arg3[%run_scoped3A_3, %mul3A_2] : memref<2x4096xi32, #tpu.memory_space<hbm>> -> memref<1x128xi32, #tpu.memory_space<hbm>>
      %dma_wait3A_126 = tpu.memref_squeeze %dma_wait3A_125 : memref<1x128xi32, #tpu.memory_space<hbm>> -> memref<128xi32, #tpu.memory_space<hbm>>
      tpu.wait_dma2 semaphore(%run_scoped3A_118 : memref<!tpu.dma_semaphore, #tpu.memory_space<semaphore_mem>>) src(%dma_wait3A_126 : memref<128xi32, #tpu.memory_space<hbm>>) dst(%arg7 : memref<128xi32, #tpu.memory_space<vmem>>)
      tpu.yield
    }) : () -> ()
    %get3A = arith.constant 0 : index
    %get3A_4 = tpu.vector_load %arg7[%get3A] {strides = array<i32>} : memref<128xi32, #tpu.memory_space<vmem>>, vector<16xi32>,
    %get3A_5 = vector.shape_cast %get3A_4 : vector<16xi32> to vector<16xi32>
    %mul3A_6 = arith.constant 256 : i32
    %mul3A_7 = vector.broadcast %mul3A_6 : i32 to vector<16xi32>
    %mul3A_8 = arith.muli %get3A_5, %mul3A_7 : vector<16xi32>
    %get3A_9 = arith.constant 0 : index
    %get3A_10 = tpu.vector_load %arg6[%get3A_9] {strides = array<i32>} : memref<128xi32, #tpu.memory_space<vmem>>, vector<16xi32>,
    %get3A_11 = vector.shape_cast %get3A_10 : vector<16xi32> to vector<16xi32>
    %add3A_12 = arith.addi %mul3A_8, %get3A_11 : vector<16xi32>
    %swap3A = arith.constant 0 : index
    %swap3A_13 = tpu.vector_load %arg8[%swap3A] {strides = array<i32>} : memref<128xi32, #tpu.memory_space<vmem>>, vector<16xi32>,
    %swap3A_14 = vector.shape_cast %swap3A_13 : vector<16xi32> to vector<16xi32>
    %swap3A_15 = vector.shape_cast %add3A_12 : vector<16xi32> to vector<16xi32>
    tpu.vector_store %arg8[%swap3A], %swap3A_15 {strides = array<i32>} : memref<128xi32, #tpu.memory_space<vmem>>, vector<16xi32>,
    %get3A_16 = arith.constant 16 : index
    %get3A_17 = tpu.vector_load %arg7[%get3A_16] {strides = array<i32>} : memref<128xi32, #tpu.memory_space<vmem>>, vector<16xi32>,
    %get3A_18 = vector.shape_cast %get3A_17 : vector<16xi32> to vector<16xi32>
    %mul3A_19 = arith.constant 256 : i32
    %mul3A_20 = vector.broadcast %mul3A_19 : i32 to vector<16xi32>
    %mul3A_21 = arith.muli %get3A_18, %mul3A_20 : vector<16xi32>
    %get3A_22 = arith.constant 16 : index
    %get3A_23 = tpu.vector_load %arg6[%get3A_22] {strides = array<i32>} : memref<128xi32, #tpu.memory_space<vmem>>, vector<16xi32>,
    %get3A_24 = vector.shape_cast %get3A_23 : vector<16xi32> to vector<16xi32>
    %add3A_25 = arith.addi %mul3A_21, %get3A_24 : vector<16xi32>
    %swap3A_26 = arith.constant 16 : index
    %swap3A_27 = tpu.vector_load %arg8[%swap3A_26] {strides = array<i32>} : memref<128xi32, #tpu.memory_space<vmem>>, vector<16xi32>,
    %swap3A_28 = vector.shape_cast %swap3A_27 : vector<16xi32> to vector<16xi32>
    %swap3A_29 = vector.shape_cast %add3A_25 : vector<16xi32> to vector<16xi32>
    tpu.vector_store %arg8[%swap3A_26], %swap3A_29 {strides = array<i32>} : memref<128xi32, #tpu.memory_space<vmem>>, vector<16xi32>,
    %get3A_30 = arith.constant 32 : index
    %get3A_31 = tpu.vector_load %arg7[%get3A_30] {strides = array<i32>} : memref<128xi32, #tpu.memory_space<vmem>>, vector<16xi32>,
    %get3A_32 = vector.shape_cast %get3A_31 : vector<16xi32> to vector<16xi32>
    %mul3A_33 = arith.constant 256 : i32
    %mul3A_34 = vector.broadcast %mul3A_33 : i32 to vector<16xi32>
    %mul3A_35 = arith.muli %get3A_32, %mul3A_34 : vector<16xi32>
    %get3A_36 = arith.constant 32 : index
    %get3A_37 = tpu.vector_load %arg6[%get3A_36] {strides = array<i32>} : memref<128xi32, #tpu.memory_space<vmem>>, vector<16xi32>,
    %get3A_38 = vector.shape_cast %get3A_37 : vector<16xi32> to vector<16xi32>
    %add3A_39 = arith.addi %mul3A_35, %get3A_38 : vector<16xi32>
    %swap3A_40 = arith.constant 32 : index
    %swap3A_41 = tpu.vector_load %arg8[%swap3A_40] {strides = array<i32>} : memref<128xi32, #tpu.memory_space<vmem>>, vector<16xi32>,
    %swap3A_42 = vector.shape_cast %swap3A_41 : vector<16xi32> to vector<16xi32>
    %swap3A_43 = vector.shape_cast %add3A_39 : vector<16xi32> to vector<16xi32>
    tpu.vector_store %arg8[%swap3A_40], %swap3A_43 {strides = array<i32>} : memref<128xi32, #tpu.memory_space<vmem>>, vector<16xi32>,
    %get3A_44 = arith.constant 48 : index
    %get3A_45 = tpu.vector_load %arg7[%get3A_44] {strides = array<i32>} : memref<128xi32, #tpu.memory_space<vmem>>, vector<16xi32>,
    %get3A_46 = vector.shape_cast %get3A_45 : vector<16xi32> to vector<16xi32>
    %mul3A_47 = arith.constant 256 : i32
    %mul3A_48 = vector.broadcast %mul3A_47 : i32 to vector<16xi32>
    %mul3A_49 = arith.muli %get3A_46, %mul3A_48 : vector<16xi32>
    %get3A_50 = arith.constant 48 : index
    %get3A_51 = tpu.vector_load %arg6[%get3A_50] {strides = array<i32>} : memref<128xi32, #tpu.memory_space<vmem>>, vector<16xi32>,
    %get3A_52 = vector.shape_cast %get3A_51 : vector<16xi32> to vector<16xi32>
    %add3A_53 = arith.addi %mul3A_49, %get3A_52 : vector<16xi32>
    %swap3A_54 = arith.constant 48 : index
    %swap3A_55 = tpu.vector_load %arg8[%swap3A_54] {strides = array<i32>} : memref<128xi32, #tpu.memory_space<vmem>>, vector<16xi32>,
    %swap3A_56 = vector.shape_cast %swap3A_55 : vector<16xi32> to vector<16xi32>
    %swap3A_57 = vector.shape_cast %add3A_53 : vector<16xi32> to vector<16xi32>
    tpu.vector_store %arg8[%swap3A_54], %swap3A_57 {strides = array<i32>} : memref<128xi32, #tpu.memory_space<vmem>>, vector<16xi32>,
    %get3A_58 = arith.constant 64 : index
    %get3A_59 = tpu.vector_load %arg7[%get3A_58] {strides = array<i32>} : memref<128xi32, #tpu.memory_space<vmem>>, vector<16xi32>,
    %get3A_60 = vector.shape_cast %get3A_59 : vector<16xi32> to vector<16xi32>
    %mul3A_61 = arith.constant 256 : i32
    %mul3A_62 = vector.broadcast %mul3A_61 : i32 to vector<16xi32>
    %mul3A_63 = arith.muli %get3A_60, %mul3A_62 : vector<16xi32>
    %get3A_64 = arith.constant 64 : index
    %get3A_65 = tpu.vector_load %arg6[%get3A_64] {strides = array<i32>} : memref<128xi32, #tpu.memory_space<vmem>>, vector<16xi32>,
    %get3A_66 = vector.shape_cast %get3A_65 : vector<16xi32> to vector<16xi32>
    %add3A_67 = arith.addi %mul3A_63, %get3A_66 : vector<16xi32>
    %swap3A_68 = arith.constant 64 : index
    %swap3A_69 = tpu.vector_load %arg8[%swap3A_68] {strides = array<i32>} : memref<128xi32, #tpu.memory_space<vmem>>, vector<16xi32>,
    %swap3A_70 = vector.shape_cast %swap3A_69 : vector<16xi32> to vector<16xi32>
    %swap3A_71 = vector.shape_cast %add3A_67 : vector<16xi32> to vector<16xi32>
    tpu.vector_store %arg8[%swap3A_68], %swap3A_71 {strides = array<i32>} : memref<128xi32, #tpu.memory_space<vmem>>, vector<16xi32>,
    %get3A_72 = arith.constant 80 : index
    %get3A_73 = tpu.vector_load %arg7[%get3A_72] {strides = array<i32>} : memref<128xi32, #tpu.memory_space<vmem>>, vector<16xi32>,
    %get3A_74 = vector.shape_cast %get3A_73 : vector<16xi32> to vector<16xi32>
    %mul3A_75 = arith.constant 256 : i32
    %mul3A_76 = vector.broadcast %mul3A_75 : i32 to vector<16xi32>
    %mul3A_77 = arith.muli %get3A_74, %mul3A_76 : vector<16xi32>
    %get3A_78 = arith.constant 80 : index
    %get3A_79 = tpu.vector_load %arg6[%get3A_78] {strides = array<i32>} : memref<128xi32, #tpu.memory_space<vmem>>, vector<16xi32>,
    %get3A_80 = vector.shape_cast %get3A_79 : vector<16xi32> to vector<16xi32>
    %add3A_81 = arith.addi %mul3A_77, %get3A_80 : vector<16xi32>
    %swap3A_82 = arith.constant 80 : index
    %swap3A_83 = tpu.vector_load %arg8[%swap3A_82] {strides = array<i32>} : memref<128xi32, #tpu.memory_space<vmem>>, vector<16xi32>,
    %swap3A_84 = vector.shape_cast %swap3A_83 : vector<16xi32> to vector<16xi32>
    %swap3A_85 = vector.shape_cast %add3A_81 : vector<16xi32> to vector<16xi32>
    tpu.vector_store %arg8[%swap3A_82], %swap3A_85 {strides = array<i32>} : memref<128xi32, #tpu.memory_space<vmem>>, vector<16xi32>,
    %get3A_86 = arith.constant 96 : index
    %get3A_87 = tpu.vector_load %arg7[%get3A_86] {strides = array<i32>} : memref<128xi32, #tpu.memory_space<vmem>>, vector<16xi32>,
    %get3A_88 = vector.shape_cast %get3A_87 : vector<16xi32> to vector<16xi32>
    %mul3A_89 = arith.constant 256 : i32
    %mul3A_90 = vector.broadcast %mul3A_89 : i32 to vector<16xi32>
    %mul3A_91 = arith.muli %get3A_88, %mul3A_90 : vector<16xi32>
    %get3A_92 = arith.constant 96 : index
    %get3A_93 = tpu.vector_load %arg6[%get3A_92] {strides = array<i32>} : memref<128xi32, #tpu.memory_space<vmem>>, vector<16xi32>,
    %get3A_94 = vector.shape_cast %get3A_93 : vector<16xi32> to vector<16xi32>
    %add3A_95 = arith.addi %mul3A_91, %get3A_94 : vector<16xi32>
    %swap3A_96 = arith.constant 96 : index
    %swap3A_97 = tpu.vector_load %arg8[%swap3A_96] {strides = array<i32>} : memref<128xi32, #tpu.memory_space<vmem>>, vector<16xi32>,
    %swap3A_98 = vector.shape_cast %swap3A_97 : vector<16xi32> to vector<16xi32>
    %swap3A_99 = vector.shape_cast %add3A_95 : vector<16xi32> to vector<16xi32>
    tpu.vector_store %arg8[%swap3A_96], %swap3A_99 {strides = array<i32>} : memref<128xi32, #tpu.memory_space<vmem>>, vector<16xi32>,
    %get3A_100 = arith.constant 112 : index
    %get3A_101 = tpu.vector_load %arg7[%get3A_100] {strides = array<i32>} : memref<128xi32, #tpu.memory_space<vmem>>, vector<16xi32>,
    %get3A_102 = vector.shape_cast %get3A_101 : vector<16xi32> to vector<16xi32>
    %mul3A_103 = arith.constant 256 : i32
    %mul3A_104 = vector.broadcast %mul3A_103 : i32 to vector<16xi32>
    %mul3A_105 = arith.muli %get3A_102, %mul3A_104 : vector<16xi32>
    %get3A_106 = arith.constant 112 : index
    %get3A_107 = tpu.vector_load %arg6[%get3A_106] {strides = array<i32>} : memref<128xi32, #tpu.memory_space<vmem>>, vector<16xi32>,
    %get3A_108 = vector.shape_cast %get3A_107 : vector<16xi32> to vector<16xi32>
    %add3A_109 = arith.addi %mul3A_105, %get3A_108 : vector<16xi32>
    %swap3A_110 = arith.constant 112 : index
    %swap3A_111 = tpu.vector_load %arg8[%swap3A_110] {strides = array<i32>} : memref<128xi32, #tpu.memory_space<vmem>>, vector<16xi32>,
    %swap3A_112 = vector.shape_cast %swap3A_111 : vector<16xi32> to vector<16xi32>
    %swap3A_113 = vector.shape_cast %add3A_109 : vector<16xi32> to vector<16xi32>
    tpu.vector_store %arg8[%swap3A_110], %swap3A_113 {strides = array<i32>} : memref<128xi32, #tpu.memory_space<vmem>>, vector<16xi32>,
    "tpu.region"() ({
      %run_scoped3A_118 = tpu.sem_alloc : memref<!tpu.dma_semaphore, #tpu.memory_space<semaphore_mem>>
      %dma_start3A_119 = arith.constant 0 : i32
      %dma_start3A_120 = tpu.memref_slice %arg2[%mul3A_2, %dma_start3A_119] : memref<4096x128xf32, #tpu.memory_space<hbm>> -> memref<128x128xf32, #tpu.memory_space<hbm>>
      %dma_start3A_121 = arith.constant 0 : i32
      %dma_start3A_122 = tpu.memref_slice %arg2[%mul3A_2, %dma_start3A_121] : memref<4096x128xf32, #tpu.memory_space<hbm>> -> memref<128x128xf32, #tpu.memory_space<hbm>>
      tpu.enqueue_dma source(%dma_start3A_122 : memref<128x128xf32, #tpu.memory_space<hbm>>) target(%arg9 : memref<128x128xf32, #tpu.memory_space<vmem>>) target_semaphore(%run_scoped3A_118 : memref<!tpu.dma_semaphore, #tpu.memory_space<semaphore_mem>>)
      %dma_wait3A_123 = arith.constant 0 : i32
      %dma_wait3A_124 = tpu.memref_slice %arg2[%mul3A_2, %dma_wait3A_123] : memref<4096x128xf32, #tpu.memory_space<hbm>> -> memref<128x128xf32, #tpu.memory_space<hbm>>
      %dma_wait3A_125 = arith.constant 0 : i32
      %dma_wait3A_126 = tpu.memref_slice %arg2[%mul3A_2, %dma_wait3A_125] : memref<4096x128xf32, #tpu.memory_space<hbm>> -> memref<128x128xf32, #tpu.memory_space<hbm>>
      tpu.wait_dma2 semaphore(%run_scoped3A_118 : memref<!tpu.dma_semaphore, #tpu.memory_space<semaphore_mem>>) src(%dma_wait3A_126 : memref<128x128xf32, #tpu.memory_space<hbm>>) dst(%arg9 : memref<128x128xf32, #tpu.memory_space<vmem>>)
      tpu.yield
    }) : () -> ()
    %dma_start3A = arith.constant 0 : i32
    %dma_start3A_114 = arith.constant 0 : i32
    %dma_start3A_115 = tpu.memref_slice %arg4[%dma_start3A, %dma_start3A_114] : memref<65536x128xf32, #tpu.memory_space<hbm>> -> memref<65536x128xf32, #tpu.memory_space<hbm>>
    tpu.enqueue_indirect_dma source(%arg9 : memref<128x128xf32, #tpu.memory_space<vmem>>) target(%dma_start3A_115 : memref<65536x128xf32, #tpu.memory_space<hbm>>) offsets(%arg8 : memref<128xi32, #tpu.memory_space<vmem>>) semaphore(%arg10 : memref<!tpu.dma_semaphore, #tpu.memory_space<semaphore_mem>>)
    %dma_wait3A = arith.constant 0 : i32
    %dma_wait3A_116 = arith.constant 0 : i32
    %dma_wait3A_117 = tpu.memref_slice %arg4[%dma_wait3A, %dma_wait3A_116] : memref<65536x128xf32, #tpu.memory_space<hbm>> -> memref<65536x128xf32, #tpu.memory_space<hbm>>
    tpu.wait_indirect_dma semaphore(%arg10 : memref<!tpu.dma_semaphore, #tpu.memory_space<semaphore_mem>>) src(%arg9 : memref<128x128xf32, #tpu.memory_space<vmem>>) dst(%dma_wait3A_117 : memref<65536x128xf32, #tpu.memory_space<hbm>>)
    return
  }
}

#map = affine_map<(d0, d1) -> (0, 0)>
module attributes {stable_mosaic.version = 14 : i64} {
  func.func @_gather_body(%arg0: i32, %arg1: i32, %arg2: memref<65536x128xf32, #tpu.memory_space<hbm>>, %arg3: memref<256x128xf32, #tpu.memory_space<hbm>>, %arg4: memref<2x4096xi32, #tpu.memory_space<hbm>>, %arg5: memref<4096x128xf32, #tpu.memory_space<hbm>>, %arg6: memref<4096x128xf32, #tpu.memory_space<hbm>>, %arg7: memref<4096x128xf32, #tpu.memory_space<hbm>>, %arg8: memref<4096x128xf32, #tpu.memory_space<hbm>>, %arg9: memref<128xi32, #tpu.memory_space<vmem>>, %arg10: memref<128xi32, #tpu.memory_space<vmem>>, %arg11: memref<128xi32, #tpu.memory_space<vmem>>, %arg12: memref<128xi32, #tpu.memory_space<vmem>>, %arg13: memref<128x128xf32, #tpu.memory_space<vmem>>, %arg14: memref<128x128xf32, #tpu.memory_space<vmem>>, %arg15: memref<128x128xf32, #tpu.memory_space<vmem>>, %arg16: memref<128x128xf32, #tpu.memory_space<vmem>>, %arg17: memref<!tpu.dma_semaphore, #tpu.memory_space<semaphore_mem>>) attributes {dimension_semantics = [#tpu.dimension_semantics<core_parallel>, #tpu.dimension_semantics<subcore_parallel>], iteration_bounds = array<i64: 2, 16>, scalar_prefetch = 0 : i64, scratch_operands = 9 : i64, tpu.core_type = #tpu.core_type<sc_vector_subcore>, window_params = [{transform_indices = #map}, {transform_indices = #map}, {transform_indices = #map}, {transform_indices = #map}, {transform_indices = #map}, {transform_indices = #map}, {transform_indices = #map}]} {
    %mul3A = arith.constant 2 : i32
    %mul3A_0 = arith.muli %arg1, %mul3A : i32
    %add3A = arith.addi %mul3A_0, %arg0 : i32
    %mul3A_1 = arith.constant 128 : i32
    %mul3A_2 = arith.muli %add3A, %mul3A_1 : i32
    %run_scoped3A = arith.constant 0 : i32
    "tpu.region"() ({
      %run_scoped3A_200 = tpu.sem_alloc : memref<!tpu.dma_semaphore, #tpu.memory_space<semaphore_mem>>
      %dma_start3A_201 = tpu.memref_slice %arg4[%run_scoped3A, %mul3A_2] : memref<2x4096xi32, #tpu.memory_space<hbm>> -> memref<1x128xi32, #tpu.memory_space<hbm>>
      %dma_start3A_202 = tpu.memref_squeeze %dma_start3A_201 : memref<1x128xi32, #tpu.memory_space<hbm>> -> memref<128xi32, #tpu.memory_space<hbm>>
      %dma_start3A_203 = tpu.memref_slice %arg4[%run_scoped3A, %mul3A_2] : memref<2x4096xi32, #tpu.memory_space<hbm>> -> memref<1x128xi32, #tpu.memory_space<hbm>>
      %dma_start3A_204 = tpu.memref_squeeze %dma_start3A_203 : memref<1x128xi32, #tpu.memory_space<hbm>> -> memref<128xi32, #tpu.memory_space<hbm>>
      tpu.enqueue_dma source(%dma_start3A_204 : memref<128xi32, #tpu.memory_space<hbm>>) target(%arg9 : memref<128xi32, #tpu.memory_space<vmem>>) target_semaphore(%run_scoped3A_200 : memref<!tpu.dma_semaphore, #tpu.memory_space<semaphore_mem>>)
      %dma_wait3A_205 = tpu.memref_slice %arg4[%run_scoped3A, %mul3A_2] : memref<2x4096xi32, #tpu.memory_space<hbm>> -> memref<1x128xi32, #tpu.memory_space<hbm>>
      %dma_wait3A_206 = tpu.memref_squeeze %dma_wait3A_205 : memref<1x128xi32, #tpu.memory_space<hbm>> -> memref<128xi32, #tpu.memory_space<hbm>>
      %dma_wait3A_207 = tpu.memref_slice %arg4[%run_scoped3A, %mul3A_2] : memref<2x4096xi32, #tpu.memory_space<hbm>> -> memref<1x128xi32, #tpu.memory_space<hbm>>
      %dma_wait3A_208 = tpu.memref_squeeze %dma_wait3A_207 : memref<1x128xi32, #tpu.memory_space<hbm>> -> memref<128xi32, #tpu.memory_space<hbm>>
      tpu.wait_dma2 semaphore(%run_scoped3A_200 : memref<!tpu.dma_semaphore, #tpu.memory_space<semaphore_mem>>) src(%dma_wait3A_208 : memref<128xi32, #tpu.memory_space<hbm>>) dst(%arg9 : memref<128xi32, #tpu.memory_space<vmem>>)
      tpu.yield
    }) : () -> ()
    %run_scoped3A_3 = arith.constant 1 : i32
    "tpu.region"() ({
      %run_scoped3A_200 = tpu.sem_alloc : memref<!tpu.dma_semaphore, #tpu.memory_space<semaphore_mem>>
      %dma_start3A_201 = tpu.memref_slice %arg4[%run_scoped3A_3, %mul3A_2] : memref<2x4096xi32, #tpu.memory_space<hbm>> -> memref<1x128xi32, #tpu.memory_space<hbm>>
      %dma_start3A_202 = tpu.memref_squeeze %dma_start3A_201 : memref<1x128xi32, #tpu.memory_space<hbm>> -> memref<128xi32, #tpu.memory_space<hbm>>
      %dma_start3A_203 = tpu.memref_slice %arg4[%run_scoped3A_3, %mul3A_2] : memref<2x4096xi32, #tpu.memory_space<hbm>> -> memref<1x128xi32, #tpu.memory_space<hbm>>
      %dma_start3A_204 = tpu.memref_squeeze %dma_start3A_203 : memref<1x128xi32, #tpu.memory_space<hbm>> -> memref<128xi32, #tpu.memory_space<hbm>>
      tpu.enqueue_dma source(%dma_start3A_204 : memref<128xi32, #tpu.memory_space<hbm>>) target(%arg10 : memref<128xi32, #tpu.memory_space<vmem>>) target_semaphore(%run_scoped3A_200 : memref<!tpu.dma_semaphore, #tpu.memory_space<semaphore_mem>>)
      %dma_wait3A_205 = tpu.memref_slice %arg4[%run_scoped3A_3, %mul3A_2] : memref<2x4096xi32, #tpu.memory_space<hbm>> -> memref<1x128xi32, #tpu.memory_space<hbm>>
      %dma_wait3A_206 = tpu.memref_squeeze %dma_wait3A_205 : memref<1x128xi32, #tpu.memory_space<hbm>> -> memref<128xi32, #tpu.memory_space<hbm>>
      %dma_wait3A_207 = tpu.memref_slice %arg4[%run_scoped3A_3, %mul3A_2] : memref<2x4096xi32, #tpu.memory_space<hbm>> -> memref<1x128xi32, #tpu.memory_space<hbm>>
      %dma_wait3A_208 = tpu.memref_squeeze %dma_wait3A_207 : memref<1x128xi32, #tpu.memory_space<hbm>> -> memref<128xi32, #tpu.memory_space<hbm>>
      tpu.wait_dma2 semaphore(%run_scoped3A_200 : memref<!tpu.dma_semaphore, #tpu.memory_space<semaphore_mem>>) src(%dma_wait3A_208 : memref<128xi32, #tpu.memory_space<hbm>>) dst(%arg10 : memref<128xi32, #tpu.memory_space<vmem>>)
      tpu.yield
    }) : () -> ()
    %get3A = arith.constant 0 : index
    %get3A_4 = tpu.vector_load %arg9[%get3A] {strides = array<i32>} : memref<128xi32, #tpu.memory_space<vmem>>, vector<16xi32>,
    %get3A_5 = vector.shape_cast %get3A_4 : vector<16xi32> to vector<16xi32>
    %get3A_6 = arith.constant 0 : index
    %get3A_7 = tpu.vector_load %arg10[%get3A_6] {strides = array<i32>} : memref<128xi32, #tpu.memory_space<vmem>>, vector<16xi32>,
    %get3A_8 = vector.shape_cast %get3A_7 : vector<16xi32> to vector<16xi32>
    %mul3A_9 = arith.constant 256 : i32
    %mul3A_10 = vector.broadcast %mul3A_9 : i32 to vector<16xi32>
    %mul3A_11 = arith.muli %get3A_8, %mul3A_10 : vector<16xi32>
    %add3A_12 = arith.addi %mul3A_11, %get3A_5 : vector<16xi32>
    %swap3A = arith.constant 0 : index
    %swap3A_13 = tpu.vector_load %arg11[%swap3A] {strides = array<i32>} : memref<128xi32, #tpu.memory_space<vmem>>, vector<16xi32>,
    %swap3A_14 = vector.shape_cast %swap3A_13 : vector<16xi32> to vector<16xi32>
    %swap3A_15 = vector.shape_cast %add3A_12 : vector<16xi32> to vector<16xi32>
    tpu.vector_store %arg11[%swap3A], %swap3A_15 {strides = array<i32>} : memref<128xi32, #tpu.memory_space<vmem>>, vector<16xi32>,
    %mul3A_16 = arith.constant 256 : i32
    %mul3A_17 = vector.broadcast %mul3A_16 : i32 to vector<16xi32>
    %mul3A_18 = arith.muli %get3A_5, %mul3A_17 : vector<16xi32>
    %add3A_19 = arith.addi %mul3A_18, %get3A_8 : vector<16xi32>
    %swap3A_20 = arith.constant 0 : index
    %swap3A_21 = tpu.vector_load %arg12[%swap3A_20] {strides = array<i32>} : memref<128xi32, #tpu.memory_space<vmem>>, vector<16xi32>,
    %swap3A_22 = vector.shape_cast %swap3A_21 : vector<16xi32> to vector<16xi32>
    %swap3A_23 = vector.shape_cast %add3A_19 : vector<16xi32> to vector<16xi32>
    tpu.vector_store %arg12[%swap3A_20], %swap3A_23 {strides = array<i32>} : memref<128xi32, #tpu.memory_space<vmem>>, vector<16xi32>,
    %get3A_24 = arith.constant 16 : index
    %get3A_25 = tpu.vector_load %arg9[%get3A_24] {strides = array<i32>} : memref<128xi32, #tpu.memory_space<vmem>>, vector<16xi32>,
    %get3A_26 = vector.shape_cast %get3A_25 : vector<16xi32> to vector<16xi32>
    %get3A_27 = arith.constant 16 : index
    %get3A_28 = tpu.vector_load %arg10[%get3A_27] {strides = array<i32>} : memref<128xi32, #tpu.memory_space<vmem>>, vector<16xi32>,
    %get3A_29 = vector.shape_cast %get3A_28 : vector<16xi32> to vector<16xi32>
    %mul3A_30 = arith.constant 256 : i32
    %mul3A_31 = vector.broadcast %mul3A_30 : i32 to vector<16xi32>
    %mul3A_32 = arith.muli %get3A_29, %mul3A_31 : vector<16xi32>
    %add3A_33 = arith.addi %mul3A_32, %get3A_26 : vector<16xi32>
    %swap3A_34 = arith.constant 16 : index
    %swap3A_35 = tpu.vector_load %arg11[%swap3A_34] {strides = array<i32>} : memref<128xi32, #tpu.memory_space<vmem>>, vector<16xi32>,
    %swap3A_36 = vector.shape_cast %swap3A_35 : vector<16xi32> to vector<16xi32>
    %swap3A_37 = vector.shape_cast %add3A_33 : vector<16xi32> to vector<16xi32>
    tpu.vector_store %arg11[%swap3A_34], %swap3A_37 {strides = array<i32>} : memref<128xi32, #tpu.memory_space<vmem>>, vector<16xi32>,
    %mul3A_38 = arith.constant 256 : i32
    %mul3A_39 = vector.broadcast %mul3A_38 : i32 to vector<16xi32>
    %mul3A_40 = arith.muli %get3A_26, %mul3A_39 : vector<16xi32>
    %add3A_41 = arith.addi %mul3A_40, %get3A_29 : vector<16xi32>
    %swap3A_42 = arith.constant 16 : index
    %swap3A_43 = tpu.vector_load %arg12[%swap3A_42] {strides = array<i32>} : memref<128xi32, #tpu.memory_space<vmem>>, vector<16xi32>,
    %swap3A_44 = vector.shape_cast %swap3A_43 : vector<16xi32> to vector<16xi32>
    %swap3A_45 = vector.shape_cast %add3A_41 : vector<16xi32> to vector<16xi32>
    tpu.vector_store %arg12[%swap3A_42], %swap3A_45 {strides = array<i32>} : memref<128xi32, #tpu.memory_space<vmem>>, vector<16xi32>,
    %get3A_46 = arith.constant 32 : index
    %get3A_47 = tpu.vector_load %arg9[%get3A_46] {strides = array<i32>} : memref<128xi32, #tpu.memory_space<vmem>>, vector<16xi32>,
    %get3A_48 = vector.shape_cast %get3A_47 : vector<16xi32> to vector<16xi32>
    %get3A_49 = arith.constant 32 : index
    %get3A_50 = tpu.vector_load %arg10[%get3A_49] {strides = array<i32>} : memref<128xi32, #tpu.memory_space<vmem>>, vector<16xi32>,
    %get3A_51 = vector.shape_cast %get3A_50 : vector<16xi32> to vector<16xi32>
    %mul3A_52 = arith.constant 256 : i32
    %mul3A_53 = vector.broadcast %mul3A_52 : i32 to vector<16xi32>
    %mul3A_54 = arith.muli %get3A_51, %mul3A_53 : vector<16xi32>
    %add3A_55 = arith.addi %mul3A_54, %get3A_48 : vector<16xi32>
    %swap3A_56 = arith.constant 32 : index
    %swap3A_57 = tpu.vector_load %arg11[%swap3A_56] {strides = array<i32>} : memref<128xi32, #tpu.memory_space<vmem>>, vector<16xi32>,
    %swap3A_58 = vector.shape_cast %swap3A_57 : vector<16xi32> to vector<16xi32>
    %swap3A_59 = vector.shape_cast %add3A_55 : vector<16xi32> to vector<16xi32>
    tpu.vector_store %arg11[%swap3A_56], %swap3A_59 {strides = array<i32>} : memref<128xi32, #tpu.memory_space<vmem>>, vector<16xi32>,
    %mul3A_60 = arith.constant 256 : i32
    %mul3A_61 = vector.broadcast %mul3A_60 : i32 to vector<16xi32>
    %mul3A_62 = arith.muli %get3A_48, %mul3A_61 : vector<16xi32>
    %add3A_63 = arith.addi %mul3A_62, %get3A_51 : vector<16xi32>
    %swap3A_64 = arith.constant 32 : index
    %swap3A_65 = tpu.vector_load %arg12[%swap3A_64] {strides = array<i32>} : memref<128xi32, #tpu.memory_space<vmem>>, vector<16xi32>,
    %swap3A_66 = vector.shape_cast %swap3A_65 : vector<16xi32> to vector<16xi32>
    %swap3A_67 = vector.shape_cast %add3A_63 : vector<16xi32> to vector<16xi32>
    tpu.vector_store %arg12[%swap3A_64], %swap3A_67 {strides = array<i32>} : memref<128xi32, #tpu.memory_space<vmem>>, vector<16xi32>,
    %get3A_68 = arith.constant 48 : index
    %get3A_69 = tpu.vector_load %arg9[%get3A_68] {strides = array<i32>} : memref<128xi32, #tpu.memory_space<vmem>>, vector<16xi32>,
    %get3A_70 = vector.shape_cast %get3A_69 : vector<16xi32> to vector<16xi32>
    %get3A_71 = arith.constant 48 : index
    %get3A_72 = tpu.vector_load %arg10[%get3A_71] {strides = array<i32>} : memref<128xi32, #tpu.memory_space<vmem>>, vector<16xi32>,
    %get3A_73 = vector.shape_cast %get3A_72 : vector<16xi32> to vector<16xi32>
    %mul3A_74 = arith.constant 256 : i32
    %mul3A_75 = vector.broadcast %mul3A_74 : i32 to vector<16xi32>
    %mul3A_76 = arith.muli %get3A_73, %mul3A_75 : vector<16xi32>
    %add3A_77 = arith.addi %mul3A_76, %get3A_70 : vector<16xi32>
    %swap3A_78 = arith.constant 48 : index
    %swap3A_79 = tpu.vector_load %arg11[%swap3A_78] {strides = array<i32>} : memref<128xi32, #tpu.memory_space<vmem>>, vector<16xi32>,
    %swap3A_80 = vector.shape_cast %swap3A_79 : vector<16xi32> to vector<16xi32>
    %swap3A_81 = vector.shape_cast %add3A_77 : vector<16xi32> to vector<16xi32>
    tpu.vector_store %arg11[%swap3A_78], %swap3A_81 {strides = array<i32>} : memref<128xi32, #tpu.memory_space<vmem>>, vector<16xi32>,
    %mul3A_82 = arith.constant 256 : i32
    %mul3A_83 = vector.broadcast %mul3A_82 : i32 to vector<16xi32>
    %mul3A_84 = arith.muli %get3A_70, %mul3A_83 : vector<16xi32>
    %add3A_85 = arith.addi %mul3A_84, %get3A_73 : vector<16xi32>
    %swap3A_86 = arith.constant 48 : index
    %swap3A_87 = tpu.vector_load %arg12[%swap3A_86] {strides = array<i32>} : memref<128xi32, #tpu.memory_space<vmem>>, vector<16xi32>,
    %swap3A_88 = vector.shape_cast %swap3A_87 : vector<16xi32> to vector<16xi32>
    %swap3A_89 = vector.shape_cast %add3A_85 : vector<16xi32> to vector<16xi32>
    tpu.vector_store %arg12[%swap3A_86], %swap3A_89 {strides = array<i32>} : memref<128xi32, #tpu.memory_space<vmem>>, vector<16xi32>,
    %get3A_90 = arith.constant 64 : index
    %get3A_91 = tpu.vector_load %arg9[%get3A_90] {strides = array<i32>} : memref<128xi32, #tpu.memory_space<vmem>>, vector<16xi32>,
    %get3A_92 = vector.shape_cast %get3A_91 : vector<16xi32> to vector<16xi32>
    %get3A_93 = arith.constant 64 : index
    %get3A_94 = tpu.vector_load %arg10[%get3A_93] {strides = array<i32>} : memref<128xi32, #tpu.memory_space<vmem>>, vector<16xi32>,
    %get3A_95 = vector.shape_cast %get3A_94 : vector<16xi32> to vector<16xi32>
    %mul3A_96 = arith.constant 256 : i32
    %mul3A_97 = vector.broadcast %mul3A_96 : i32 to vector<16xi32>
    %mul3A_98 = arith.muli %get3A_95, %mul3A_97 : vector<16xi32>
    %add3A_99 = arith.addi %mul3A_98, %get3A_92 : vector<16xi32>
    %swap3A_100 = arith.constant 64 : index
    %swap3A_101 = tpu.vector_load %arg11[%swap3A_100] {strides = array<i32>} : memref<128xi32, #tpu.memory_space<vmem>>, vector<16xi32>,
    %swap3A_102 = vector.shape_cast %swap3A_101 : vector<16xi32> to vector<16xi32>
    %swap3A_103 = vector.shape_cast %add3A_99 : vector<16xi32> to vector<16xi32>
    tpu.vector_store %arg11[%swap3A_100], %swap3A_103 {strides = array<i32>} : memref<128xi32, #tpu.memory_space<vmem>>, vector<16xi32>,
    %mul3A_104 = arith.constant 256 : i32
    %mul3A_105 = vector.broadcast %mul3A_104 : i32 to vector<16xi32>
    %mul3A_106 = arith.muli %get3A_92, %mul3A_105 : vector<16xi32>
    %add3A_107 = arith.addi %mul3A_106, %get3A_95 : vector<16xi32>
    %swap3A_108 = arith.constant 64 : index
    %swap3A_109 = tpu.vector_load %arg12[%swap3A_108] {strides = array<i32>} : memref<128xi32, #tpu.memory_space<vmem>>, vector<16xi32>,
    %swap3A_110 = vector.shape_cast %swap3A_109 : vector<16xi32> to vector<16xi32>
    %swap3A_111 = vector.shape_cast %add3A_107 : vector<16xi32> to vector<16xi32>
    tpu.vector_store %arg12[%swap3A_108], %swap3A_111 {strides = array<i32>} : memref<128xi32, #tpu.memory_space<vmem>>, vector<16xi32>,
    %get3A_112 = arith.constant 80 : index
    %get3A_113 = tpu.vector_load %arg9[%get3A_112] {strides = array<i32>} : memref<128xi32, #tpu.memory_space<vmem>>, vector<16xi32>,
    %get3A_114 = vector.shape_cast %get3A_113 : vector<16xi32> to vector<16xi32>
    %get3A_115 = arith.constant 80 : index
    %get3A_116 = tpu.vector_load %arg10[%get3A_115] {strides = array<i32>} : memref<128xi32, #tpu.memory_space<vmem>>, vector<16xi32>,
    %get3A_117 = vector.shape_cast %get3A_116 : vector<16xi32> to vector<16xi32>
    %mul3A_118 = arith.constant 256 : i32
    %mul3A_119 = vector.broadcast %mul3A_118 : i32 to vector<16xi32>
    %mul3A_120 = arith.muli %get3A_117, %mul3A_119 : vector<16xi32>
    %add3A_121 = arith.addi %mul3A_120, %get3A_114 : vector<16xi32>
    %swap3A_122 = arith.constant 80 : index
    %swap3A_123 = tpu.vector_load %arg11[%swap3A_122] {strides = array<i32>} : memref<128xi32, #tpu.memory_space<vmem>>, vector<16xi32>,
    %swap3A_124 = vector.shape_cast %swap3A_123 : vector<16xi32> to vector<16xi32>
    %swap3A_125 = vector.shape_cast %add3A_121 : vector<16xi32> to vector<16xi32>
    tpu.vector_store %arg11[%swap3A_122], %swap3A_125 {strides = array<i32>} : memref<128xi32, #tpu.memory_space<vmem>>, vector<16xi32>,
    %mul3A_126 = arith.constant 256 : i32
    %mul3A_127 = vector.broadcast %mul3A_126 : i32 to vector<16xi32>
    %mul3A_128 = arith.muli %get3A_114, %mul3A_127 : vector<16xi32>
    %add3A_129 = arith.addi %mul3A_128, %get3A_117 : vector<16xi32>
    %swap3A_130 = arith.constant 80 : index
    %swap3A_131 = tpu.vector_load %arg12[%swap3A_130] {strides = array<i32>} : memref<128xi32, #tpu.memory_space<vmem>>, vector<16xi32>,
    %swap3A_132 = vector.shape_cast %swap3A_131 : vector<16xi32> to vector<16xi32>
    %swap3A_133 = vector.shape_cast %add3A_129 : vector<16xi32> to vector<16xi32>
    tpu.vector_store %arg12[%swap3A_130], %swap3A_133 {strides = array<i32>} : memref<128xi32, #tpu.memory_space<vmem>>, vector<16xi32>,
    %get3A_134 = arith.constant 96 : index
    %get3A_135 = tpu.vector_load %arg9[%get3A_134] {strides = array<i32>} : memref<128xi32, #tpu.memory_space<vmem>>, vector<16xi32>,
    %get3A_136 = vector.shape_cast %get3A_135 : vector<16xi32> to vector<16xi32>
    %get3A_137 = arith.constant 96 : index
    %get3A_138 = tpu.vector_load %arg10[%get3A_137] {strides = array<i32>} : memref<128xi32, #tpu.memory_space<vmem>>, vector<16xi32>,
    %get3A_139 = vector.shape_cast %get3A_138 : vector<16xi32> to vector<16xi32>
    %mul3A_140 = arith.constant 256 : i32
    %mul3A_141 = vector.broadcast %mul3A_140 : i32 to vector<16xi32>
    %mul3A_142 = arith.muli %get3A_139, %mul3A_141 : vector<16xi32>
    %add3A_143 = arith.addi %mul3A_142, %get3A_136 : vector<16xi32>
    %swap3A_144 = arith.constant 96 : index
    %swap3A_145 = tpu.vector_load %arg11[%swap3A_144] {strides = array<i32>} : memref<128xi32, #tpu.memory_space<vmem>>, vector<16xi32>,
    %swap3A_146 = vector.shape_cast %swap3A_145 : vector<16xi32> to vector<16xi32>
    %swap3A_147 = vector.shape_cast %add3A_143 : vector<16xi32> to vector<16xi32>
    tpu.vector_store %arg11[%swap3A_144], %swap3A_147 {strides = array<i32>} : memref<128xi32, #tpu.memory_space<vmem>>, vector<16xi32>,
    %mul3A_148 = arith.constant 256 : i32
    %mul3A_149 = vector.broadcast %mul3A_148 : i32 to vector<16xi32>
    %mul3A_150 = arith.muli %get3A_136, %mul3A_149 : vector<16xi32>
    %add3A_151 = arith.addi %mul3A_150, %get3A_139 : vector<16xi32>
    %swap3A_152 = arith.constant 96 : index
    %swap3A_153 = tpu.vector_load %arg12[%swap3A_152] {strides = array<i32>} : memref<128xi32, #tpu.memory_space<vmem>>, vector<16xi32>,
    %swap3A_154 = vector.shape_cast %swap3A_153 : vector<16xi32> to vector<16xi32>
    %swap3A_155 = vector.shape_cast %add3A_151 : vector<16xi32> to vector<16xi32>
    tpu.vector_store %arg12[%swap3A_152], %swap3A_155 {strides = array<i32>} : memref<128xi32, #tpu.memory_space<vmem>>, vector<16xi32>,
    %get3A_156 = arith.constant 112 : index
    %get3A_157 = tpu.vector_load %arg9[%get3A_156] {strides = array<i32>} : memref<128xi32, #tpu.memory_space<vmem>>, vector<16xi32>,
    %get3A_158 = vector.shape_cast %get3A_157 : vector<16xi32> to vector<16xi32>
    %get3A_159 = arith.constant 112 : index
    %get3A_160 = tpu.vector_load %arg10[%get3A_159] {strides = array<i32>} : memref<128xi32, #tpu.memory_space<vmem>>, vector<16xi32>,
    %get3A_161 = vector.shape_cast %get3A_160 : vector<16xi32> to vector<16xi32>
    %mul3A_162 = arith.constant 256 : i32
    %mul3A_163 = vector.broadcast %mul3A_162 : i32 to vector<16xi32>
    %mul3A_164 = arith.muli %get3A_161, %mul3A_163 : vector<16xi32>
    %add3A_165 = arith.addi %mul3A_164, %get3A_158 : vector<16xi32>
    %swap3A_166 = arith.constant 112 : index
    %swap3A_167 = tpu.vector_load %arg11[%swap3A_166] {strides = array<i32>} : memref<128xi32, #tpu.memory_space<vmem>>, vector<16xi32>,
    %swap3A_168 = vector.shape_cast %swap3A_167 : vector<16xi32> to vector<16xi32>
    %swap3A_169 = vector.shape_cast %add3A_165 : vector<16xi32> to vector<16xi32>
    tpu.vector_store %arg11[%swap3A_166], %swap3A_169 {strides = array<i32>} : memref<128xi32, #tpu.memory_space<vmem>>, vector<16xi32>,
    %mul3A_170 = arith.constant 256 : i32
    %mul3A_171 = vector.broadcast %mul3A_170 : i32 to vector<16xi32>
    %mul3A_172 = arith.muli %get3A_158, %mul3A_171 : vector<16xi32>
    %add3A_173 = arith.addi %mul3A_172, %get3A_161 : vector<16xi32>
    %swap3A_174 = arith.constant 112 : index
    %swap3A_175 = tpu.vector_load %arg12[%swap3A_174] {strides = array<i32>} : memref<128xi32, #tpu.memory_space<vmem>>, vector<16xi32>,
    %swap3A_176 = vector.shape_cast %swap3A_175 : vector<16xi32> to vector<16xi32>
    %swap3A_177 = vector.shape_cast %add3A_173 : vector<16xi32> to vector<16xi32>
    tpu.vector_store %arg12[%swap3A_174], %swap3A_177 {strides = array<i32>} : memref<128xi32, #tpu.memory_space<vmem>>, vector<16xi32>,
    %dma_start3A = arith.constant 0 : i32
    %dma_start3A_178 = arith.constant 0 : i32
    %dma_start3A_179 = tpu.memref_slice %arg2[%dma_start3A, %dma_start3A_178] : memref<65536x128xf32, #tpu.memory_space<hbm>> -> memref<65536x128xf32, #tpu.memory_space<hbm>>
    tpu.enqueue_indirect_dma source(%dma_start3A_179 : memref<65536x128xf32, #tpu.memory_space<hbm>>) target(%arg13 : memref<128x128xf32, #tpu.memory_space<vmem>>) offsets(%arg11 : memref<128xi32, #tpu.memory_space<vmem>>) semaphore(%arg17 : memref<!tpu.dma_semaphore, #tpu.memory_space<semaphore_mem>>)
    %dma_start3A_180 = arith.constant 0 : i32
    %dma_start3A_181 = arith.constant 0 : i32
    %dma_start3A_182 = tpu.memref_slice %arg2[%dma_start3A_180, %dma_start3A_181] : memref<65536x128xf32, #tpu.memory_space<hbm>> -> memref<65536x128xf32, #tpu.memory_space<hbm>>
    tpu.enqueue_indirect_dma source(%dma_start3A_182 : memref<65536x128xf32, #tpu.memory_space<hbm>>) target(%arg14 : memref<128x128xf32, #tpu.memory_space<vmem>>) offsets(%arg12 : memref<128xi32, #tpu.memory_space<vmem>>) semaphore(%arg17 : memref<!tpu.dma_semaphore, #tpu.memory_space<semaphore_mem>>)
    %dma_start3A_183 = arith.constant 0 : i32
    %dma_start3A_184 = arith.constant 0 : i32
    %dma_start3A_185 = tpu.memref_slice %arg3[%dma_start3A_183, %dma_start3A_184] : memref<256x128xf32, #tpu.memory_space<hbm>> -> memref<256x128xf32, #tpu.memory_space<hbm>>
    tpu.enqueue_indirect_dma source(%dma_start3A_185 : memref<256x128xf32, #tpu.memory_space<hbm>>) target(%arg15 : memref<128x128xf32, #tpu.memory_space<vmem>>) offsets(%arg9 : memref<128xi32, #tpu.memory_space<vmem>>) semaphore(%arg17 : memref<!tpu.dma_semaphore, #tpu.memory_space<semaphore_mem>>)
    %dma_start3A_186 = arith.constant 0 : i32
    %dma_start3A_187 = arith.constant 0 : i32
    %dma_start3A_188 = tpu.memref_slice %arg3[%dma_start3A_186, %dma_start3A_187] : memref<256x128xf32, #tpu.memory_space<hbm>> -> memref<256x128xf32, #tpu.memory_space<hbm>>
    tpu.enqueue_indirect_dma source(%dma_start3A_188 : memref<256x128xf32, #tpu.memory_space<hbm>>) target(%arg16 : memref<128x128xf32, #tpu.memory_space<vmem>>) offsets(%arg10 : memref<128xi32, #tpu.memory_space<vmem>>) semaphore(%arg17 : memref<!tpu.dma_semaphore, #tpu.memory_space<semaphore_mem>>)
    %dma_wait3A = arith.constant 0 : i32
    %dma_wait3A_189 = arith.constant 0 : i32
    %dma_wait3A_190 = tpu.memref_slice %arg2[%dma_wait3A, %dma_wait3A_189] : memref<65536x128xf32, #tpu.memory_space<hbm>> -> memref<65536x128xf32, #tpu.memory_space<hbm>>
    tpu.wait_indirect_dma semaphore(%arg17 : memref<!tpu.dma_semaphore, #tpu.memory_space<semaphore_mem>>) src(%dma_wait3A_190 : memref<65536x128xf32, #tpu.memory_space<hbm>>) dst(%arg13 : memref<128x128xf32, #tpu.memory_space<vmem>>)
    %dma_wait3A_191 = arith.constant 0 : i32
    %dma_wait3A_192 = arith.constant 0 : i32
    %dma_wait3A_193 = tpu.memref_slice %arg2[%dma_wait3A_191, %dma_wait3A_192] : memref<65536x128xf32, #tpu.memory_space<hbm>> -> memref<65536x128xf32, #tpu.memory_space<hbm>>
    tpu.wait_indirect_dma semaphore(%arg17 : memref<!tpu.dma_semaphore, #tpu.memory_space<semaphore_mem>>) src(%dma_wait3A_193 : memref<65536x128xf32, #tpu.memory_space<hbm>>) dst(%arg14 : memref<128x128xf32, #tpu.memory_space<vmem>>)
    %dma_wait3A_194 = arith.constant 0 : i32
    %dma_wait3A_195 = arith.constant 0 : i32
    %dma_wait3A_196 = tpu.memref_slice %arg3[%dma_wait3A_194, %dma_wait3A_195] : memref<256x128xf32, #tpu.memory_space<hbm>> -> memref<256x128xf32, #tpu.memory_space<hbm>>
    tpu.wait_indirect_dma semaphore(%arg17 : memref<!tpu.dma_semaphore, #tpu.memory_space<semaphore_mem>>) src(%dma_wait3A_196 : memref<256x128xf32, #tpu.memory_space<hbm>>) dst(%arg15 : memref<128x128xf32, #tpu.memory_space<vmem>>)
    %dma_wait3A_197 = arith.constant 0 : i32
    %dma_wait3A_198 = arith.constant 0 : i32
    %dma_wait3A_199 = tpu.memref_slice %arg3[%dma_wait3A_197, %dma_wait3A_198] : memref<256x128xf32, #tpu.memory_space<hbm>> -> memref<256x128xf32, #tpu.memory_space<hbm>>
    tpu.wait_indirect_dma semaphore(%arg17 : memref<!tpu.dma_semaphore, #tpu.memory_space<semaphore_mem>>) src(%dma_wait3A_199 : memref<256x128xf32, #tpu.memory_space<hbm>>) dst(%arg16 : memref<128x128xf32, #tpu.memory_space<vmem>>)
    "tpu.region"() ({
      %run_scoped3A_200 = tpu.sem_alloc : memref<!tpu.dma_semaphore, #tpu.memory_space<semaphore_mem>>
      %dma_start3A_201 = arith.constant 0 : i32
      %dma_start3A_202 = tpu.memref_slice %arg5[%mul3A_2, %dma_start3A_201] : memref<4096x128xf32, #tpu.memory_space<hbm>> -> memref<128x128xf32, #tpu.memory_space<hbm>>
      %dma_start3A_203 = arith.constant 0 : i32
      %dma_start3A_204 = tpu.memref_slice %arg5[%mul3A_2, %dma_start3A_203] : memref<4096x128xf32, #tpu.memory_space<hbm>> -> memref<128x128xf32, #tpu.memory_space<hbm>>
      tpu.enqueue_dma source(%arg13 : memref<128x128xf32, #tpu.memory_space<vmem>>) target(%dma_start3A_204 : memref<128x128xf32, #tpu.memory_space<hbm>>) target_semaphore(%run_scoped3A_200 : memref<!tpu.dma_semaphore, #tpu.memory_space<semaphore_mem>>)
      %dma_wait3A_205 = arith.constant 0 : i32
      %dma_wait3A_206 = tpu.memref_slice %arg5[%mul3A_2, %dma_wait3A_205] : memref<4096x128xf32, #tpu.memory_space<hbm>> -> memref<128x128xf32, #tpu.memory_space<hbm>>
      %dma_wait3A_207 = arith.constant 0 : i32
      %dma_wait3A_208 = tpu.memref_slice %arg5[%mul3A_2, %dma_wait3A_207] : memref<4096x128xf32, #tpu.memory_space<hbm>> -> memref<128x128xf32, #tpu.memory_space<hbm>>
      tpu.wait_dma2 semaphore(%run_scoped3A_200 : memref<!tpu.dma_semaphore, #tpu.memory_space<semaphore_mem>>) src(%arg13 : memref<128x128xf32, #tpu.memory_space<vmem>>) dst(%dma_wait3A_208 : memref<128x128xf32, #tpu.memory_space<hbm>>)
      tpu.yield
    }) : () -> ()
    "tpu.region"() ({
      %run_scoped3A_200 = tpu.sem_alloc : memref<!tpu.dma_semaphore, #tpu.memory_space<semaphore_mem>>
      %dma_start3A_201 = arith.constant 0 : i32
      %dma_start3A_202 = tpu.memref_slice %arg6[%mul3A_2, %dma_start3A_201] : memref<4096x128xf32, #tpu.memory_space<hbm>> -> memref<128x128xf32, #tpu.memory_space<hbm>>
      %dma_start3A_203 = arith.constant 0 : i32
      %dma_start3A_204 = tpu.memref_slice %arg6[%mul3A_2, %dma_start3A_203] : memref<4096x128xf32, #tpu.memory_space<hbm>> -> memref<128x128xf32, #tpu.memory_space<hbm>>
      tpu.enqueue_dma source(%arg14 : memref<128x128xf32, #tpu.memory_space<vmem>>) target(%dma_start3A_204 : memref<128x128xf32, #tpu.memory_space<hbm>>) target_semaphore(%run_scoped3A_200 : memref<!tpu.dma_semaphore, #tpu.memory_space<semaphore_mem>>)
      %dma_wait3A_205 = arith.constant 0 : i32
      %dma_wait3A_206 = tpu.memref_slice %arg6[%mul3A_2, %dma_wait3A_205] : memref<4096x128xf32, #tpu.memory_space<hbm>> -> memref<128x128xf32, #tpu.memory_space<hbm>>
      %dma_wait3A_207 = arith.constant 0 : i32
      %dma_wait3A_208 = tpu.memref_slice %arg6[%mul3A_2, %dma_wait3A_207] : memref<4096x128xf32, #tpu.memory_space<hbm>> -> memref<128x128xf32, #tpu.memory_space<hbm>>
      tpu.wait_dma2 semaphore(%run_scoped3A_200 : memref<!tpu.dma_semaphore, #tpu.memory_space<semaphore_mem>>) src(%arg14 : memref<128x128xf32, #tpu.memory_space<vmem>>) dst(%dma_wait3A_208 : memref<128x128xf32, #tpu.memory_space<hbm>>)
      tpu.yield
    }) : () -> ()
    "tpu.region"() ({
      %run_scoped3A_200 = tpu.sem_alloc : memref<!tpu.dma_semaphore, #tpu.memory_space<semaphore_mem>>
      %dma_start3A_201 = arith.constant 0 : i32
      %dma_start3A_202 = tpu.memref_slice %arg7[%mul3A_2, %dma_start3A_201] : memref<4096x128xf32, #tpu.memory_space<hbm>> -> memref<128x128xf32, #tpu.memory_space<hbm>>
      %dma_start3A_203 = arith.constant 0 : i32
      %dma_start3A_204 = tpu.memref_slice %arg7[%mul3A_2, %dma_start3A_203] : memref<4096x128xf32, #tpu.memory_space<hbm>> -> memref<128x128xf32, #tpu.memory_space<hbm>>
      tpu.enqueue_dma source(%arg15 : memref<128x128xf32, #tpu.memory_space<vmem>>) target(%dma_start3A_204 : memref<128x128xf32, #tpu.memory_space<hbm>>) target_semaphore(%run_scoped3A_200 : memref<!tpu.dma_semaphore, #tpu.memory_space<semaphore_mem>>)
      %dma_wait3A_205 = arith.constant 0 : i32
      %dma_wait3A_206 = tpu.memref_slice %arg7[%mul3A_2, %dma_wait3A_205] : memref<4096x128xf32, #tpu.memory_space<hbm>> -> memref<128x128xf32, #tpu.memory_space<hbm>>
      %dma_wait3A_207 = arith.constant 0 : i32
      %dma_wait3A_208 = tpu.memref_slice %arg7[%mul3A_2, %dma_wait3A_207] : memref<4096x128xf32, #tpu.memory_space<hbm>> -> memref<128x128xf32, #tpu.memory_space<hbm>>
      tpu.wait_dma2 semaphore(%run_scoped3A_200 : memref<!tpu.dma_semaphore, #tpu.memory_space<semaphore_mem>>) src(%arg15 : memref<128x128xf32, #tpu.memory_space<vmem>>) dst(%dma_wait3A_208 : memref<128x128xf32, #tpu.memory_space<hbm>>)
      tpu.yield
    }) : () -> ()
    "tpu.region"() ({
      %run_scoped3A_200 = tpu.sem_alloc : memref<!tpu.dma_semaphore, #tpu.memory_space<semaphore_mem>>
      %dma_start3A_201 = arith.constant 0 : i32
      %dma_start3A_202 = tpu.memref_slice %arg8[%mul3A_2, %dma_start3A_201] : memref<4096x128xf32, #tpu.memory_space<hbm>> -> memref<128x128xf32, #tpu.memory_space<hbm>>
      %dma_start3A_203 = arith.constant 0 : i32
      %dma_start3A_204 = tpu.memref_slice %arg8[%mul3A_2, %dma_start3A_203] : memref<4096x128xf32, #tpu.memory_space<hbm>> -> memref<128x128xf32, #tpu.memory_space<hbm>>
      tpu.enqueue_dma source(%arg16 : memref<128x128xf32, #tpu.memory_space<vmem>>) target(%dma_start3A_204 : memref<128x128xf32, #tpu.memory_space<hbm>>) target_semaphore(%run_scoped3A_200 : memref<!tpu.dma_semaphore, #tpu.memory_space<semaphore_mem>>)
      %dma_wait3A_205 = arith.constant 0 : i32
      %dma_wait3A_206 = tpu.memref_slice %arg8[%mul3A_2, %dma_wait3A_205] : memref<4096x128xf32, #tpu.memory_space<hbm>> -> memref<128x128xf32, #tpu.memory_space<hbm>>
      %dma_wait3A_207 = arith.constant 0 : i32
      %dma_wait3A_208 = tpu.memref_slice %arg8[%mul3A_2, %dma_wait3A_207] : memref<4096x128xf32, #tpu.memory_space<hbm>> -> memref<128x128xf32, #tpu.memory_space<hbm>>
      tpu.wait_dma2 semaphore(%run_scoped3A_200 : memref<!tpu.dma_semaphore, #tpu.memory_space<semaphore_mem>>) src(%arg16 : memref<128x128xf32, #tpu.memory_space<vmem>>) dst(%dma_wait3A_208 : memref<128x128xf32, #tpu.memory_space<hbm>>)
      tpu.yield
    }) : () -> ()
    return
  }
}

#map = affine_map<(d0, d1) -> (0, 0)>
module attributes {stable_mosaic.version = 14 : i64} {
  func.func @_gather_body(%arg0: i32, %arg1: i32, %arg2: memref<65536x128xf32, #tpu.memory_space<hbm>>, %arg3: memref<256x128xf32, #tpu.memory_space<hbm>>, %arg4: memref<2x4096xi32, #tpu.memory_space<hbm>>, %arg5: memref<4096x128xf32, #tpu.memory_space<hbm>>, %arg6: memref<4096x128xf32, #tpu.memory_space<hbm>>, %arg7: memref<4096x128xf32, #tpu.memory_space<hbm>>, %arg8: memref<4096x128xf32, #tpu.memory_space<hbm>>, %arg9: memref<128xi32, #tpu.memory_space<vmem>>, %arg10: memref<128xi32, #tpu.memory_space<vmem>>, %arg11: memref<128xi32, #tpu.memory_space<vmem>>, %arg12: memref<128xi32, #tpu.memory_space<vmem>>, %arg13: memref<128x128xf32, #tpu.memory_space<vmem>>, %arg14: memref<128x128xf32, #tpu.memory_space<vmem>>, %arg15: memref<128x128xf32, #tpu.memory_space<vmem>>, %arg16: memref<128x128xf32, #tpu.memory_space<vmem>>, %arg17: memref<!tpu.dma_semaphore, #tpu.memory_space<semaphore_mem>>) attributes {dimension_semantics = [#tpu.dimension_semantics<core_parallel>, #tpu.dimension_semantics<subcore_parallel>], iteration_bounds = array<i64: 2, 16>, scalar_prefetch = 0 : i64, scratch_operands = 9 : i64, tpu.core_type = #tpu.core_type<sc_vector_subcore>, window_params = [{transform_indices = #map}, {transform_indices = #map}, {transform_indices = #map}, {transform_indices = #map}, {transform_indices = #map}, {transform_indices = #map}, {transform_indices = #map}]} {
    %mul3A = arith.constant 2 : i32
    %mul3A_0 = arith.muli %arg1, %mul3A : i32
    %add3A = arith.addi %mul3A_0, %arg0 : i32
    %mul3A_1 = arith.constant 128 : i32
    %mul3A_2 = arith.muli %add3A, %mul3A_1 : i32
    %run_scoped3A = arith.constant 0 : i32
    "tpu.region"() ({
      %run_scoped3A_200 = tpu.sem_alloc : memref<!tpu.dma_semaphore, #tpu.memory_space<semaphore_mem>>
      %dma_start3A_201 = tpu.memref_slice %arg4[%run_scoped3A, %mul3A_2] : memref<2x4096xi32, #tpu.memory_space<hbm>> -> memref<1x128xi32, #tpu.memory_space<hbm>>
      %dma_start3A_202 = tpu.memref_squeeze %dma_start3A_201 : memref<1x128xi32, #tpu.memory_space<hbm>> -> memref<128xi32, #tpu.memory_space<hbm>>
      %dma_start3A_203 = tpu.memref_slice %arg4[%run_scoped3A, %mul3A_2] : memref<2x4096xi32, #tpu.memory_space<hbm>> -> memref<1x128xi32, #tpu.memory_space<hbm>>
      %dma_start3A_204 = tpu.memref_squeeze %dma_start3A_203 : memref<1x128xi32, #tpu.memory_space<hbm>> -> memref<128xi32, #tpu.memory_space<hbm>>
      tpu.enqueue_dma source(%dma_start3A_204 : memref<128xi32, #tpu.memory_space<hbm>>) target(%arg9 : memref<128xi32, #tpu.memory_space<vmem>>) target_semaphore(%run_scoped3A_200 : memref<!tpu.dma_semaphore, #tpu.memory_space<semaphore_mem>>)
      %dma_wait3A_205 = tpu.memref_slice %arg4[%run_scoped3A, %mul3A_2] : memref<2x4096xi32, #tpu.memory_space<hbm>> -> memref<1x128xi32, #tpu.memory_space<hbm>>
      %dma_wait3A_206 = tpu.memref_squeeze %dma_wait3A_205 : memref<1x128xi32, #tpu.memory_space<hbm>> -> memref<128xi32, #tpu.memory_space<hbm>>
      %dma_wait3A_207 = tpu.memref_slice %arg4[%run_scoped3A, %mul3A_2] : memref<2x4096xi32, #tpu.memory_space<hbm>> -> memref<1x128xi32, #tpu.memory_space<hbm>>
      %dma_wait3A_208 = tpu.memref_squeeze %dma_wait3A_207 : memref<1x128xi32, #tpu.memory_space<hbm>> -> memref<128xi32, #tpu.memory_space<hbm>>
      tpu.wait_dma2 semaphore(%run_scoped3A_200 : memref<!tpu.dma_semaphore, #tpu.memory_space<semaphore_mem>>) src(%dma_wait3A_208 : memref<128xi32, #tpu.memory_space<hbm>>) dst(%arg9 : memref<128xi32, #tpu.memory_space<vmem>>)
      tpu.yield
    }) : () -> ()
    %run_scoped3A_3 = arith.constant 1 : i32
    "tpu.region"() ({
      %run_scoped3A_200 = tpu.sem_alloc : memref<!tpu.dma_semaphore, #tpu.memory_space<semaphore_mem>>
      %dma_start3A_201 = tpu.memref_slice %arg4[%run_scoped3A_3, %mul3A_2] : memref<2x4096xi32, #tpu.memory_space<hbm>> -> memref<1x128xi32, #tpu.memory_space<hbm>>
      %dma_start3A_202 = tpu.memref_squeeze %dma_start3A_201 : memref<1x128xi32, #tpu.memory_space<hbm>> -> memref<128xi32, #tpu.memory_space<hbm>>
      %dma_start3A_203 = tpu.memref_slice %arg4[%run_scoped3A_3, %mul3A_2] : memref<2x4096xi32, #tpu.memory_space<hbm>> -> memref<1x128xi32, #tpu.memory_space<hbm>>
      %dma_start3A_204 = tpu.memref_squeeze %dma_start3A_203 : memref<1x128xi32, #tpu.memory_space<hbm>> -> memref<128xi32, #tpu.memory_space<hbm>>
      tpu.enqueue_dma source(%dma_start3A_204 : memref<128xi32, #tpu.memory_space<hbm>>) target(%arg10 : memref<128xi32, #tpu.memory_space<vmem>>) target_semaphore(%run_scoped3A_200 : memref<!tpu.dma_semaphore, #tpu.memory_space<semaphore_mem>>)
      %dma_wait3A_205 = tpu.memref_slice %arg4[%run_scoped3A_3, %mul3A_2] : memref<2x4096xi32, #tpu.memory_space<hbm>> -> memref<1x128xi32, #tpu.memory_space<hbm>>
      %dma_wait3A_206 = tpu.memref_squeeze %dma_wait3A_205 : memref<1x128xi32, #tpu.memory_space<hbm>> -> memref<128xi32, #tpu.memory_space<hbm>>
      %dma_wait3A_207 = tpu.memref_slice %arg4[%run_scoped3A_3, %mul3A_2] : memref<2x4096xi32, #tpu.memory_space<hbm>> -> memref<1x128xi32, #tpu.memory_space<hbm>>
      %dma_wait3A_208 = tpu.memref_squeeze %dma_wait3A_207 : memref<1x128xi32, #tpu.memory_space<hbm>> -> memref<128xi32, #tpu.memory_space<hbm>>
      tpu.wait_dma2 semaphore(%run_scoped3A_200 : memref<!tpu.dma_semaphore, #tpu.memory_space<semaphore_mem>>) src(%dma_wait3A_208 : memref<128xi32, #tpu.memory_space<hbm>>) dst(%arg10 : memref<128xi32, #tpu.memory_space<vmem>>)
      tpu.yield
    }) : () -> ()
    %get3A = arith.constant 0 : index
    %get3A_4 = tpu.vector_load %arg9[%get3A] {strides = array<i32>} : memref<128xi32, #tpu.memory_space<vmem>>, vector<16xi32>,
    %get3A_5 = vector.shape_cast %get3A_4 : vector<16xi32> to vector<16xi32>
    %get3A_6 = arith.constant 0 : index
    %get3A_7 = tpu.vector_load %arg10[%get3A_6] {strides = array<i32>} : memref<128xi32, #tpu.memory_space<vmem>>, vector<16xi32>,
    %get3A_8 = vector.shape_cast %get3A_7 : vector<16xi32> to vector<16xi32>
    %mul3A_9 = arith.constant 256 : i32
    %mul3A_10 = vector.broadcast %mul3A_9 : i32 to vector<16xi32>
    %mul3A_11 = arith.muli %get3A_8, %mul3A_10 : vector<16xi32>
    %add3A_12 = arith.addi %mul3A_11, %get3A_5 : vector<16xi32>
    %swap3A = arith.constant 0 : index
    %swap3A_13 = tpu.vector_load %arg11[%swap3A] {strides = array<i32>} : memref<128xi32, #tpu.memory_space<vmem>>, vector<16xi32>,
    %swap3A_14 = vector.shape_cast %swap3A_13 : vector<16xi32> to vector<16xi32>
    %swap3A_15 = vector.shape_cast %add3A_12 : vector<16xi32> to vector<16xi32>
    tpu.vector_store %arg11[%swap3A], %swap3A_15 {strides = array<i32>} : memref<128xi32, #tpu.memory_space<vmem>>, vector<16xi32>,
    %mul3A_16 = arith.constant 256 : i32
    %mul3A_17 = vector.broadcast %mul3A_16 : i32 to vector<16xi32>
    %mul3A_18 = arith.muli %get3A_5, %mul3A_17 : vector<16xi32>
    %add3A_19 = arith.addi %mul3A_18, %get3A_8 : vector<16xi32>
    %swap3A_20 = arith.constant 0 : index
    %swap3A_21 = tpu.vector_load %arg12[%swap3A_20] {strides = array<i32>} : memref<128xi32, #tpu.memory_space<vmem>>, vector<16xi32>,
    %swap3A_22 = vector.shape_cast %swap3A_21 : vector<16xi32> to vector<16xi32>
    %swap3A_23 = vector.shape_cast %add3A_19 : vector<16xi32> to vector<16xi32>
    tpu.vector_store %arg12[%swap3A_20], %swap3A_23 {strides = array<i32>} : memref<128xi32, #tpu.memory_space<vmem>>, vector<16xi32>,
    %get3A_24 = arith.constant 16 : index
    %get3A_25 = tpu.vector_load %arg9[%get3A_24] {strides = array<i32>} : memref<128xi32, #tpu.memory_space<vmem>>, vector<16xi32>,
    %get3A_26 = vector.shape_cast %get3A_25 : vector<16xi32> to vector<16xi32>
    %get3A_27 = arith.constant 16 : index
    %get3A_28 = tpu.vector_load %arg10[%get3A_27] {strides = array<i32>} : memref<128xi32, #tpu.memory_space<vmem>>, vector<16xi32>,
    %get3A_29 = vector.shape_cast %get3A_28 : vector<16xi32> to vector<16xi32>
    %mul3A_30 = arith.constant 256 : i32
    %mul3A_31 = vector.broadcast %mul3A_30 : i32 to vector<16xi32>
    %mul3A_32 = arith.muli %get3A_29, %mul3A_31 : vector<16xi32>
    %add3A_33 = arith.addi %mul3A_32, %get3A_26 : vector<16xi32>
    %swap3A_34 = arith.constant 16 : index
    %swap3A_35 = tpu.vector_load %arg11[%swap3A_34] {strides = array<i32>} : memref<128xi32, #tpu.memory_space<vmem>>, vector<16xi32>,
    %swap3A_36 = vector.shape_cast %swap3A_35 : vector<16xi32> to vector<16xi32>
    %swap3A_37 = vector.shape_cast %add3A_33 : vector<16xi32> to vector<16xi32>
    tpu.vector_store %arg11[%swap3A_34], %swap3A_37 {strides = array<i32>} : memref<128xi32, #tpu.memory_space<vmem>>, vector<16xi32>,
    %mul3A_38 = arith.constant 256 : i32
    %mul3A_39 = vector.broadcast %mul3A_38 : i32 to vector<16xi32>
    %mul3A_40 = arith.muli %get3A_26, %mul3A_39 : vector<16xi32>
    %add3A_41 = arith.addi %mul3A_40, %get3A_29 : vector<16xi32>
    %swap3A_42 = arith.constant 16 : index
    %swap3A_43 = tpu.vector_load %arg12[%swap3A_42] {strides = array<i32>} : memref<128xi32, #tpu.memory_space<vmem>>, vector<16xi32>,
    %swap3A_44 = vector.shape_cast %swap3A_43 : vector<16xi32> to vector<16xi32>
    %swap3A_45 = vector.shape_cast %add3A_41 : vector<16xi32> to vector<16xi32>
    tpu.vector_store %arg12[%swap3A_42], %swap3A_45 {strides = array<i32>} : memref<128xi32, #tpu.memory_space<vmem>>, vector<16xi32>,
    %get3A_46 = arith.constant 32 : index
    %get3A_47 = tpu.vector_load %arg9[%get3A_46] {strides = array<i32>} : memref<128xi32, #tpu.memory_space<vmem>>, vector<16xi32>,
    %get3A_48 = vector.shape_cast %get3A_47 : vector<16xi32> to vector<16xi32>
    %get3A_49 = arith.constant 32 : index
    %get3A_50 = tpu.vector_load %arg10[%get3A_49] {strides = array<i32>} : memref<128xi32, #tpu.memory_space<vmem>>, vector<16xi32>,
    %get3A_51 = vector.shape_cast %get3A_50 : vector<16xi32> to vector<16xi32>
    %mul3A_52 = arith.constant 256 : i32
    %mul3A_53 = vector.broadcast %mul3A_52 : i32 to vector<16xi32>
    %mul3A_54 = arith.muli %get3A_51, %mul3A_53 : vector<16xi32>
    %add3A_55 = arith.addi %mul3A_54, %get3A_48 : vector<16xi32>
    %swap3A_56 = arith.constant 32 : index
    %swap3A_57 = tpu.vector_load %arg11[%swap3A_56] {strides = array<i32>} : memref<128xi32, #tpu.memory_space<vmem>>, vector<16xi32>,
    %swap3A_58 = vector.shape_cast %swap3A_57 : vector<16xi32> to vector<16xi32>
    %swap3A_59 = vector.shape_cast %add3A_55 : vector<16xi32> to vector<16xi32>
    tpu.vector_store %arg11[%swap3A_56], %swap3A_59 {strides = array<i32>} : memref<128xi32, #tpu.memory_space<vmem>>, vector<16xi32>,
    %mul3A_60 = arith.constant 256 : i32
    %mul3A_61 = vector.broadcast %mul3A_60 : i32 to vector<16xi32>
    %mul3A_62 = arith.muli %get3A_48, %mul3A_61 : vector<16xi32>
    %add3A_63 = arith.addi %mul3A_62, %get3A_51 : vector<16xi32>
    %swap3A_64 = arith.constant 32 : index
    %swap3A_65 = tpu.vector_load %arg12[%swap3A_64] {strides = array<i32>} : memref<128xi32, #tpu.memory_space<vmem>>, vector<16xi32>,
    %swap3A_66 = vector.shape_cast %swap3A_65 : vector<16xi32> to vector<16xi32>
    %swap3A_67 = vector.shape_cast %add3A_63 : vector<16xi32> to vector<16xi32>
    tpu.vector_store %arg12[%swap3A_64], %swap3A_67 {strides = array<i32>} : memref<128xi32, #tpu.memory_space<vmem>>, vector<16xi32>,
    %get3A_68 = arith.constant 48 : index
    %get3A_69 = tpu.vector_load %arg9[%get3A_68] {strides = array<i32>} : memref<128xi32, #tpu.memory_space<vmem>>, vector<16xi32>,
    %get3A_70 = vector.shape_cast %get3A_69 : vector<16xi32> to vector<16xi32>
    %get3A_71 = arith.constant 48 : index
    %get3A_72 = tpu.vector_load %arg10[%get3A_71] {strides = array<i32>} : memref<128xi32, #tpu.memory_space<vmem>>, vector<16xi32>,
    %get3A_73 = vector.shape_cast %get3A_72 : vector<16xi32> to vector<16xi32>
    %mul3A_74 = arith.constant 256 : i32
    %mul3A_75 = vector.broadcast %mul3A_74 : i32 to vector<16xi32>
    %mul3A_76 = arith.muli %get3A_73, %mul3A_75 : vector<16xi32>
    %add3A_77 = arith.addi %mul3A_76, %get3A_70 : vector<16xi32>
    %swap3A_78 = arith.constant 48 : index
    %swap3A_79 = tpu.vector_load %arg11[%swap3A_78] {strides = array<i32>} : memref<128xi32, #tpu.memory_space<vmem>>, vector<16xi32>,
    %swap3A_80 = vector.shape_cast %swap3A_79 : vector<16xi32> to vector<16xi32>
    %swap3A_81 = vector.shape_cast %add3A_77 : vector<16xi32> to vector<16xi32>
    tpu.vector_store %arg11[%swap3A_78], %swap3A_81 {strides = array<i32>} : memref<128xi32, #tpu.memory_space<vmem>>, vector<16xi32>,
    %mul3A_82 = arith.constant 256 : i32
    %mul3A_83 = vector.broadcast %mul3A_82 : i32 to vector<16xi32>
    %mul3A_84 = arith.muli %get3A_70, %mul3A_83 : vector<16xi32>
    %add3A_85 = arith.addi %mul3A_84, %get3A_73 : vector<16xi32>
    %swap3A_86 = arith.constant 48 : index
    %swap3A_87 = tpu.vector_load %arg12[%swap3A_86] {strides = array<i32>} : memref<128xi32, #tpu.memory_space<vmem>>, vector<16xi32>,
    %swap3A_88 = vector.shape_cast %swap3A_87 : vector<16xi32> to vector<16xi32>
    %swap3A_89 = vector.shape_cast %add3A_85 : vector<16xi32> to vector<16xi32>
    tpu.vector_store %arg12[%swap3A_86], %swap3A_89 {strides = array<i32>} : memref<128xi32, #tpu.memory_space<vmem>>, vector<16xi32>,
    %get3A_90 = arith.constant 64 : index
    %get3A_91 = tpu.vector_load %arg9[%get3A_90] {strides = array<i32>} : memref<128xi32, #tpu.memory_space<vmem>>, vector<16xi32>,
    %get3A_92 = vector.shape_cast %get3A_91 : vector<16xi32> to vector<16xi32>
    %get3A_93 = arith.constant 64 : index
    %get3A_94 = tpu.vector_load %arg10[%get3A_93] {strides = array<i32>} : memref<128xi32, #tpu.memory_space<vmem>>, vector<16xi32>,
    %get3A_95 = vector.shape_cast %get3A_94 : vector<16xi32> to vector<16xi32>
    %mul3A_96 = arith.constant 256 : i32
    %mul3A_97 = vector.broadcast %mul3A_96 : i32 to vector<16xi32>
    %mul3A_98 = arith.muli %get3A_95, %mul3A_97 : vector<16xi32>
    %add3A_99 = arith.addi %mul3A_98, %get3A_92 : vector<16xi32>
    %swap3A_100 = arith.constant 64 : index
    %swap3A_101 = tpu.vector_load %arg11[%swap3A_100] {strides = array<i32>} : memref<128xi32, #tpu.memory_space<vmem>>, vector<16xi32>,
    %swap3A_102 = vector.shape_cast %swap3A_101 : vector<16xi32> to vector<16xi32>
    %swap3A_103 = vector.shape_cast %add3A_99 : vector<16xi32> to vector<16xi32>
    tpu.vector_store %arg11[%swap3A_100], %swap3A_103 {strides = array<i32>} : memref<128xi32, #tpu.memory_space<vmem>>, vector<16xi32>,
    %mul3A_104 = arith.constant 256 : i32
    %mul3A_105 = vector.broadcast %mul3A_104 : i32 to vector<16xi32>
    %mul3A_106 = arith.muli %get3A_92, %mul3A_105 : vector<16xi32>
    %add3A_107 = arith.addi %mul3A_106, %get3A_95 : vector<16xi32>
    %swap3A_108 = arith.constant 64 : index
    %swap3A_109 = tpu.vector_load %arg12[%swap3A_108] {strides = array<i32>} : memref<128xi32, #tpu.memory_space<vmem>>, vector<16xi32>,
    %swap3A_110 = vector.shape_cast %swap3A_109 : vector<16xi32> to vector<16xi32>
    %swap3A_111 = vector.shape_cast %add3A_107 : vector<16xi32> to vector<16xi32>
    tpu.vector_store %arg12[%swap3A_108], %swap3A_111 {strides = array<i32>} : memref<128xi32, #tpu.memory_space<vmem>>, vector<16xi32>,
    %get3A_112 = arith.constant 80 : index
    %get3A_113 = tpu.vector_load %arg9[%get3A_112] {strides = array<i32>} : memref<128xi32, #tpu.memory_space<vmem>>, vector<16xi32>,
    %get3A_114 = vector.shape_cast %get3A_113 : vector<16xi32> to vector<16xi32>
    %get3A_115 = arith.constant 80 : index
    %get3A_116 = tpu.vector_load %arg10[%get3A_115] {strides = array<i32>} : memref<128xi32, #tpu.memory_space<vmem>>, vector<16xi32>,
    %get3A_117 = vector.shape_cast %get3A_116 : vector<16xi32> to vector<16xi32>
    %mul3A_118 = arith.constant 256 : i32
    %mul3A_119 = vector.broadcast %mul3A_118 : i32 to vector<16xi32>
    %mul3A_120 = arith.muli %get3A_117, %mul3A_119 : vector<16xi32>
    %add3A_121 = arith.addi %mul3A_120, %get3A_114 : vector<16xi32>
    %swap3A_122 = arith.constant 80 : index
    %swap3A_123 = tpu.vector_load %arg11[%swap3A_122] {strides = array<i32>} : memref<128xi32, #tpu.memory_space<vmem>>, vector<16xi32>,
    %swap3A_124 = vector.shape_cast %swap3A_123 : vector<16xi32> to vector<16xi32>
    %swap3A_125 = vector.shape_cast %add3A_121 : vector<16xi32> to vector<16xi32>
    tpu.vector_store %arg11[%swap3A_122], %swap3A_125 {strides = array<i32>} : memref<128xi32, #tpu.memory_space<vmem>>, vector<16xi32>,
    %mul3A_126 = arith.constant 256 : i32
    %mul3A_127 = vector.broadcast %mul3A_126 : i32 to vector<16xi32>
    %mul3A_128 = arith.muli %get3A_114, %mul3A_127 : vector<16xi32>
    %add3A_129 = arith.addi %mul3A_128, %get3A_117 : vector<16xi32>
    %swap3A_130 = arith.constant 80 : index
    %swap3A_131 = tpu.vector_load %arg12[%swap3A_130] {strides = array<i32>} : memref<128xi32, #tpu.memory_space<vmem>>, vector<16xi32>,
    %swap3A_132 = vector.shape_cast %swap3A_131 : vector<16xi32> to vector<16xi32>
    %swap3A_133 = vector.shape_cast %add3A_129 : vector<16xi32> to vector<16xi32>
    tpu.vector_store %arg12[%swap3A_130], %swap3A_133 {strides = array<i32>} : memref<128xi32, #tpu.memory_space<vmem>>, vector<16xi32>,
    %get3A_134 = arith.constant 96 : index
    %get3A_135 = tpu.vector_load %arg9[%get3A_134] {strides = array<i32>} : memref<128xi32, #tpu.memory_space<vmem>>, vector<16xi32>,
    %get3A_136 = vector.shape_cast %get3A_135 : vector<16xi32> to vector<16xi32>
    %get3A_137 = arith.constant 96 : index
    %get3A_138 = tpu.vector_load %arg10[%get3A_137] {strides = array<i32>} : memref<128xi32, #tpu.memory_space<vmem>>, vector<16xi32>,
    %get3A_139 = vector.shape_cast %get3A_138 : vector<16xi32> to vector<16xi32>
    %mul3A_140 = arith.constant 256 : i32
    %mul3A_141 = vector.broadcast %mul3A_140 : i32 to vector<16xi32>
    %mul3A_142 = arith.muli %get3A_139, %mul3A_141 : vector<16xi32>
    %add3A_143 = arith.addi %mul3A_142, %get3A_136 : vector<16xi32>
    %swap3A_144 = arith.constant 96 : index
    %swap3A_145 = tpu.vector_load %arg11[%swap3A_144] {strides = array<i32>} : memref<128xi32, #tpu.memory_space<vmem>>, vector<16xi32>,
    %swap3A_146 = vector.shape_cast %swap3A_145 : vector<16xi32> to vector<16xi32>
    %swap3A_147 = vector.shape_cast %add3A_143 : vector<16xi32> to vector<16xi32>
    tpu.vector_store %arg11[%swap3A_144], %swap3A_147 {strides = array<i32>} : memref<128xi32, #tpu.memory_space<vmem>>, vector<16xi32>,
    %mul3A_148 = arith.constant 256 : i32
    %mul3A_149 = vector.broadcast %mul3A_148 : i32 to vector<16xi32>
    %mul3A_150 = arith.muli %get3A_136, %mul3A_149 : vector<16xi32>
    %add3A_151 = arith.addi %mul3A_150, %get3A_139 : vector<16xi32>
    %swap3A_152 = arith.constant 96 : index
    %swap3A_153 = tpu.vector_load %arg12[%swap3A_152] {strides = array<i32>} : memref<128xi32, #tpu.memory_space<vmem>>, vector<16xi32>,
    %swap3A_154 = vector.shape_cast %swap3A_153 : vector<16xi32> to vector<16xi32>
    %swap3A_155 = vector.shape_cast %add3A_151 : vector<16xi32> to vector<16xi32>
    tpu.vector_store %arg12[%swap3A_152], %swap3A_155 {strides = array<i32>} : memref<128xi32, #tpu.memory_space<vmem>>, vector<16xi32>,
    %get3A_156 = arith.constant 112 : index
    %get3A_157 = tpu.vector_load %arg9[%get3A_156] {strides = array<i32>} : memref<128xi32, #tpu.memory_space<vmem>>, vector<16xi32>,
    %get3A_158 = vector.shape_cast %get3A_157 : vector<16xi32> to vector<16xi32>
    %get3A_159 = arith.constant 112 : index
    %get3A_160 = tpu.vector_load %arg10[%get3A_159] {strides = array<i32>} : memref<128xi32, #tpu.memory_space<vmem>>, vector<16xi32>,
    %get3A_161 = vector.shape_cast %get3A_160 : vector<16xi32> to vector<16xi32>
    %mul3A_162 = arith.constant 256 : i32
    %mul3A_163 = vector.broadcast %mul3A_162 : i32 to vector<16xi32>
    %mul3A_164 = arith.muli %get3A_161, %mul3A_163 : vector<16xi32>
    %add3A_165 = arith.addi %mul3A_164, %get3A_158 : vector<16xi32>
    %swap3A_166 = arith.constant 112 : index
    %swap3A_167 = tpu.vector_load %arg11[%swap3A_166] {strides = array<i32>} : memref<128xi32, #tpu.memory_space<vmem>>, vector<16xi32>,
    %swap3A_168 = vector.shape_cast %swap3A_167 : vector<16xi32> to vector<16xi32>
    %swap3A_169 = vector.shape_cast %add3A_165 : vector<16xi32> to vector<16xi32>
    tpu.vector_store %arg11[%swap3A_166], %swap3A_169 {strides = array<i32>} : memref<128xi32, #tpu.memory_space<vmem>>, vector<16xi32>,
    %mul3A_170 = arith.constant 256 : i32
    %mul3A_171 = vector.broadcast %mul3A_170 : i32 to vector<16xi32>
    %mul3A_172 = arith.muli %get3A_158, %mul3A_171 : vector<16xi32>
    %add3A_173 = arith.addi %mul3A_172, %get3A_161 : vector<16xi32>
    %swap3A_174 = arith.constant 112 : index
    %swap3A_175 = tpu.vector_load %arg12[%swap3A_174] {strides = array<i32>} : memref<128xi32, #tpu.memory_space<vmem>>, vector<16xi32>,
    %swap3A_176 = vector.shape_cast %swap3A_175 : vector<16xi32> to vector<16xi32>
    %swap3A_177 = vector.shape_cast %add3A_173 : vector<16xi32> to vector<16xi32>
    tpu.vector_store %arg12[%swap3A_174], %swap3A_177 {strides = array<i32>} : memref<128xi32, #tpu.memory_space<vmem>>, vector<16xi32>,
    %dma_start3A = arith.constant 0 : i32
    %dma_start3A_178 = arith.constant 0 : i32
    %dma_start3A_179 = tpu.memref_slice %arg2[%dma_start3A, %dma_start3A_178] : memref<65536x128xf32, #tpu.memory_space<hbm>> -> memref<65536x128xf32, #tpu.memory_space<hbm>>
    tpu.enqueue_indirect_dma source(%dma_start3A_179 : memref<65536x128xf32, #tpu.memory_space<hbm>>) target(%arg13 : memref<128x128xf32, #tpu.memory_space<vmem>>) offsets(%arg11 : memref<128xi32, #tpu.memory_space<vmem>>) semaphore(%arg17 : memref<!tpu.dma_semaphore, #tpu.memory_space<semaphore_mem>>)
    %dma_start3A_180 = arith.constant 0 : i32
    %dma_start3A_181 = arith.constant 0 : i32
    %dma_start3A_182 = tpu.memref_slice %arg2[%dma_start3A_180, %dma_start3A_181] : memref<65536x128xf32, #tpu.memory_space<hbm>> -> memref<65536x128xf32, #tpu.memory_space<hbm>>
    tpu.enqueue_indirect_dma source(%dma_start3A_182 : memref<65536x128xf32, #tpu.memory_space<hbm>>) target(%arg14 : memref<128x128xf32, #tpu.memory_space<vmem>>) offsets(%arg12 : memref<128xi32, #tpu.memory_space<vmem>>) semaphore(%arg17 : memref<!tpu.dma_semaphore, #tpu.memory_space<semaphore_mem>>)
    %dma_start3A_183 = arith.constant 0 : i32
    %dma_start3A_184 = arith.constant 0 : i32
    %dma_start3A_185 = tpu.memref_slice %arg3[%dma_start3A_183, %dma_start3A_184] : memref<256x128xf32, #tpu.memory_space<hbm>> -> memref<256x128xf32, #tpu.memory_space<hbm>>
    tpu.enqueue_indirect_dma source(%dma_start3A_185 : memref<256x128xf32, #tpu.memory_space<hbm>>) target(%arg15 : memref<128x128xf32, #tpu.memory_space<vmem>>) offsets(%arg9 : memref<128xi32, #tpu.memory_space<vmem>>) semaphore(%arg17 : memref<!tpu.dma_semaphore, #tpu.memory_space<semaphore_mem>>)
    %dma_start3A_186 = arith.constant 0 : i32
    %dma_start3A_187 = arith.constant 0 : i32
    %dma_start3A_188 = tpu.memref_slice %arg3[%dma_start3A_186, %dma_start3A_187] : memref<256x128xf32, #tpu.memory_space<hbm>> -> memref<256x128xf32, #tpu.memory_space<hbm>>
    tpu.enqueue_indirect_dma source(%dma_start3A_188 : memref<256x128xf32, #tpu.memory_space<hbm>>) target(%arg16 : memref<128x128xf32, #tpu.memory_space<vmem>>) offsets(%arg10 : memref<128xi32, #tpu.memory_space<vmem>>) semaphore(%arg17 : memref<!tpu.dma_semaphore, #tpu.memory_space<semaphore_mem>>)
    %dma_wait3A = arith.constant 0 : i32
    %dma_wait3A_189 = arith.constant 0 : i32
    %dma_wait3A_190 = tpu.memref_slice %arg2[%dma_wait3A, %dma_wait3A_189] : memref<65536x128xf32, #tpu.memory_space<hbm>> -> memref<65536x128xf32, #tpu.memory_space<hbm>>
    tpu.wait_indirect_dma semaphore(%arg17 : memref<!tpu.dma_semaphore, #tpu.memory_space<semaphore_mem>>) src(%dma_wait3A_190 : memref<65536x128xf32, #tpu.memory_space<hbm>>) dst(%arg13 : memref<128x128xf32, #tpu.memory_space<vmem>>)
    %dma_wait3A_191 = arith.constant 0 : i32
    %dma_wait3A_192 = arith.constant 0 : i32
    %dma_wait3A_193 = tpu.memref_slice %arg2[%dma_wait3A_191, %dma_wait3A_192] : memref<65536x128xf32, #tpu.memory_space<hbm>> -> memref<65536x128xf32, #tpu.memory_space<hbm>>
    tpu.wait_indirect_dma semaphore(%arg17 : memref<!tpu.dma_semaphore, #tpu.memory_space<semaphore_mem>>) src(%dma_wait3A_193 : memref<65536x128xf32, #tpu.memory_space<hbm>>) dst(%arg14 : memref<128x128xf32, #tpu.memory_space<vmem>>)
    %dma_wait3A_194 = arith.constant 0 : i32
    %dma_wait3A_195 = arith.constant 0 : i32
    %dma_wait3A_196 = tpu.memref_slice %arg3[%dma_wait3A_194, %dma_wait3A_195] : memref<256x128xf32, #tpu.memory_space<hbm>> -> memref<256x128xf32, #tpu.memory_space<hbm>>
    tpu.wait_indirect_dma semaphore(%arg17 : memref<!tpu.dma_semaphore, #tpu.memory_space<semaphore_mem>>) src(%dma_wait3A_196 : memref<256x128xf32, #tpu.memory_space<hbm>>) dst(%arg15 : memref<128x128xf32, #tpu.memory_space<vmem>>)
    %dma_wait3A_197 = arith.constant 0 : i32
    %dma_wait3A_198 = arith.constant 0 : i32
    %dma_wait3A_199 = tpu.memref_slice %arg3[%dma_wait3A_197, %dma_wait3A_198] : memref<256x128xf32, #tpu.memory_space<hbm>> -> memref<256x128xf32, #tpu.memory_space<hbm>>
    tpu.wait_indirect_dma semaphore(%arg17 : memref<!tpu.dma_semaphore, #tpu.memory_space<semaphore_mem>>) src(%dma_wait3A_199 : memref<256x128xf32, #tpu.memory_space<hbm>>) dst(%arg16 : memref<128x128xf32, #tpu.memory_space<vmem>>)
    "tpu.region"() ({
      %run_scoped3A_200 = tpu.sem_alloc : memref<!tpu.dma_semaphore, #tpu.memory_space<semaphore_mem>>
      %dma_start3A_201 = arith.constant 0 : i32
      %dma_start3A_202 = tpu.memref_slice %arg5[%mul3A_2, %dma_start3A_201] : memref<4096x128xf32, #tpu.memory_space<hbm>> -> memref<128x128xf32, #tpu.memory_space<hbm>>
      %dma_start3A_203 = arith.constant 0 : i32
      %dma_start3A_204 = tpu.memref_slice %arg5[%mul3A_2, %dma_start3A_203] : memref<4096x128xf32, #tpu.memory_space<hbm>> -> memref<128x128xf32, #tpu.memory_space<hbm>>
      tpu.enqueue_dma source(%arg13 : memref<128x128xf32, #tpu.memory_space<vmem>>) target(%dma_start3A_204 : memref<128x128xf32, #tpu.memory_space<hbm>>) target_semaphore(%run_scoped3A_200 : memref<!tpu.dma_semaphore, #tpu.memory_space<semaphore_mem>>)
      %dma_wait3A_205 = arith.constant 0 : i32
      %dma_wait3A_206 = tpu.memref_slice %arg5[%mul3A_2, %dma_wait3A_205] : memref<4096x128xf32, #tpu.memory_space<hbm>> -> memref<128x128xf32, #tpu.memory_space<hbm>>
      %dma_wait3A_207 = arith.constant 0 : i32
      %dma_wait3A_208 = tpu.memref_slice %arg5[%mul3A_2, %dma_wait3A_207] : memref<4096x128xf32, #tpu.memory_space<hbm>> -> memref<128x128xf32, #tpu.memory_space<hbm>>
      tpu.wait_dma2 semaphore(%run_scoped3A_200 : memref<!tpu.dma_semaphore, #tpu.memory_space<semaphore_mem>>) src(%arg13 : memref<128x128xf32, #tpu.memory_space<vmem>>) dst(%dma_wait3A_208 : memref<128x128xf32, #tpu.memory_space<hbm>>)
      tpu.yield
    }) : () -> ()
    "tpu.region"() ({
      %run_scoped3A_200 = tpu.sem_alloc : memref<!tpu.dma_semaphore, #tpu.memory_space<semaphore_mem>>
      %dma_start3A_201 = arith.constant 0 : i32
      %dma_start3A_202 = tpu.memref_slice %arg6[%mul3A_2, %dma_start3A_201] : memref<4096x128xf32, #tpu.memory_space<hbm>> -> memref<128x128xf32, #tpu.memory_space<hbm>>
      %dma_start3A_203 = arith.constant 0 : i32
      %dma_start3A_204 = tpu.memref_slice %arg6[%mul3A_2, %dma_start3A_203] : memref<4096x128xf32, #tpu.memory_space<hbm>> -> memref<128x128xf32, #tpu.memory_space<hbm>>
      tpu.enqueue_dma source(%arg14 : memref<128x128xf32, #tpu.memory_space<vmem>>) target(%dma_start3A_204 : memref<128x128xf32, #tpu.memory_space<hbm>>) target_semaphore(%run_scoped3A_200 : memref<!tpu.dma_semaphore, #tpu.memory_space<semaphore_mem>>)
      %dma_wait3A_205 = arith.constant 0 : i32
      %dma_wait3A_206 = tpu.memref_slice %arg6[%mul3A_2, %dma_wait3A_205] : memref<4096x128xf32, #tpu.memory_space<hbm>> -> memref<128x128xf32, #tpu.memory_space<hbm>>
      %dma_wait3A_207 = arith.constant 0 : i32
      %dma_wait3A_208 = tpu.memref_slice %arg6[%mul3A_2, %dma_wait3A_207] : memref<4096x128xf32, #tpu.memory_space<hbm>> -> memref<128x128xf32, #tpu.memory_space<hbm>>
      tpu.wait_dma2 semaphore(%run_scoped3A_200 : memref<!tpu.dma_semaphore, #tpu.memory_space<semaphore_mem>>) src(%arg14 : memref<128x128xf32, #tpu.memory_space<vmem>>) dst(%dma_wait3A_208 : memref<128x128xf32, #tpu.memory_space<hbm>>)
      tpu.yield
    }) : () -> ()
    "tpu.region"() ({
      %run_scoped3A_200 = tpu.sem_alloc : memref<!tpu.dma_semaphore, #tpu.memory_space<semaphore_mem>>
      %dma_start3A_201 = arith.constant 0 : i32
      %dma_start3A_202 = tpu.memref_slice %arg7[%mul3A_2, %dma_start3A_201] : memref<4096x128xf32, #tpu.memory_space<hbm>> -> memref<128x128xf32, #tpu.memory_space<hbm>>
      %dma_start3A_203 = arith.constant 0 : i32
      %dma_start3A_204 = tpu.memref_slice %arg7[%mul3A_2, %dma_start3A_203] : memref<4096x128xf32, #tpu.memory_space<hbm>> -> memref<128x128xf32, #tpu.memory_space<hbm>>
      tpu.enqueue_dma source(%arg15 : memref<128x128xf32, #tpu.memory_space<vmem>>) target(%dma_start3A_204 : memref<128x128xf32, #tpu.memory_space<hbm>>) target_semaphore(%run_scoped3A_200 : memref<!tpu.dma_semaphore, #tpu.memory_space<semaphore_mem>>)
      %dma_wait3A_205 = arith.constant 0 : i32
      %dma_wait3A_206 = tpu.memref_slice %arg7[%mul3A_2, %dma_wait3A_205] : memref<4096x128xf32, #tpu.memory_space<hbm>> -> memref<128x128xf32, #tpu.memory_space<hbm>>
      %dma_wait3A_207 = arith.constant 0 : i32
      %dma_wait3A_208 = tpu.memref_slice %arg7[%mul3A_2, %dma_wait3A_207] : memref<4096x128xf32, #tpu.memory_space<hbm>> -> memref<128x128xf32, #tpu.memory_space<hbm>>
      tpu.wait_dma2 semaphore(%run_scoped3A_200 : memref<!tpu.dma_semaphore, #tpu.memory_space<semaphore_mem>>) src(%arg15 : memref<128x128xf32, #tpu.memory_space<vmem>>) dst(%dma_wait3A_208 : memref<128x128xf32, #tpu.memory_space<hbm>>)
      tpu.yield
    }) : () -> ()
    "tpu.region"() ({
      %run_scoped3A_200 = tpu.sem_alloc : memref<!tpu.dma_semaphore, #tpu.memory_space<semaphore_mem>>
      %dma_start3A_201 = arith.constant 0 : i32
      %dma_start3A_202 = tpu.memref_slice %arg8[%mul3A_2, %dma_start3A_201] : memref<4096x128xf32, #tpu.memory_space<hbm>> -> memref<128x128xf32, #tpu.memory_space<hbm>>
      %dma_start3A_203 = arith.constant 0 : i32
      %dma_start3A_204 = tpu.memref_slice %arg8[%mul3A_2, %dma_start3A_203] : memref<4096x128xf32, #tpu.memory_space<hbm>> -> memref<128x128xf32, #tpu.memory_space<hbm>>
      tpu.enqueue_dma source(%arg16 : memref<128x128xf32, #tpu.memory_space<vmem>>) target(%dma_start3A_204 : memref<128x128xf32, #tpu.memory_space<hbm>>) target_semaphore(%run_scoped3A_200 : memref<!tpu.dma_semaphore, #tpu.memory_space<semaphore_mem>>)
      %dma_wait3A_205 = arith.constant 0 : i32
      %dma_wait3A_206 = tpu.memref_slice %arg8[%mul3A_2, %dma_wait3A_205] : memref<4096x128xf32, #tpu.memory_space<hbm>> -> memref<128x128xf32, #tpu.memory_space<hbm>>
      %dma_wait3A_207 = arith.constant 0 : i32
      %dma_wait3A_208 = tpu.memref_slice %arg8[%mul3A_2, %dma_wait3A_207] : memref<4096x128xf32, #tpu.memory_space<hbm>> -> memref<128x128xf32, #tpu.memory_space<hbm>>
      tpu.wait_dma2 semaphore(%run_scoped3A_200 : memref<!tpu.dma_semaphore, #tpu.memory_space<semaphore_mem>>) src(%arg16 : memref<128x128xf32, #tpu.memory_space<vmem>>) dst(%dma_wait3A_208 : memref<128x128xf32, #tpu.memory_space<hbm>>)
      tpu.yield
    }) : () -> ()
    return
  }
}

#map = affine_map<(d0, d1) -> (0, 0)>
module attributes {stable_mosaic.version = 14 : i64} {
  func.func @new_body(%arg0: i32, %arg1: i32, %arg2: memref<4096x128xf32, #tpu.memory_space<hbm>>, %arg3: memref<2x4096xi32, #tpu.memory_space<hbm>>, %arg4: memref<65536x128xf32, #tpu.memory_space<hbm>>, %arg5: memref<65536x128xf32, #tpu.memory_space<hbm>>, %arg6: memref<128xi32, #tpu.memory_space<vmem>>, %arg7: memref<128xi32, #tpu.memory_space<vmem>>, %arg8: memref<128xi32, #tpu.memory_space<vmem>>, %arg9: memref<128x128xf32, #tpu.memory_space<vmem>>, %arg10: memref<!tpu.dma_semaphore, #tpu.memory_space<semaphore_mem>>) attributes {dimension_semantics = [#tpu.dimension_semantics<core_parallel>, #tpu.dimension_semantics<subcore_parallel>], iteration_bounds = array<i64: 2, 16>, scalar_prefetch = 0 : i64, scratch_operands = 5 : i64, tpu.core_type = #tpu.core_type<sc_vector_subcore>, window_params = [{transform_indices = #map}, {transform_indices = #map}, {transform_indices = #map}, {transform_indices = #map}]} {
    %mul3A = arith.constant 2 : i32
    %mul3A_0 = arith.muli %arg1, %mul3A : i32
    %add3A = arith.addi %mul3A_0, %arg0 : i32
    %mul3A_1 = arith.constant 128 : i32
    %mul3A_2 = arith.muli %add3A, %mul3A_1 : i32
    %run_scoped3A = arith.constant 0 : i32
    "tpu.region"() ({
      %run_scoped3A_118 = tpu.sem_alloc : memref<!tpu.dma_semaphore, #tpu.memory_space<semaphore_mem>>
      %dma_start3A_119 = tpu.memref_slice %arg3[%run_scoped3A, %mul3A_2] : memref<2x4096xi32, #tpu.memory_space<hbm>> -> memref<1x128xi32, #tpu.memory_space<hbm>>
      %dma_start3A_120 = tpu.memref_squeeze %dma_start3A_119 : memref<1x128xi32, #tpu.memory_space<hbm>> -> memref<128xi32, #tpu.memory_space<hbm>>
      %dma_start3A_121 = tpu.memref_slice %arg3[%run_scoped3A, %mul3A_2] : memref<2x4096xi32, #tpu.memory_space<hbm>> -> memref<1x128xi32, #tpu.memory_space<hbm>>
      %dma_start3A_122 = tpu.memref_squeeze %dma_start3A_121 : memref<1x128xi32, #tpu.memory_space<hbm>> -> memref<128xi32, #tpu.memory_space<hbm>>
      tpu.enqueue_dma source(%dma_start3A_122 : memref<128xi32, #tpu.memory_space<hbm>>) target(%arg6 : memref<128xi32, #tpu.memory_space<vmem>>) target_semaphore(%run_scoped3A_118 : memref<!tpu.dma_semaphore, #tpu.memory_space<semaphore_mem>>)
      %dma_wait3A_123 = tpu.memref_slice %arg3[%run_scoped3A, %mul3A_2] : memref<2x4096xi32, #tpu.memory_space<hbm>> -> memref<1x128xi32, #tpu.memory_space<hbm>>
      %dma_wait3A_124 = tpu.memref_squeeze %dma_wait3A_123 : memref<1x128xi32, #tpu.memory_space<hbm>> -> memref<128xi32, #tpu.memory_space<hbm>>
      %dma_wait3A_125 = tpu.memref_slice %arg3[%run_scoped3A, %mul3A_2] : memref<2x4096xi32, #tpu.memory_space<hbm>> -> memref<1x128xi32, #tpu.memory_space<hbm>>
      %dma_wait3A_126 = tpu.memref_squeeze %dma_wait3A_125 : memref<1x128xi32, #tpu.memory_space<hbm>> -> memref<128xi32, #tpu.memory_space<hbm>>
      tpu.wait_dma2 semaphore(%run_scoped3A_118 : memref<!tpu.dma_semaphore, #tpu.memory_space<semaphore_mem>>) src(%dma_wait3A_126 : memref<128xi32, #tpu.memory_space<hbm>>) dst(%arg6 : memref<128xi32, #tpu.memory_space<vmem>>)
      tpu.yield
    }) : () -> ()
    %run_scoped3A_3 = arith.constant 1 : i32
    "tpu.region"() ({
      %run_scoped3A_118 = tpu.sem_alloc : memref<!tpu.dma_semaphore, #tpu.memory_space<semaphore_mem>>
      %dma_start3A_119 = tpu.memref_slice %arg3[%run_scoped3A_3, %mul3A_2] : memref<2x4096xi32, #tpu.memory_space<hbm>> -> memref<1x128xi32, #tpu.memory_space<hbm>>
      %dma_start3A_120 = tpu.memref_squeeze %dma_start3A_119 : memref<1x128xi32, #tpu.memory_space<hbm>> -> memref<128xi32, #tpu.memory_space<hbm>>
      %dma_start3A_121 = tpu.memref_slice %arg3[%run_scoped3A_3, %mul3A_2] : memref<2x4096xi32, #tpu.memory_space<hbm>> -> memref<1x128xi32, #tpu.memory_space<hbm>>
      %dma_start3A_122 = tpu.memref_squeeze %dma_start3A_121 : memref<1x128xi32, #tpu.memory_space<hbm>> -> memref<128xi32, #tpu.memory_space<hbm>>
      tpu.enqueue_dma source(%dma_start3A_122 : memref<128xi32, #tpu.memory_space<hbm>>) target(%arg7 : memref<128xi32, #tpu.memory_space<vmem>>) target_semaphore(%run_scoped3A_118 : memref<!tpu.dma_semaphore, #tpu.memory_space<semaphore_mem>>)
      %dma_wait3A_123 = tpu.memref_slice %arg3[%run_scoped3A_3, %mul3A_2] : memref<2x4096xi32, #tpu.memory_space<hbm>> -> memref<1x128xi32, #tpu.memory_space<hbm>>
      %dma_wait3A_124 = tpu.memref_squeeze %dma_wait3A_123 : memref<1x128xi32, #tpu.memory_space<hbm>> -> memref<128xi32, #tpu.memory_space<hbm>>
      %dma_wait3A_125 = tpu.memref_slice %arg3[%run_scoped3A_3, %mul3A_2] : memref<2x4096xi32, #tpu.memory_space<hbm>> -> memref<1x128xi32, #tpu.memory_space<hbm>>
      %dma_wait3A_126 = tpu.memref_squeeze %dma_wait3A_125 : memref<1x128xi32, #tpu.memory_space<hbm>> -> memref<128xi32, #tpu.memory_space<hbm>>
      tpu.wait_dma2 semaphore(%run_scoped3A_118 : memref<!tpu.dma_semaphore, #tpu.memory_space<semaphore_mem>>) src(%dma_wait3A_126 : memref<128xi32, #tpu.memory_space<hbm>>) dst(%arg7 : memref<128xi32, #tpu.memory_space<vmem>>)
      tpu.yield
    }) : () -> ()
    %get3A = arith.constant 0 : index
    %get3A_4 = tpu.vector_load %arg7[%get3A] {strides = array<i32>} : memref<128xi32, #tpu.memory_space<vmem>>, vector<16xi32>,
    %get3A_5 = vector.shape_cast %get3A_4 : vector<16xi32> to vector<16xi32>
    %mul3A_6 = arith.constant 256 : i32
    %mul3A_7 = vector.broadcast %mul3A_6 : i32 to vector<16xi32>
    %mul3A_8 = arith.muli %get3A_5, %mul3A_7 : vector<16xi32>
    %get3A_9 = arith.constant 0 : index
    %get3A_10 = tpu.vector_load %arg6[%get3A_9] {strides = array<i32>} : memref<128xi32, #tpu.memory_space<vmem>>, vector<16xi32>,
    %get3A_11 = vector.shape_cast %get3A_10 : vector<16xi32> to vector<16xi32>
    %add3A_12 = arith.addi %mul3A_8, %get3A_11 : vector<16xi32>
    %swap3A = arith.constant 0 : index
    %swap3A_13 = tpu.vector_load %arg8[%swap3A] {strides = array<i32>} : memref<128xi32, #tpu.memory_space<vmem>>, vector<16xi32>,
    %swap3A_14 = vector.shape_cast %swap3A_13 : vector<16xi32> to vector<16xi32>
    %swap3A_15 = vector.shape_cast %add3A_12 : vector<16xi32> to vector<16xi32>
    tpu.vector_store %arg8[%swap3A], %swap3A_15 {strides = array<i32>} : memref<128xi32, #tpu.memory_space<vmem>>, vector<16xi32>,
    %get3A_16 = arith.constant 16 : index
    %get3A_17 = tpu.vector_load %arg7[%get3A_16] {strides = array<i32>} : memref<128xi32, #tpu.memory_space<vmem>>, vector<16xi32>,
    %get3A_18 = vector.shape_cast %get3A_17 : vector<16xi32> to vector<16xi32>
    %mul3A_19 = arith.constant 256 : i32
    %mul3A_20 = vector.broadcast %mul3A_19 : i32 to vector<16xi32>
    %mul3A_21 = arith.muli %get3A_18, %mul3A_20 : vector<16xi32>
    %get3A_22 = arith.constant 16 : index
    %get3A_23 = tpu.vector_load %arg6[%get3A_22] {strides = array<i32>} : memref<128xi32, #tpu.memory_space<vmem>>, vector<16xi32>,
    %get3A_24 = vector.shape_cast %get3A_23 : vector<16xi32> to vector<16xi32>
    %add3A_25 = arith.addi %mul3A_21, %get3A_24 : vector<16xi32>
    %swap3A_26 = arith.constant 16 : index
    %swap3A_27 = tpu.vector_load %arg8[%swap3A_26] {strides = array<i32>} : memref<128xi32, #tpu.memory_space<vmem>>, vector<16xi32>,
    %swap3A_28 = vector.shape_cast %swap3A_27 : vector<16xi32> to vector<16xi32>
    %swap3A_29 = vector.shape_cast %add3A_25 : vector<16xi32> to vector<16xi32>
    tpu.vector_store %arg8[%swap3A_26], %swap3A_29 {strides = array<i32>} : memref<128xi32, #tpu.memory_space<vmem>>, vector<16xi32>,
    %get3A_30 = arith.constant 32 : index
    %get3A_31 = tpu.vector_load %arg7[%get3A_30] {strides = array<i32>} : memref<128xi32, #tpu.memory_space<vmem>>, vector<16xi32>,
    %get3A_32 = vector.shape_cast %get3A_31 : vector<16xi32> to vector<16xi32>
    %mul3A_33 = arith.constant 256 : i32
    %mul3A_34 = vector.broadcast %mul3A_33 : i32 to vector<16xi32>
    %mul3A_35 = arith.muli %get3A_32, %mul3A_34 : vector<16xi32>
    %get3A_36 = arith.constant 32 : index
    %get3A_37 = tpu.vector_load %arg6[%get3A_36] {strides = array<i32>} : memref<128xi32, #tpu.memory_space<vmem>>, vector<16xi32>,
    %get3A_38 = vector.shape_cast %get3A_37 : vector<16xi32> to vector<16xi32>
    %add3A_39 = arith.addi %mul3A_35, %get3A_38 : vector<16xi32>
    %swap3A_40 = arith.constant 32 : index
    %swap3A_41 = tpu.vector_load %arg8[%swap3A_40] {strides = array<i32>} : memref<128xi32, #tpu.memory_space<vmem>>, vector<16xi32>,
    %swap3A_42 = vector.shape_cast %swap3A_41 : vector<16xi32> to vector<16xi32>
    %swap3A_43 = vector.shape_cast %add3A_39 : vector<16xi32> to vector<16xi32>
    tpu.vector_store %arg8[%swap3A_40], %swap3A_43 {strides = array<i32>} : memref<128xi32, #tpu.memory_space<vmem>>, vector<16xi32>,
    %get3A_44 = arith.constant 48 : index
    %get3A_45 = tpu.vector_load %arg7[%get3A_44] {strides = array<i32>} : memref<128xi32, #tpu.memory_space<vmem>>, vector<16xi32>,
    %get3A_46 = vector.shape_cast %get3A_45 : vector<16xi32> to vector<16xi32>
    %mul3A_47 = arith.constant 256 : i32
    %mul3A_48 = vector.broadcast %mul3A_47 : i32 to vector<16xi32>
    %mul3A_49 = arith.muli %get3A_46, %mul3A_48 : vector<16xi32>
    %get3A_50 = arith.constant 48 : index
    %get3A_51 = tpu.vector_load %arg6[%get3A_50] {strides = array<i32>} : memref<128xi32, #tpu.memory_space<vmem>>, vector<16xi32>,
    %get3A_52 = vector.shape_cast %get3A_51 : vector<16xi32> to vector<16xi32>
    %add3A_53 = arith.addi %mul3A_49, %get3A_52 : vector<16xi32>
    %swap3A_54 = arith.constant 48 : index
    %swap3A_55 = tpu.vector_load %arg8[%swap3A_54] {strides = array<i32>} : memref<128xi32, #tpu.memory_space<vmem>>, vector<16xi32>,
    %swap3A_56 = vector.shape_cast %swap3A_55 : vector<16xi32> to vector<16xi32>
    %swap3A_57 = vector.shape_cast %add3A_53 : vector<16xi32> to vector<16xi32>
    tpu.vector_store %arg8[%swap3A_54], %swap3A_57 {strides = array<i32>} : memref<128xi32, #tpu.memory_space<vmem>>, vector<16xi32>,
    %get3A_58 = arith.constant 64 : index
    %get3A_59 = tpu.vector_load %arg7[%get3A_58] {strides = array<i32>} : memref<128xi32, #tpu.memory_space<vmem>>, vector<16xi32>,
    %get3A_60 = vector.shape_cast %get3A_59 : vector<16xi32> to vector<16xi32>
    %mul3A_61 = arith.constant 256 : i32
    %mul3A_62 = vector.broadcast %mul3A_61 : i32 to vector<16xi32>
    %mul3A_63 = arith.muli %get3A_60, %mul3A_62 : vector<16xi32>
    %get3A_64 = arith.constant 64 : index
    %get3A_65 = tpu.vector_load %arg6[%get3A_64] {strides = array<i32>} : memref<128xi32, #tpu.memory_space<vmem>>, vector<16xi32>,
    %get3A_66 = vector.shape_cast %get3A_65 : vector<16xi32> to vector<16xi32>
    %add3A_67 = arith.addi %mul3A_63, %get3A_66 : vector<16xi32>
    %swap3A_68 = arith.constant 64 : index
    %swap3A_69 = tpu.vector_load %arg8[%swap3A_68] {strides = array<i32>} : memref<128xi32, #tpu.memory_space<vmem>>, vector<16xi32>,
    %swap3A_70 = vector.shape_cast %swap3A_69 : vector<16xi32> to vector<16xi32>
    %swap3A_71 = vector.shape_cast %add3A_67 : vector<16xi32> to vector<16xi32>
    tpu.vector_store %arg8[%swap3A_68], %swap3A_71 {strides = array<i32>} : memref<128xi32, #tpu.memory_space<vmem>>, vector<16xi32>,
    %get3A_72 = arith.constant 80 : index
    %get3A_73 = tpu.vector_load %arg7[%get3A_72] {strides = array<i32>} : memref<128xi32, #tpu.memory_space<vmem>>, vector<16xi32>,
    %get3A_74 = vector.shape_cast %get3A_73 : vector<16xi32> to vector<16xi32>
    %mul3A_75 = arith.constant 256 : i32
    %mul3A_76 = vector.broadcast %mul3A_75 : i32 to vector<16xi32>
    %mul3A_77 = arith.muli %get3A_74, %mul3A_76 : vector<16xi32>
    %get3A_78 = arith.constant 80 : index
    %get3A_79 = tpu.vector_load %arg6[%get3A_78] {strides = array<i32>} : memref<128xi32, #tpu.memory_space<vmem>>, vector<16xi32>,
    %get3A_80 = vector.shape_cast %get3A_79 : vector<16xi32> to vector<16xi32>
    %add3A_81 = arith.addi %mul3A_77, %get3A_80 : vector<16xi32>
    %swap3A_82 = arith.constant 80 : index
    %swap3A_83 = tpu.vector_load %arg8[%swap3A_82] {strides = array<i32>} : memref<128xi32, #tpu.memory_space<vmem>>, vector<16xi32>,
    %swap3A_84 = vector.shape_cast %swap3A_83 : vector<16xi32> to vector<16xi32>
    %swap3A_85 = vector.shape_cast %add3A_81 : vector<16xi32> to vector<16xi32>
    tpu.vector_store %arg8[%swap3A_82], %swap3A_85 {strides = array<i32>} : memref<128xi32, #tpu.memory_space<vmem>>, vector<16xi32>,
    %get3A_86 = arith.constant 96 : index
    %get3A_87 = tpu.vector_load %arg7[%get3A_86] {strides = array<i32>} : memref<128xi32, #tpu.memory_space<vmem>>, vector<16xi32>,
    %get3A_88 = vector.shape_cast %get3A_87 : vector<16xi32> to vector<16xi32>
    %mul3A_89 = arith.constant 256 : i32
    %mul3A_90 = vector.broadcast %mul3A_89 : i32 to vector<16xi32>
    %mul3A_91 = arith.muli %get3A_88, %mul3A_90 : vector<16xi32>
    %get3A_92 = arith.constant 96 : index
    %get3A_93 = tpu.vector_load %arg6[%get3A_92] {strides = array<i32>} : memref<128xi32, #tpu.memory_space<vmem>>, vector<16xi32>,
    %get3A_94 = vector.shape_cast %get3A_93 : vector<16xi32> to vector<16xi32>
    %add3A_95 = arith.addi %mul3A_91, %get3A_94 : vector<16xi32>
    %swap3A_96 = arith.constant 96 : index
    %swap3A_97 = tpu.vector_load %arg8[%swap3A_96] {strides = array<i32>} : memref<128xi32, #tpu.memory_space<vmem>>, vector<16xi32>,
    %swap3A_98 = vector.shape_cast %swap3A_97 : vector<16xi32> to vector<16xi32>
    %swap3A_99 = vector.shape_cast %add3A_95 : vector<16xi32> to vector<16xi32>
    tpu.vector_store %arg8[%swap3A_96], %swap3A_99 {strides = array<i32>} : memref<128xi32, #tpu.memory_space<vmem>>, vector<16xi32>,
    %get3A_100 = arith.constant 112 : index
    %get3A_101 = tpu.vector_load %arg7[%get3A_100] {strides = array<i32>} : memref<128xi32, #tpu.memory_space<vmem>>, vector<16xi32>,
    %get3A_102 = vector.shape_cast %get3A_101 : vector<16xi32> to vector<16xi32>
    %mul3A_103 = arith.constant 256 : i32
    %mul3A_104 = vector.broadcast %mul3A_103 : i32 to vector<16xi32>
    %mul3A_105 = arith.muli %get3A_102, %mul3A_104 : vector<16xi32>
    %get3A_106 = arith.constant 112 : index
    %get3A_107 = tpu.vector_load %arg6[%get3A_106] {strides = array<i32>} : memref<128xi32, #tpu.memory_space<vmem>>, vector<16xi32>,
    %get3A_108 = vector.shape_cast %get3A_107 : vector<16xi32> to vector<16xi32>
    %add3A_109 = arith.addi %mul3A_105, %get3A_108 : vector<16xi32>
    %swap3A_110 = arith.constant 112 : index
    %swap3A_111 = tpu.vector_load %arg8[%swap3A_110] {strides = array<i32>} : memref<128xi32, #tpu.memory_space<vmem>>, vector<16xi32>,
    %swap3A_112 = vector.shape_cast %swap3A_111 : vector<16xi32> to vector<16xi32>
    %swap3A_113 = vector.shape_cast %add3A_109 : vector<16xi32> to vector<16xi32>
    tpu.vector_store %arg8[%swap3A_110], %swap3A_113 {strides = array<i32>} : memref<128xi32, #tpu.memory_space<vmem>>, vector<16xi32>,
    "tpu.region"() ({
      %run_scoped3A_118 = tpu.sem_alloc : memref<!tpu.dma_semaphore, #tpu.memory_space<semaphore_mem>>
      %dma_start3A_119 = arith.constant 0 : i32
      %dma_start3A_120 = tpu.memref_slice %arg2[%mul3A_2, %dma_start3A_119] : memref<4096x128xf32, #tpu.memory_space<hbm>> -> memref<128x128xf32, #tpu.memory_space<hbm>>
      %dma_start3A_121 = arith.constant 0 : i32
      %dma_start3A_122 = tpu.memref_slice %arg2[%mul3A_2, %dma_start3A_121] : memref<4096x128xf32, #tpu.memory_space<hbm>> -> memref<128x128xf32, #tpu.memory_space<hbm>>
      tpu.enqueue_dma source(%dma_start3A_122 : memref<128x128xf32, #tpu.memory_space<hbm>>) target(%arg9 : memref<128x128xf32, #tpu.memory_space<vmem>>) target_semaphore(%run_scoped3A_118 : memref<!tpu.dma_semaphore, #tpu.memory_space<semaphore_mem>>)
      %dma_wait3A_123 = arith.constant 0 : i32
      %dma_wait3A_124 = tpu.memref_slice %arg2[%mul3A_2, %dma_wait3A_123] : memref<4096x128xf32, #tpu.memory_space<hbm>> -> memref<128x128xf32, #tpu.memory_space<hbm>>
      %dma_wait3A_125 = arith.constant 0 : i32
      %dma_wait3A_126 = tpu.memref_slice %arg2[%mul3A_2, %dma_wait3A_125] : memref<4096x128xf32, #tpu.memory_space<hbm>> -> memref<128x128xf32, #tpu.memory_space<hbm>>
      tpu.wait_dma2 semaphore(%run_scoped3A_118 : memref<!tpu.dma_semaphore, #tpu.memory_space<semaphore_mem>>) src(%dma_wait3A_126 : memref<128x128xf32, #tpu.memory_space<hbm>>) dst(%arg9 : memref<128x128xf32, #tpu.memory_space<vmem>>)
      tpu.yield
    }) : () -> ()
    %dma_start3A = arith.constant 0 : i32
    %dma_start3A_114 = arith.constant 0 : i32
    %dma_start3A_115 = tpu.memref_slice %arg4[%dma_start3A, %dma_start3A_114] : memref<65536x128xf32, #tpu.memory_space<hbm>> -> memref<65536x128xf32, #tpu.memory_space<hbm>>
    tpu.enqueue_indirect_dma source(%arg9 : memref<128x128xf32, #tpu.memory_space<vmem>>) target(%dma_start3A_115 : memref<65536x128xf32, #tpu.memory_space<hbm>>) offsets(%arg8 : memref<128xi32, #tpu.memory_space<vmem>>) semaphore(%arg10 : memref<!tpu.dma_semaphore, #tpu.memory_space<semaphore_mem>>)
    %dma_wait3A = arith.constant 0 : i32
    %dma_wait3A_116 = arith.constant 0 : i32
    %dma_wait3A_117 = tpu.memref_slice %arg4[%dma_wait3A, %dma_wait3A_116] : memref<65536x128xf32, #tpu.memory_space<hbm>> -> memref<65536x128xf32, #tpu.memory_space<hbm>>
    tpu.wait_indirect_dma semaphore(%arg10 : memref<!tpu.dma_semaphore, #tpu.memory_space<semaphore_mem>>) src(%arg9 : memref<128x128xf32, #tpu.memory_space<vmem>>) dst(%dma_wait3A_117 : memref<65536x128xf32, #tpu.memory_space<hbm>>)
    return
  }
}

module attributes {stable_mosaic.version = 14 : i64} {
  func.func @_embed_body(%arg0: i32, %arg1: memref<4096x128xf32, #tpu.memory_space<vmem>>, %arg2: memref<128x64xf32, #tpu.memory_space<vmem>>, %arg3: memref<4096x128xf32, #tpu.memory_space<vmem>>, %arg4: memref<16x128xf32, #tpu.memory_space<vmem>>) attributes {dimension_semantics = [#tpu.dimension_semantics<arbitrary>], iteration_bounds = array<i64: 16>, scalar_prefetch = 0 : i64, scratch_operands = 0 : i64, tpu.core_type = #tpu.core_type<tc>, window_params = [{transform_indices = @transform_0, window_bounds = array<i64: 4096, 128>}, {pipeline_mode = #tpu.pipeline_mode<synchronous>, transform_indices = @transform_1, window_bounds = array<i64: 128, 64>}, {transform_indices = @transform_2, window_bounds = array<i64: 4096, 128>}, {transform_indices = @transform_3, window_bounds = array<i64: 16, 128>}]} {
    %get3A = arith.constant 0 : index
    %get3A_0 = arith.constant 0 : index
    %get3A_1 = vector.load %arg1[%get3A, %get3A_0] : memref<4096x128xf32, #tpu.memory_space<vmem>>, vector<4096x128xf32>
    %get3A_2 = arith.constant 0 : index
    %get3A_3 = arith.constant 0 : index
    %get3A_4 = vector.load %arg2[%get3A_2, %get3A_3] : memref<128x64xf32, #tpu.memory_space<vmem>>, vector<128x64xf32>
    %dot_general3A = arith.constant dense<0.000000e+00> : vector<4096x64xf32>
    %dot_general3A_5 = tpu.matmul %get3A_1, %get3A_4, %dot_general3A {dimension_numbers = #tpu.dot_dimension_numbers<[1], [0], [0], [1], [0, 0, 1, 1], [], []>, transpose_lhs_hint = false} : vector<4096x128xf32>, vector<128x64xf32>, vector<4096x64xf32> -> vector<4096x64xf32>
    %concatenate3A = tpu.concatenate %dot_general3A_5, %dot_general3A_5 in 1 : vector<4096x64xf32>, vector<4096x64xf32> -> vector<4096x128xf32>
    %swap3A = arith.constant 0 : index
    %swap3A_6 = arith.constant 0 : index
    %swap3A_7 = vector.load %arg3[%swap3A, %swap3A_6] : memref<4096x128xf32, #tpu.memory_space<vmem>>, vector<4096x128xf32>
    tpu.vector_store %arg3[%swap3A, %swap3A_6], %concatenate3A {strides = array<i32>} : memref<4096x128xf32, #tpu.memory_space<vmem>>, vector<4096x128xf32>,
    %reshape3A = vector.shape_cast %dot_general3A_5 : vector<4096x64xf32> to vector<16x256x64xf32>
    %reduce_sum3A = arith.constant dense<0.000000e+00> : vector<16x64xf32>
    %reduce_sum3A_8 = vector.multi_reduction <add>, %reshape3A, %reduce_sum3A [1] : vector<16x256x64xf32> to vector<16x64xf32>
    %ne3A = arith.constant 0.000000e+00 : f32
    %ne3A_9 = vector.broadcast %ne3A : f32 to vector<16x256x64xf32>
    %ne3A_10 = arith.cmpf one, %reshape3A, %ne3A_9 : vector<16x256x64xf32>
    %convert_element_type3A = arith.extui %ne3A_10 : vector<16x256x64xi1> to vector<16x256x64xi32>
    %convert_element_type3A_11 = arith.sitofp %convert_element_type3A : vector<16x256x64xi32> to vector<16x256x64xf32>
    %reduce_sum3A_12 = arith.constant dense<0.000000e+00> : vector<16x64xf32>
    %reduce_sum3A_13 = vector.multi_reduction <add>, %convert_element_type3A_11, %reduce_sum3A_12 [1] : vector<16x256x64xf32> to vector<16x64xf32>
    %concatenate3A_14 = tpu.concatenate %reduce_sum3A_8, %reduce_sum3A_13 in 1 : vector<16x64xf32>, vector<16x64xf32> -> vector<16x128xf32>
    %swap3A_15 = arith.constant 0 : index
    %swap3A_16 = arith.constant 0 : index
    %swap3A_17 = vector.load %arg4[%swap3A_15, %swap3A_16] : memref<16x128xf32, #tpu.memory_space<vmem>>, vector<16x128xf32>
    tpu.vector_store %arg4[%swap3A_15, %swap3A_16], %concatenate3A_14 {strides = array<i32>} : memref<16x128xf32, #tpu.memory_space<vmem>>, vector<16x128xf32>,
    return
  }
  func.func @transform_0(%arg0: i32) -> (i32, i32) {
    %c0_i32 = arith.constant 0 : i32
    %c0_i32_0 = arith.constant 0 : i32
    return %arg0, %c0_i32 : i32, i32
  }
  func.func @transform_1(%arg0: i32) -> (i32, i32) {
    %c0_i32 = arith.constant 0 : i32
    %c0_i32_0 = arith.constant 0 : i32
    %c0_i32_1 = arith.constant 0 : i32
    return %c0_i32, %c0_i32_0 : i32, i32
  }
  func.func @transform_2(%arg0: i32) -> (i32, i32) {
    %c0_i32 = arith.constant 0 : i32
    %c0_i32_0 = arith.constant 0 : i32
    return %arg0, %c0_i32 : i32, i32
  }
  func.func @transform_3(%arg0: i32) -> (i32, i32) {
    %c0_i32 = arith.constant 0 : i32
    %c0_i32_0 = arith.constant 0 : i32
    return %arg0, %c0_i32 : i32, i32
  }
}

module attributes {stable_mosaic.version = 14 : i64} {
  func.func @_msg_body(%arg0: i32, %arg1: memref<1024x128xf32, #tpu.memory_space<vmem>>, %arg2: memref<1024x128xf32, #tpu.memory_space<vmem>>, %arg3: memref<1024x128xf32, #tpu.memory_space<vmem>>, %arg4: memref<1024x128xf32, #tpu.memory_space<vmem>>, %arg5: memref<64x64xf32, #tpu.memory_space<vmem>>, %arg6: memref<64x64xf32, #tpu.memory_space<vmem>>, %arg7: memref<64x64xf32, #tpu.memory_space<vmem>>, %arg8: memref<1024x128xf32, #tpu.memory_space<vmem>>) attributes {dimension_semantics = [#tpu.dimension_semantics<arbitrary>], iteration_bounds = array<i64: 4>, scalar_prefetch = 0 : i64, scratch_operands = 0 : i64, tpu.core_type = #tpu.core_type<tc>, window_params = [{transform_indices = @transform_0, window_bounds = array<i64: 1024, 128>}, {transform_indices = @transform_1, window_bounds = array<i64: 1024, 128>}, {transform_indices = @transform_2, window_bounds = array<i64: 1024, 128>}, {transform_indices = @transform_3, window_bounds = array<i64: 1024, 128>}, {pipeline_mode = #tpu.pipeline_mode<synchronous>, transform_indices = @transform_4, window_bounds = array<i64: 64, 64>}, {pipeline_mode = #tpu.pipeline_mode<synchronous>, transform_indices = @transform_5, window_bounds = array<i64: 64, 64>}, {pipeline_mode = #tpu.pipeline_mode<synchronous>, transform_indices = @transform_6, window_bounds = array<i64: 64, 64>}, {transform_indices = @transform_7, window_bounds = array<i64: 1024, 128>}]} {
    %get3A = arith.constant 0 : index
    %get3A_0 = arith.constant 64 : index
    %get3A_1 = vector.load %arg1[%get3A, %get3A_0] : memref<1024x128xf32, #tpu.memory_space<vmem>>, vector<1024x64xf32>
    %get3A_2 = arith.constant 0 : index
    %get3A_3 = arith.constant 64 : index
    %get3A_4 = vector.load %arg2[%get3A_2, %get3A_3] : memref<1024x128xf32, #tpu.memory_space<vmem>>, vector<1024x64xf32>
    %get3A_5 = arith.constant 0 : index
    %get3A_6 = arith.constant 0 : index
    %get3A_7 = vector.load %arg3[%get3A_5, %get3A_6] : memref<1024x128xf32, #tpu.memory_space<vmem>>, vector<1024x64xf32>
    %get3A_8 = arith.constant 0 : index
    %get3A_9 = arith.constant 64 : index
    %get3A_10 = vector.load %arg3[%get3A_8, %get3A_9] : memref<1024x128xf32, #tpu.memory_space<vmem>>, vector<1024x64xf32>
    %get3A_11 = arith.constant 0 : index
    %get3A_12 = arith.constant 0 : index
    %get3A_13 = vector.load %arg4[%get3A_11, %get3A_12] : memref<1024x128xf32, #tpu.memory_space<vmem>>, vector<1024x64xf32>
    %get3A_14 = arith.constant 0 : index
    %get3A_15 = arith.constant 64 : index
    %get3A_16 = vector.load %arg4[%get3A_14, %get3A_15] : memref<1024x128xf32, #tpu.memory_space<vmem>>, vector<1024x64xf32>
    %reduce_sum3A = arith.constant dense<0.000000e+00> : vector<1024xf32>
    %reduce_sum3A_17 = vector.multi_reduction <add>, %get3A_10, %reduce_sum3A [1] : vector<1024x64xf32> to vector<1024xf32>
    %broadcast_in_dim3A = vector.shape_cast %reduce_sum3A_17 : vector<1024xf32> to vector<1024x1xf32>
    %reduce_sum3A_18 = arith.constant dense<0.000000e+00> : vector<1024xf32>
    %reduce_sum3A_19 = vector.multi_reduction <add>, %get3A_16, %reduce_sum3A_18 [1] : vector<1024x64xf32> to vector<1024xf32>
    %broadcast_in_dim3A_20 = vector.shape_cast %reduce_sum3A_19 : vector<1024xf32> to vector<1024x1xf32>
    %ne3A = arith.constant 0.000000e+00 : f32
    %ne3A_21 = vector.broadcast %ne3A : f32 to vector<1024x64xf32>
    %ne3A_22 = arith.cmpf one, %get3A_4, %ne3A_21 : vector<1024x64xf32>
    %convert_element_type3A = arith.extui %ne3A_22 : vector<1024x64xi1> to vector<1024x64xi32>
    %convert_element_type3A_23 = arith.sitofp %convert_element_type3A : vector<1024x64xi32> to vector<1024x64xf32>
    %reduce_sum3A_24 = arith.constant dense<0.000000e+00> : vector<1024xf32>
    %reduce_sum3A_25 = vector.multi_reduction <add>, %convert_element_type3A_23, %reduce_sum3A_24 [1] : vector<1024x64xf32> to vector<1024xf32>
    %broadcast_in_dim3A_26 = vector.shape_cast %reduce_sum3A_25 : vector<1024xf32> to vector<1024x1xf32>
    %ne3A_27 = arith.constant 0.000000e+00 : f32
    %ne3A_28 = vector.broadcast %ne3A_27 : f32 to vector<1024x64xf32>
    %ne3A_29 = arith.cmpf one, %get3A_1, %ne3A_28 : vector<1024x64xf32>
    %convert_element_type3A_30 = arith.extui %ne3A_29 : vector<1024x64xi1> to vector<1024x64xi32>
    %convert_element_type3A_31 = arith.sitofp %convert_element_type3A_30 : vector<1024x64xi32> to vector<1024x64xf32>
    %reduce_sum3A_32 = arith.constant dense<0.000000e+00> : vector<1024xf32>
    %reduce_sum3A_33 = vector.multi_reduction <add>, %convert_element_type3A_31, %reduce_sum3A_32 [1] : vector<1024x64xf32> to vector<1024xf32>
    %broadcast_in_dim3A_34 = vector.shape_cast %reduce_sum3A_33 : vector<1024xf32> to vector<1024x1xf32>
    %sub3A = arith.subf %broadcast_in_dim3A, %broadcast_in_dim3A_26 : vector<1024x1xf32>
    %mul3A = arith.constant 1.562500e-02 : f32
    %mul3A_35 = vector.broadcast %mul3A : f32 to vector<1024x1xf32>
    %mul3A_36 = arith.mulf %sub3A, %mul3A_35 : vector<1024x1xf32>
    %eq3A = arith.constant 0.000000e+00 : f32
    %eq3A_37 = vector.broadcast %eq3A : f32 to vector<1024x1xf32>
    %eq3A_38 = arith.cmpf oeq, %mul3A_36, %eq3A_37 : vector<1024x1xf32>
    %jit3A = arith.constant 1.000000e+00 : f32
    %broadcast_in_dim3A_39 = vector.broadcast %jit3A : f32 to vector<1024x1xf32>
    %select_n3A = arith.select %eq3A_38, %broadcast_in_dim3A_39, %mul3A_36 : vector<1024x1xi1>, vector<1024x1xf32>
    %sub3A_40 = arith.subf %broadcast_in_dim3A_20, %broadcast_in_dim3A_34 : vector<1024x1xf32>
    %mul3A_41 = arith.constant 1.562500e-02 : f32
    %mul3A_42 = vector.broadcast %mul3A_41 : f32 to vector<1024x1xf32>
    %mul3A_43 = arith.mulf %sub3A_40, %mul3A_42 : vector<1024x1xf32>
    %eq3A_44 = arith.constant 0.000000e+00 : f32
    %eq3A_45 = vector.broadcast %eq3A_44 : f32 to vector<1024x1xf32>
    %eq3A_46 = arith.cmpf oeq, %mul3A_43, %eq3A_45 : vector<1024x1xf32>
    %jit3A_47 = arith.constant 1.000000e+00 : f32
    %broadcast_in_dim3A_48 = vector.broadcast %jit3A_47 : f32 to vector<1024x1xf32>
    %select_n3A_49 = arith.select %eq3A_46, %broadcast_in_dim3A_48, %mul3A_43 : vector<1024x1xi1>, vector<1024x1xf32>
    %sub3A_50 = arith.subf %get3A_7, %get3A_4 : vector<1024x64xf32>
    %div3A = vector.broadcast %select_n3A : vector<1024x1xf32> to vector<1024x64xf32>
    %div3A_51 = arith.divf %sub3A_50, %div3A : vector<1024x64xf32>
    %sub3A_52 = arith.subf %get3A_13, %get3A_1 : vector<1024x64xf32>
    %div3A_53 = vector.broadcast %select_n3A_49 : vector<1024x1xf32> to vector<1024x64xf32>
    %div3A_54 = arith.divf %sub3A_52, %div3A_53 : vector<1024x64xf32>
    %get3A_55 = arith.constant 0 : index
    %get3A_56 = arith.constant 0 : index
    %get3A_57 = vector.load %arg5[%get3A_55, %get3A_56] : memref<64x64xf32, #tpu.memory_space<vmem>>, vector<64x64xf32>
    %dot_general3A = arith.constant dense<0.000000e+00> : vector<1024x64xf32>
    %dot_general3A_58 = tpu.matmul %get3A_1, %get3A_57, %dot_general3A {dimension_numbers = #tpu.dot_dimension_numbers<[1], [0], [0], [1], [0, 0, 1, 1], [], []>, transpose_lhs_hint = false} : vector<1024x64xf32>, vector<64x64xf32>, vector<1024x64xf32> -> vector<1024x64xf32>
    %get3A_59 = arith.constant 0 : index
    %get3A_60 = arith.constant 0 : index
    %get3A_61 = vector.load %arg6[%get3A_59, %get3A_60] : memref<64x64xf32, #tpu.memory_space<vmem>>, vector<64x64xf32>
    %dot_general3A_62 = arith.constant dense<0.000000e+00> : vector<1024x64xf32>
    %dot_general3A_63 = tpu.matmul %div3A_51, %get3A_61, %dot_general3A_62 {dimension_numbers = #tpu.dot_dimension_numbers<[1], [0], [0], [1], [0, 0, 1, 1], [], []>, transpose_lhs_hint = false} : vector<1024x64xf32>, vector<64x64xf32>, vector<1024x64xf32> -> vector<1024x64xf32>
    %add3A = arith.addf %dot_general3A_58, %dot_general3A_63 : vector<1024x64xf32>
    %get3A_64 = arith.constant 0 : index
    %get3A_65 = arith.constant 0 : index
    %get3A_66 = vector.load %arg7[%get3A_64, %get3A_65] : memref<64x64xf32, #tpu.memory_space<vmem>>, vector<64x64xf32>
    %dot_general3A_67 = arith.constant dense<0.000000e+00> : vector<1024x64xf32>
    %dot_general3A_68 = tpu.matmul %div3A_54, %get3A_66, %dot_general3A_67 {dimension_numbers = #tpu.dot_dimension_numbers<[1], [0], [0], [1], [0, 0, 1, 1], [], []>, transpose_lhs_hint = false} : vector<1024x64xf32>, vector<64x64xf32>, vector<1024x64xf32> -> vector<1024x64xf32>
    %add3A_69 = arith.addf %add3A, %dot_general3A_68 : vector<1024x64xf32>
    %max3A = arith.constant 0.000000e+00 : f32
    %max3A_70 = vector.broadcast %max3A : f32 to vector<1024x64xf32>
    %max3A_71 = arith.maximumf %add3A_69, %max3A_70 : vector<1024x64xf32>
    %concatenate3A = tpu.concatenate %max3A_71, %get3A_1 in 1 : vector<1024x64xf32>, vector<1024x64xf32> -> vector<1024x128xf32>
    %swap3A = arith.constant 0 : index
    %swap3A_72 = arith.constant 0 : index
    %swap3A_73 = vector.load %arg8[%swap3A, %swap3A_72] : memref<1024x128xf32, #tpu.memory_space<vmem>>, vector<1024x128xf32>
    tpu.vector_store %arg8[%swap3A, %swap3A_72], %concatenate3A {strides = array<i32>} : memref<1024x128xf32, #tpu.memory_space<vmem>>, vector<1024x128xf32>,
    return
  }
  func.func @transform_0(%arg0: i32) -> (i32, i32) {
    %c0_i32 = arith.constant 0 : i32
    %c0_i32_0 = arith.constant 0 : i32
    return %arg0, %c0_i32 : i32, i32
  }
  func.func @transform_1(%arg0: i32) -> (i32, i32) {
    %c0_i32 = arith.constant 0 : i32
    %c0_i32_0 = arith.constant 0 : i32
    return %arg0, %c0_i32 : i32, i32
  }
  func.func @transform_2(%arg0: i32) -> (i32, i32) {
    %c0_i32 = arith.constant 0 : i32
    %c0_i32_0 = arith.constant 0 : i32
    return %arg0, %c0_i32 : i32, i32
  }
  func.func @transform_3(%arg0: i32) -> (i32, i32) {
    %c0_i32 = arith.constant 0 : i32
    %c0_i32_0 = arith.constant 0 : i32
    return %arg0, %c0_i32 : i32, i32
  }
  func.func @transform_4(%arg0: i32) -> (i32, i32) {
    %c0_i32 = arith.constant 0 : i32
    %c0_i32_0 = arith.constant 0 : i32
    %c0_i32_1 = arith.constant 0 : i32
    return %c0_i32, %c0_i32_0 : i32, i32
  }
  func.func @transform_5(%arg0: i32) -> (i32, i32) {
    %c0_i32 = arith.constant 0 : i32
    %c0_i32_0 = arith.constant 0 : i32
    %c0_i32_1 = arith.constant 0 : i32
    return %c0_i32, %c0_i32_0 : i32, i32
  }
  func.func @transform_6(%arg0: i32) -> (i32, i32) {
    %c0_i32 = arith.constant 0 : i32
    %c0_i32_0 = arith.constant 0 : i32
    %c0_i32_1 = arith.constant 0 : i32
    return %c0_i32, %c0_i32_0 : i32, i32
  }
  func.func @transform_7(%arg0: i32) -> (i32, i32) {
    %c0_i32 = arith.constant 0 : i32
    %c0_i32_0 = arith.constant 0 : i32
    return %arg0, %c0_i32 : i32, i32
  }
}

module attributes {stable_mosaic.version = 14 : i64} {
  func.func @_gru_body(%arg0: i32, %arg1: memref<8x256x128xf32, #tpu.memory_space<vmem>>, %arg2: memref<128x192xf32, #tpu.memory_space<vmem>>, %arg3: memref<64x192xf32, #tpu.memory_space<vmem>>, %arg4: memref<1x192xf32, #tpu.memory_space<vmem>>, %arg5: memref<1x192xf32, #tpu.memory_space<vmem>>, %arg6: memref<8x256x128xf32, #tpu.memory_space<vmem>>, %arg7: memref<8x128xf32, #tpu.memory_space<vmem>>, %arg8: memref<256x64xf32, #tpu.memory_space<vmem>>) attributes {dimension_semantics = [#tpu.dimension_semantics<arbitrary>], iteration_bounds = array<i64: 32>, scalar_prefetch = 0 : i64, scratch_operands = 1 : i64, tpu.core_type = #tpu.core_type<tc>, window_params = [{transform_indices = @transform_0, window_bounds = array<i64: 8, 256, 128>}, {pipeline_mode = #tpu.pipeline_mode<synchronous>, transform_indices = @transform_1, window_bounds = array<i64: 128, 192>}, {pipeline_mode = #tpu.pipeline_mode<synchronous>, transform_indices = @transform_2, window_bounds = array<i64: 64, 192>}, {pipeline_mode = #tpu.pipeline_mode<synchronous>, transform_indices = @transform_3, window_bounds = array<i64: 1, 192>}, {pipeline_mode = #tpu.pipeline_mode<synchronous>, transform_indices = @transform_4, window_bounds = array<i64: 1, 192>}, {transform_indices = @transform_5, window_bounds = array<i64: 8, 256, 128>}, {transform_indices = @transform_6, window_bounds = array<i64: 8, 128>}]} {
    %eq3A = arith.constant 0 : i32
    %eq3A_0 = arith.cmpi eq, %arg0, %eq3A : i32
    %convert_element_type3A = arith.extui %eq3A_0 : i1 to i32
    %cond3A = arith.constant 0 : i32
    %cond3A_1 = arith.cmpi ne, %convert_element_type3A, %cond3A : i32
    scf.if %cond3A_1 {
      %broadcast_in_dim3A_463 = arith.constant 0.000000e+00 : f32
      %broadcast_in_dim3A_464 = vector.broadcast %broadcast_in_dim3A_463 : f32 to vector<256x64xf32>
      %swap3A_465 = arith.constant 0 : index
      %swap3A_466 = arith.constant 0 : index
      %swap3A_467 = vector.load %arg8[%swap3A_465, %swap3A_466] : memref<256x64xf32, #tpu.memory_space<vmem>>, vector<256x64xf32>
      tpu.vector_store %arg8[%swap3A_465, %swap3A_466], %broadcast_in_dim3A_464 {strides = array<i32>} : memref<256x64xf32, #tpu.memory_space<vmem>>, vector<256x64xf32>,
    } else {
    }
    %get3A = arith.constant 0 : index
    %get3A_2 = arith.constant 0 : index
    %get3A_3 = vector.load %arg2[%get3A, %get3A_2] : memref<128x192xf32, #tpu.memory_space<vmem>>, vector<128x192xf32>
    %get3A_4 = arith.constant 0 : index
    %get3A_5 = arith.constant 0 : index
    %get3A_6 = vector.load %arg4[%get3A_4, %get3A_5] : memref<1x192xf32, #tpu.memory_space<vmem>>, vector<1x192xf32>
    %get3A_7 = arith.constant 0 : index
    %get3A_8 = arith.constant 0 : index
    %get3A_9 = vector.load %arg3[%get3A_7, %get3A_8] : memref<64x192xf32, #tpu.memory_space<vmem>>, vector<64x192xf32>
    %get3A_10 = arith.constant 0 : index
    %get3A_11 = arith.constant 0 : index
    %get3A_12 = vector.load %arg5[%get3A_10, %get3A_11] : memref<1x192xf32, #tpu.memory_space<vmem>>, vector<1x192xf32>
    %get3A_13 = arith.constant 0 : index
    %get3A_14 = arith.constant 0 : index
    %get3A_15 = vector.load %arg8[%get3A_13, %get3A_14] : memref<256x64xf32, #tpu.memory_space<vmem>>, vector<256x64xf32>
    %get3A_16 = arith.constant 0 : index
    %get3A_17 = arith.constant 0 : index
    %get3A_18 = arith.constant 0 : index
    %get3A_19 = vector.load %arg1[%get3A_16, %get3A_17, %get3A_18] : memref<8x256x128xf32, #tpu.memory_space<vmem>>, vector<1x256x128xf32>
    %get3A_20 = vector.shape_cast %get3A_19 : vector<1x256x128xf32> to vector<256x128xf32>
    %dot_general3A = arith.constant dense<0.000000e+00> : vector<256x192xf32>
    %dot_general3A_21 = tpu.matmul %get3A_20, %get3A_3, %dot_general3A {dimension_numbers = #tpu.dot_dimension_numbers<[1], [0], [0], [1], [0, 0, 1, 1], [], []>, transpose_lhs_hint = false} : vector<256x128xf32>, vector<128x192xf32>, vector<256x192xf32> -> vector<256x192xf32>
    %add3A = vector.broadcast %get3A_6 : vector<1x192xf32> to vector<256x192xf32>
    %add3A_22 = arith.addf %dot_general3A_21, %add3A : vector<256x192xf32>
    %dot_general3A_23 = arith.constant dense<0.000000e+00> : vector<256x192xf32>
    %dot_general3A_24 = tpu.matmul %get3A_15, %get3A_9, %dot_general3A_23 {dimension_numbers = #tpu.dot_dimension_numbers<[1], [0], [0], [1], [0, 0, 1, 1], [], []>, transpose_lhs_hint = false} : vector<256x64xf32>, vector<64x192xf32>, vector<256x192xf32> -> vector<256x192xf32>
    %add3A_25 = vector.broadcast %get3A_12 : vector<1x192xf32> to vector<256x192xf32>
    %add3A_26 = arith.addf %dot_general3A_24, %add3A_25 : vector<256x192xf32>
    %slice3A = vector.extract_strided_slice %add3A_22 {offsets = [0, 0], sizes = [256, 128], strides = [1, 1]} : vector<256x192xf32> to vector<256x128xf32>
    %slice3A_27 = vector.extract_strided_slice %add3A_26 {offsets = [0, 0], sizes = [256, 128], strides = [1, 1]} : vector<256x192xf32> to vector<256x128xf32>
    %add3A_28 = arith.addf %slice3A, %slice3A_27 : vector<256x128xf32>
    %logistic3A = arith.negf %add3A_28 : vector<256x128xf32>
    %logistic3A_29 = math.exp %logistic3A : vector<256x128xf32>
    %logistic3A_30 = arith.constant 1.000000e+00 : f32
    %logistic3A_31 = vector.broadcast %logistic3A_30 : f32 to vector<256x128xf32>
    %logistic3A_32 = arith.addf %logistic3A_31, %logistic3A_29 : vector<256x128xf32>
    %logistic3A_33 = arith.divf %logistic3A_31, %logistic3A_32 : vector<256x128xf32>
    %slice3A_34 = vector.extract_strided_slice %logistic3A_33 {offsets = [0, 0], sizes = [256, 64], strides = [1, 1]} : vector<256x128xf32> to vector<256x64xf32>
    %slice3A_35 = vector.extract_strided_slice %logistic3A_33 {offsets = [0, 64], sizes = [256, 64], strides = [1, 1]} : vector<256x128xf32> to vector<256x64xf32>
    %slice3A_36 = vector.extract_strided_slice %add3A_22 {offsets = [0, 128], sizes = [256, 64], strides = [1, 1]} : vector<256x192xf32> to vector<256x64xf32>
    %slice3A_37 = vector.extract_strided_slice %add3A_26 {offsets = [0, 128], sizes = [256, 64], strides = [1, 1]} : vector<256x192xf32> to vector<256x64xf32>
    %mul3A = arith.mulf %slice3A_34, %slice3A_37 : vector<256x64xf32>
    %add3A_38 = arith.addf %slice3A_36, %mul3A : vector<256x64xf32>
    %tanh3A = math.tanh %add3A_38 : vector<256x64xf32>
    %sub3A = arith.constant 1.000000e+00 : f32
    %sub3A_39 = vector.broadcast %sub3A : f32 to vector<256x64xf32>
    %sub3A_40 = arith.subf %sub3A_39, %slice3A_35 : vector<256x64xf32>
    %mul3A_41 = arith.mulf %sub3A_40, %tanh3A : vector<256x64xf32>
    %mul3A_42 = arith.mulf %slice3A_35, %get3A_15 : vector<256x64xf32>
    %add3A_43 = arith.addf %mul3A_41, %mul3A_42 : vector<256x64xf32>
    %concatenate3A = tpu.concatenate %add3A_43, %add3A_43 in 1 : vector<256x64xf32>, vector<256x64xf32> -> vector<256x128xf32>
    %swap3A = arith.constant 0 : index
    %swap3A_44 = arith.constant 0 : index
    %swap3A_45 = arith.constant 0 : index
    %swap3A_46 = vector.load %arg6[%swap3A, %swap3A_44, %swap3A_45] : memref<8x256x128xf32, #tpu.memory_space<vmem>>, vector<1x256x128xf32>
    %swap3A_47 = vector.shape_cast %swap3A_46 : vector<1x256x128xf32> to vector<256x128xf32>
    %swap3A_48 = vector.shape_cast %concatenate3A : vector<256x128xf32> to vector<1x256x128xf32>
    tpu.vector_store %arg6[%swap3A, %swap3A_44, %swap3A_45], %swap3A_48 {strides = array<i32>} : memref<8x256x128xf32, #tpu.memory_space<vmem>>, vector<1x256x128xf32>,
    %reduce_sum3A = arith.constant dense<0.000000e+00> : vector<64xf32>
    %reduce_sum3A_49 = vector.multi_reduction <add>, %add3A_43, %reduce_sum3A [0] : vector<256x64xf32> to vector<64xf32>
    %broadcast_in_dim3A = vector.shape_cast %reduce_sum3A_49 : vector<64xf32> to vector<1x64xf32>
    %ne3A = arith.constant 0.000000e+00 : f32
    %ne3A_50 = vector.broadcast %ne3A : f32 to vector<256x64xf32>
    %ne3A_51 = arith.cmpf one, %add3A_43, %ne3A_50 : vector<256x64xf32>
    %convert_element_type3A_52 = arith.extui %ne3A_51 : vector<256x64xi1> to vector<256x64xi32>
    %convert_element_type3A_53 = arith.sitofp %convert_element_type3A_52 : vector<256x64xi32> to vector<256x64xf32>
    %reduce_sum3A_54 = arith.constant dense<0.000000e+00> : vector<64xf32>
    %reduce_sum3A_55 = vector.multi_reduction <add>, %convert_element_type3A_53, %reduce_sum3A_54 [0] : vector<256x64xf32> to vector<64xf32>
    %broadcast_in_dim3A_56 = vector.shape_cast %reduce_sum3A_55 : vector<64xf32> to vector<1x64xf32>
    %concatenate3A_57 = tpu.concatenate %broadcast_in_dim3A, %broadcast_in_dim3A_56 in 1 : vector<1x64xf32>, vector<1x64xf32> -> vector<1x128xf32>
    %swap3A_58 = arith.constant 0 : index
    %swap3A_59 = arith.constant 0 : index
    %swap3A_60 = vector.load %arg7[%swap3A_58, %swap3A_59] : memref<8x128xf32, #tpu.memory_space<vmem>>, vector<1x128xf32>
    tpu.vector_store %arg7[%swap3A_58, %swap3A_59], %concatenate3A_57 {strides = array<i32>} : memref<8x128xf32, #tpu.memory_space<vmem>>, vector<1x128xf32>,
    %get3A_61 = arith.constant 1 : index
    %get3A_62 = arith.constant 0 : index
    %get3A_63 = arith.constant 0 : index
    %get3A_64 = vector.load %arg1[%get3A_61, %get3A_62, %get3A_63] : memref<8x256x128xf32, #tpu.memory_space<vmem>>, vector<1x256x128xf32>
    %get3A_65 = vector.shape_cast %get3A_64 : vector<1x256x128xf32> to vector<256x128xf32>
    %dot_general3A_66 = arith.constant dense<0.000000e+00> : vector<256x192xf32>
    %dot_general3A_67 = tpu.matmul %get3A_65, %get3A_3, %dot_general3A_66 {dimension_numbers = #tpu.dot_dimension_numbers<[1], [0], [0], [1], [0, 0, 1, 1], [], []>, transpose_lhs_hint = false} : vector<256x128xf32>, vector<128x192xf32>, vector<256x192xf32> -> vector<256x192xf32>
    %add3A_68 = vector.broadcast %get3A_6 : vector<1x192xf32> to vector<256x192xf32>
    %add3A_69 = arith.addf %dot_general3A_67, %add3A_68 : vector<256x192xf32>
    %dot_general3A_70 = arith.constant dense<0.000000e+00> : vector<256x192xf32>
    %dot_general3A_71 = tpu.matmul %add3A_43, %get3A_9, %dot_general3A_70 {dimension_numbers = #tpu.dot_dimension_numbers<[1], [0], [0], [1], [0, 0, 1, 1], [], []>, transpose_lhs_hint = false} : vector<256x64xf32>, vector<64x192xf32>, vector<256x192xf32> -> vector<256x192xf32>
    %add3A_72 = vector.broadcast %get3A_12 : vector<1x192xf32> to vector<256x192xf32>
    %add3A_73 = arith.addf %dot_general3A_71, %add3A_72 : vector<256x192xf32>
    %slice3A_74 = vector.extract_strided_slice %add3A_69 {offsets = [0, 0], sizes = [256, 128], strides = [1, 1]} : vector<256x192xf32> to vector<256x128xf32>
    %slice3A_75 = vector.extract_strided_slice %add3A_73 {offsets = [0, 0], sizes = [256, 128], strides = [1, 1]} : vector<256x192xf32> to vector<256x128xf32>
    %add3A_76 = arith.addf %slice3A_74, %slice3A_75 : vector<256x128xf32>
    %logistic3A_77 = arith.negf %add3A_76 : vector<256x128xf32>
    %logistic3A_78 = math.exp %logistic3A_77 : vector<256x128xf32>
    %logistic3A_79 = arith.constant 1.000000e+00 : f32
    %logistic3A_80 = vector.broadcast %logistic3A_79 : f32 to vector<256x128xf32>
    %logistic3A_81 = arith.addf %logistic3A_80, %logistic3A_78 : vector<256x128xf32>
    %logistic3A_82 = arith.divf %logistic3A_80, %logistic3A_81 : vector<256x128xf32>
    %slice3A_83 = vector.extract_strided_slice %logistic3A_82 {offsets = [0, 0], sizes = [256, 64], strides = [1, 1]} : vector<256x128xf32> to vector<256x64xf32>
    %slice3A_84 = vector.extract_strided_slice %logistic3A_82 {offsets = [0, 64], sizes = [256, 64], strides = [1, 1]} : vector<256x128xf32> to vector<256x64xf32>
    %slice3A_85 = vector.extract_strided_slice %add3A_69 {offsets = [0, 128], sizes = [256, 64], strides = [1, 1]} : vector<256x192xf32> to vector<256x64xf32>
    %slice3A_86 = vector.extract_strided_slice %add3A_73 {offsets = [0, 128], sizes = [256, 64], strides = [1, 1]} : vector<256x192xf32> to vector<256x64xf32>
    %mul3A_87 = arith.mulf %slice3A_83, %slice3A_86 : vector<256x64xf32>
    %add3A_88 = arith.addf %slice3A_85, %mul3A_87 : vector<256x64xf32>
    %tanh3A_89 = math.tanh %add3A_88 : vector<256x64xf32>
    %sub3A_90 = arith.constant 1.000000e+00 : f32
    %sub3A_91 = vector.broadcast %sub3A_90 : f32 to vector<256x64xf32>
    %sub3A_92 = arith.subf %sub3A_91, %slice3A_84 : vector<256x64xf32>
    %mul3A_93 = arith.mulf %sub3A_92, %tanh3A_89 : vector<256x64xf32>
    %mul3A_94 = arith.mulf %slice3A_84, %add3A_43 : vector<256x64xf32>
    %add3A_95 = arith.addf %mul3A_93, %mul3A_94 : vector<256x64xf32>
    %concatenate3A_96 = tpu.concatenate %add3A_95, %add3A_95 in 1 : vector<256x64xf32>, vector<256x64xf32> -> vector<256x128xf32>
    %swap3A_97 = arith.constant 1 : index
    %swap3A_98 = arith.constant 0 : index
    %swap3A_99 = arith.constant 0 : index
    %swap3A_100 = vector.load %arg6[%swap3A_97, %swap3A_98, %swap3A_99] : memref<8x256x128xf32, #tpu.memory_space<vmem>>, vector<1x256x128xf32>
    %swap3A_101 = vector.shape_cast %swap3A_100 : vector<1x256x128xf32> to vector<256x128xf32>
    %swap3A_102 = vector.shape_cast %concatenate3A_96 : vector<256x128xf32> to vector<1x256x128xf32>
    tpu.vector_store %arg6[%swap3A_97, %swap3A_98, %swap3A_99], %swap3A_102 {strides = array<i32>} : memref<8x256x128xf32, #tpu.memory_space<vmem>>, vector<1x256x128xf32>,
    %reduce_sum3A_103 = arith.constant dense<0.000000e+00> : vector<64xf32>
    %reduce_sum3A_104 = vector.multi_reduction <add>, %add3A_95, %reduce_sum3A_103 [0] : vector<256x64xf32> to vector<64xf32>
    %broadcast_in_dim3A_105 = vector.shape_cast %reduce_sum3A_104 : vector<64xf32> to vector<1x64xf32>
    %ne3A_106 = arith.constant 0.000000e+00 : f32
    %ne3A_107 = vector.broadcast %ne3A_106 : f32 to vector<256x64xf32>
    %ne3A_108 = arith.cmpf one, %add3A_95, %ne3A_107 : vector<256x64xf32>
    %convert_element_type3A_109 = arith.extui %ne3A_108 : vector<256x64xi1> to vector<256x64xi32>
    %convert_element_type3A_110 = arith.sitofp %convert_element_type3A_109 : vector<256x64xi32> to vector<256x64xf32>
    %reduce_sum3A_111 = arith.constant dense<0.000000e+00> : vector<64xf32>
    %reduce_sum3A_112 = vector.multi_reduction <add>, %convert_element_type3A_110, %reduce_sum3A_111 [0] : vector<256x64xf32> to vector<64xf32>
    %broadcast_in_dim3A_113 = vector.shape_cast %reduce_sum3A_112 : vector<64xf32> to vector<1x64xf32>
    %concatenate3A_114 = tpu.concatenate %broadcast_in_dim3A_105, %broadcast_in_dim3A_113 in 1 : vector<1x64xf32>, vector<1x64xf32> -> vector<1x128xf32>
    %swap3A_115 = arith.constant 1 : index
    %swap3A_116 = arith.constant 0 : index
    %swap3A_117 = vector.load %arg7[%swap3A_115, %swap3A_116] : memref<8x128xf32, #tpu.memory_space<vmem>>, vector<1x128xf32>
    tpu.vector_store %arg7[%swap3A_115, %swap3A_116], %concatenate3A_114 {strides = array<i32>} : memref<8x128xf32, #tpu.memory_space<vmem>>, vector<1x128xf32>,
    %get3A_118 = arith.constant 2 : index
    %get3A_119 = arith.constant 0 : index
    %get3A_120 = arith.constant 0 : index
    %get3A_121 = vector.load %arg1[%get3A_118, %get3A_119, %get3A_120] : memref<8x256x128xf32, #tpu.memory_space<vmem>>, vector<1x256x128xf32>
    %get3A_122 = vector.shape_cast %get3A_121 : vector<1x256x128xf32> to vector<256x128xf32>
    %dot_general3A_123 = arith.constant dense<0.000000e+00> : vector<256x192xf32>
    %dot_general3A_124 = tpu.matmul %get3A_122, %get3A_3, %dot_general3A_123 {dimension_numbers = #tpu.dot_dimension_numbers<[1], [0], [0], [1], [0, 0, 1, 1], [], []>, transpose_lhs_hint = false} : vector<256x128xf32>, vector<128x192xf32>, vector<256x192xf32> -> vector<256x192xf32>
    %add3A_125 = vector.broadcast %get3A_6 : vector<1x192xf32> to vector<256x192xf32>
    %add3A_126 = arith.addf %dot_general3A_124, %add3A_125 : vector<256x192xf32>
    %dot_general3A_127 = arith.constant dense<0.000000e+00> : vector<256x192xf32>
    %dot_general3A_128 = tpu.matmul %add3A_95, %get3A_9, %dot_general3A_127 {dimension_numbers = #tpu.dot_dimension_numbers<[1], [0], [0], [1], [0, 0, 1, 1], [], []>, transpose_lhs_hint = false} : vector<256x64xf32>, vector<64x192xf32>, vector<256x192xf32> -> vector<256x192xf32>
    %add3A_129 = vector.broadcast %get3A_12 : vector<1x192xf32> to vector<256x192xf32>
    %add3A_130 = arith.addf %dot_general3A_128, %add3A_129 : vector<256x192xf32>
    %slice3A_131 = vector.extract_strided_slice %add3A_126 {offsets = [0, 0], sizes = [256, 128], strides = [1, 1]} : vector<256x192xf32> to vector<256x128xf32>
    %slice3A_132 = vector.extract_strided_slice %add3A_130 {offsets = [0, 0], sizes = [256, 128], strides = [1, 1]} : vector<256x192xf32> to vector<256x128xf32>
    %add3A_133 = arith.addf %slice3A_131, %slice3A_132 : vector<256x128xf32>
    %logistic3A_134 = arith.negf %add3A_133 : vector<256x128xf32>
    %logistic3A_135 = math.exp %logistic3A_134 : vector<256x128xf32>
    %logistic3A_136 = arith.constant 1.000000e+00 : f32
    %logistic3A_137 = vector.broadcast %logistic3A_136 : f32 to vector<256x128xf32>
    %logistic3A_138 = arith.addf %logistic3A_137, %logistic3A_135 : vector<256x128xf32>
    %logistic3A_139 = arith.divf %logistic3A_137, %logistic3A_138 : vector<256x128xf32>
    %slice3A_140 = vector.extract_strided_slice %logistic3A_139 {offsets = [0, 0], sizes = [256, 64], strides = [1, 1]} : vector<256x128xf32> to vector<256x64xf32>
    %slice3A_141 = vector.extract_strided_slice %logistic3A_139 {offsets = [0, 64], sizes = [256, 64], strides = [1, 1]} : vector<256x128xf32> to vector<256x64xf32>
    %slice3A_142 = vector.extract_strided_slice %add3A_126 {offsets = [0, 128], sizes = [256, 64], strides = [1, 1]} : vector<256x192xf32> to vector<256x64xf32>
    %slice3A_143 = vector.extract_strided_slice %add3A_130 {offsets = [0, 128], sizes = [256, 64], strides = [1, 1]} : vector<256x192xf32> to vector<256x64xf32>
    %mul3A_144 = arith.mulf %slice3A_140, %slice3A_143 : vector<256x64xf32>
    %add3A_145 = arith.addf %slice3A_142, %mul3A_144 : vector<256x64xf32>
    %tanh3A_146 = math.tanh %add3A_145 : vector<256x64xf32>
    %sub3A_147 = arith.constant 1.000000e+00 : f32
    %sub3A_148 = vector.broadcast %sub3A_147 : f32 to vector<256x64xf32>
    %sub3A_149 = arith.subf %sub3A_148, %slice3A_141 : vector<256x64xf32>
    %mul3A_150 = arith.mulf %sub3A_149, %tanh3A_146 : vector<256x64xf32>
    %mul3A_151 = arith.mulf %slice3A_141, %add3A_95 : vector<256x64xf32>
    %add3A_152 = arith.addf %mul3A_150, %mul3A_151 : vector<256x64xf32>
    %concatenate3A_153 = tpu.concatenate %add3A_152, %add3A_152 in 1 : vector<256x64xf32>, vector<256x64xf32> -> vector<256x128xf32>
    %swap3A_154 = arith.constant 2 : index
    %swap3A_155 = arith.constant 0 : index
    %swap3A_156 = arith.constant 0 : index
    %swap3A_157 = vector.load %arg6[%swap3A_154, %swap3A_155, %swap3A_156] : memref<8x256x128xf32, #tpu.memory_space<vmem>>, vector<1x256x128xf32>
    %swap3A_158 = vector.shape_cast %swap3A_157 : vector<1x256x128xf32> to vector<256x128xf32>
    %swap3A_159 = vector.shape_cast %concatenate3A_153 : vector<256x128xf32> to vector<1x256x128xf32>
    tpu.vector_store %arg6[%swap3A_154, %swap3A_155, %swap3A_156], %swap3A_159 {strides = array<i32>} : memref<8x256x128xf32, #tpu.memory_space<vmem>>, vector<1x256x128xf32>,
    %reduce_sum3A_160 = arith.constant dense<0.000000e+00> : vector<64xf32>
    %reduce_sum3A_161 = vector.multi_reduction <add>, %add3A_152, %reduce_sum3A_160 [0] : vector<256x64xf32> to vector<64xf32>
    %broadcast_in_dim3A_162 = vector.shape_cast %reduce_sum3A_161 : vector<64xf32> to vector<1x64xf32>
    %ne3A_163 = arith.constant 0.000000e+00 : f32
    %ne3A_164 = vector.broadcast %ne3A_163 : f32 to vector<256x64xf32>
    %ne3A_165 = arith.cmpf one, %add3A_152, %ne3A_164 : vector<256x64xf32>
    %convert_element_type3A_166 = arith.extui %ne3A_165 : vector<256x64xi1> to vector<256x64xi32>
    %convert_element_type3A_167 = arith.sitofp %convert_element_type3A_166 : vector<256x64xi32> to vector<256x64xf32>
    %reduce_sum3A_168 = arith.constant dense<0.000000e+00> : vector<64xf32>
    %reduce_sum3A_169 = vector.multi_reduction <add>, %convert_element_type3A_167, %reduce_sum3A_168 [0] : vector<256x64xf32> to vector<64xf32>
    %broadcast_in_dim3A_170 = vector.shape_cast %reduce_sum3A_169 : vector<64xf32> to vector<1x64xf32>
    %concatenate3A_171 = tpu.concatenate %broadcast_in_dim3A_162, %broadcast_in_dim3A_170 in 1 : vector<1x64xf32>, vector<1x64xf32> -> vector<1x128xf32>
    %swap3A_172 = arith.constant 2 : index
    %swap3A_173 = arith.constant 0 : index
    %swap3A_174 = vector.load %arg7[%swap3A_172, %swap3A_173] : memref<8x128xf32, #tpu.memory_space<vmem>>, vector<1x128xf32>
    tpu.vector_store %arg7[%swap3A_172, %swap3A_173], %concatenate3A_171 {strides = array<i32>} : memref<8x128xf32, #tpu.memory_space<vmem>>, vector<1x128xf32>,
    %get3A_175 = arith.constant 3 : index
    %get3A_176 = arith.constant 0 : index
    %get3A_177 = arith.constant 0 : index
    %get3A_178 = vector.load %arg1[%get3A_175, %get3A_176, %get3A_177] : memref<8x256x128xf32, #tpu.memory_space<vmem>>, vector<1x256x128xf32>
    %get3A_179 = vector.shape_cast %get3A_178 : vector<1x256x128xf32> to vector<256x128xf32>
    %dot_general3A_180 = arith.constant dense<0.000000e+00> : vector<256x192xf32>
    %dot_general3A_181 = tpu.matmul %get3A_179, %get3A_3, %dot_general3A_180 {dimension_numbers = #tpu.dot_dimension_numbers<[1], [0], [0], [1], [0, 0, 1, 1], [], []>, transpose_lhs_hint = false} : vector<256x128xf32>, vector<128x192xf32>, vector<256x192xf32> -> vector<256x192xf32>
    %add3A_182 = vector.broadcast %get3A_6 : vector<1x192xf32> to vector<256x192xf32>
    %add3A_183 = arith.addf %dot_general3A_181, %add3A_182 : vector<256x192xf32>
    %dot_general3A_184 = arith.constant dense<0.000000e+00> : vector<256x192xf32>
    %dot_general3A_185 = tpu.matmul %add3A_152, %get3A_9, %dot_general3A_184 {dimension_numbers = #tpu.dot_dimension_numbers<[1], [0], [0], [1], [0, 0, 1, 1], [], []>, transpose_lhs_hint = false} : vector<256x64xf32>, vector<64x192xf32>, vector<256x192xf32> -> vector<256x192xf32>
    %add3A_186 = vector.broadcast %get3A_12 : vector<1x192xf32> to vector<256x192xf32>
    %add3A_187 = arith.addf %dot_general3A_185, %add3A_186 : vector<256x192xf32>
    %slice3A_188 = vector.extract_strided_slice %add3A_183 {offsets = [0, 0], sizes = [256, 128], strides = [1, 1]} : vector<256x192xf32> to vector<256x128xf32>
    %slice3A_189 = vector.extract_strided_slice %add3A_187 {offsets = [0, 0], sizes = [256, 128], strides = [1, 1]} : vector<256x192xf32> to vector<256x128xf32>
    %add3A_190 = arith.addf %slice3A_188, %slice3A_189 : vector<256x128xf32>
    %logistic3A_191 = arith.negf %add3A_190 : vector<256x128xf32>
    %logistic3A_192 = math.exp %logistic3A_191 : vector<256x128xf32>
    %logistic3A_193 = arith.constant 1.000000e+00 : f32
    %logistic3A_194 = vector.broadcast %logistic3A_193 : f32 to vector<256x128xf32>
    %logistic3A_195 = arith.addf %logistic3A_194, %logistic3A_192 : vector<256x128xf32>
    %logistic3A_196 = arith.divf %logistic3A_194, %logistic3A_195 : vector<256x128xf32>
    %slice3A_197 = vector.extract_strided_slice %logistic3A_196 {offsets = [0, 0], sizes = [256, 64], strides = [1, 1]} : vector<256x128xf32> to vector<256x64xf32>
    %slice3A_198 = vector.extract_strided_slice %logistic3A_196 {offsets = [0, 64], sizes = [256, 64], strides = [1, 1]} : vector<256x128xf32> to vector<256x64xf32>
    %slice3A_199 = vector.extract_strided_slice %add3A_183 {offsets = [0, 128], sizes = [256, 64], strides = [1, 1]} : vector<256x192xf32> to vector<256x64xf32>
    %slice3A_200 = vector.extract_strided_slice %add3A_187 {offsets = [0, 128], sizes = [256, 64], strides = [1, 1]} : vector<256x192xf32> to vector<256x64xf32>
    %mul3A_201 = arith.mulf %slice3A_197, %slice3A_200 : vector<256x64xf32>
    %add3A_202 = arith.addf %slice3A_199, %mul3A_201 : vector<256x64xf32>
    %tanh3A_203 = math.tanh %add3A_202 : vector<256x64xf32>
    %sub3A_204 = arith.constant 1.000000e+00 : f32
    %sub3A_205 = vector.broadcast %sub3A_204 : f32 to vector<256x64xf32>
    %sub3A_206 = arith.subf %sub3A_205, %slice3A_198 : vector<256x64xf32>
    %mul3A_207 = arith.mulf %sub3A_206, %tanh3A_203 : vector<256x64xf32>
    %mul3A_208 = arith.mulf %slice3A_198, %add3A_152 : vector<256x64xf32>
    %add3A_209 = arith.addf %mul3A_207, %mul3A_208 : vector<256x64xf32>
    %concatenate3A_210 = tpu.concatenate %add3A_209, %add3A_209 in 1 : vector<256x64xf32>, vector<256x64xf32> -> vector<256x128xf32>
    %swap3A_211 = arith.constant 3 : index
    %swap3A_212 = arith.constant 0 : index
    %swap3A_213 = arith.constant 0 : index
    %swap3A_214 = vector.load %arg6[%swap3A_211, %swap3A_212, %swap3A_213] : memref<8x256x128xf32, #tpu.memory_space<vmem>>, vector<1x256x128xf32>
    %swap3A_215 = vector.shape_cast %swap3A_214 : vector<1x256x128xf32> to vector<256x128xf32>
    %swap3A_216 = vector.shape_cast %concatenate3A_210 : vector<256x128xf32> to vector<1x256x128xf32>
    tpu.vector_store %arg6[%swap3A_211, %swap3A_212, %swap3A_213], %swap3A_216 {strides = array<i32>} : memref<8x256x128xf32, #tpu.memory_space<vmem>>, vector<1x256x128xf32>,
    %reduce_sum3A_217 = arith.constant dense<0.000000e+00> : vector<64xf32>
    %reduce_sum3A_218 = vector.multi_reduction <add>, %add3A_209, %reduce_sum3A_217 [0] : vector<256x64xf32> to vector<64xf32>
    %broadcast_in_dim3A_219 = vector.shape_cast %reduce_sum3A_218 : vector<64xf32> to vector<1x64xf32>
    %ne3A_220 = arith.constant 0.000000e+00 : f32
    %ne3A_221 = vector.broadcast %ne3A_220 : f32 to vector<256x64xf32>
    %ne3A_222 = arith.cmpf one, %add3A_209, %ne3A_221 : vector<256x64xf32>
    %convert_element_type3A_223 = arith.extui %ne3A_222 : vector<256x64xi1> to vector<256x64xi32>
    %convert_element_type3A_224 = arith.sitofp %convert_element_type3A_223 : vector<256x64xi32> to vector<256x64xf32>
    %reduce_sum3A_225 = arith.constant dense<0.000000e+00> : vector<64xf32>
    %reduce_sum3A_226 = vector.multi_reduction <add>, %convert_element_type3A_224, %reduce_sum3A_225 [0] : vector<256x64xf32> to vector<64xf32>
    %broadcast_in_dim3A_227 = vector.shape_cast %reduce_sum3A_226 : vector<64xf32> to vector<1x64xf32>
    %concatenate3A_228 = tpu.concatenate %broadcast_in_dim3A_219, %broadcast_in_dim3A_227 in 1 : vector<1x64xf32>, vector<1x64xf32> -> vector<1x128xf32>
    %swap3A_229 = arith.constant 3 : index
    %swap3A_230 = arith.constant 0 : index
    %swap3A_231 = vector.load %arg7[%swap3A_229, %swap3A_230] : memref<8x128xf32, #tpu.memory_space<vmem>>, vector<1x128xf32>
    tpu.vector_store %arg7[%swap3A_229, %swap3A_230], %concatenate3A_228 {strides = array<i32>} : memref<8x128xf32, #tpu.memory_space<vmem>>, vector<1x128xf32>,
    %get3A_232 = arith.constant 4 : index
    %get3A_233 = arith.constant 0 : index
    %get3A_234 = arith.constant 0 : index
    %get3A_235 = vector.load %arg1[%get3A_232, %get3A_233, %get3A_234] : memref<8x256x128xf32, #tpu.memory_space<vmem>>, vector<1x256x128xf32>
    %get3A_236 = vector.shape_cast %get3A_235 : vector<1x256x128xf32> to vector<256x128xf32>
    %dot_general3A_237 = arith.constant dense<0.000000e+00> : vector<256x192xf32>
    %dot_general3A_238 = tpu.matmul %get3A_236, %get3A_3, %dot_general3A_237 {dimension_numbers = #tpu.dot_dimension_numbers<[1], [0], [0], [1], [0, 0, 1, 1], [], []>, transpose_lhs_hint = false} : vector<256x128xf32>, vector<128x192xf32>, vector<256x192xf32> -> vector<256x192xf32>
    %add3A_239 = vector.broadcast %get3A_6 : vector<1x192xf32> to vector<256x192xf32>
    %add3A_240 = arith.addf %dot_general3A_238, %add3A_239 : vector<256x192xf32>
    %dot_general3A_241 = arith.constant dense<0.000000e+00> : vector<256x192xf32>
    %dot_general3A_242 = tpu.matmul %add3A_209, %get3A_9, %dot_general3A_241 {dimension_numbers = #tpu.dot_dimension_numbers<[1], [0], [0], [1], [0, 0, 1, 1], [], []>, transpose_lhs_hint = false} : vector<256x64xf32>, vector<64x192xf32>, vector<256x192xf32> -> vector<256x192xf32>
    %add3A_243 = vector.broadcast %get3A_12 : vector<1x192xf32> to vector<256x192xf32>
    %add3A_244 = arith.addf %dot_general3A_242, %add3A_243 : vector<256x192xf32>
    %slice3A_245 = vector.extract_strided_slice %add3A_240 {offsets = [0, 0], sizes = [256, 128], strides = [1, 1]} : vector<256x192xf32> to vector<256x128xf32>
    %slice3A_246 = vector.extract_strided_slice %add3A_244 {offsets = [0, 0], sizes = [256, 128], strides = [1, 1]} : vector<256x192xf32> to vector<256x128xf32>
    %add3A_247 = arith.addf %slice3A_245, %slice3A_246 : vector<256x128xf32>
    %logistic3A_248 = arith.negf %add3A_247 : vector<256x128xf32>
    %logistic3A_249 = math.exp %logistic3A_248 : vector<256x128xf32>
    %logistic3A_250 = arith.constant 1.000000e+00 : f32
    %logistic3A_251 = vector.broadcast %logistic3A_250 : f32 to vector<256x128xf32>
    %logistic3A_252 = arith.addf %logistic3A_251, %logistic3A_249 : vector<256x128xf32>
    %logistic3A_253 = arith.divf %logistic3A_251, %logistic3A_252 : vector<256x128xf32>
    %slice3A_254 = vector.extract_strided_slice %logistic3A_253 {offsets = [0, 0], sizes = [256, 64], strides = [1, 1]} : vector<256x128xf32> to vector<256x64xf32>
    %slice3A_255 = vector.extract_strided_slice %logistic3A_253 {offsets = [0, 64], sizes = [256, 64], strides = [1, 1]} : vector<256x128xf32> to vector<256x64xf32>
    %slice3A_256 = vector.extract_strided_slice %add3A_240 {offsets = [0, 128], sizes = [256, 64], strides = [1, 1]} : vector<256x192xf32> to vector<256x64xf32>
    %slice3A_257 = vector.extract_strided_slice %add3A_244 {offsets = [0, 128], sizes = [256, 64], strides = [1, 1]} : vector<256x192xf32> to vector<256x64xf32>
    %mul3A_258 = arith.mulf %slice3A_254, %slice3A_257 : vector<256x64xf32>
    %add3A_259 = arith.addf %slice3A_256, %mul3A_258 : vector<256x64xf32>
    %tanh3A_260 = math.tanh %add3A_259 : vector<256x64xf32>
    %sub3A_261 = arith.constant 1.000000e+00 : f32
    %sub3A_262 = vector.broadcast %sub3A_261 : f32 to vector<256x64xf32>
    %sub3A_263 = arith.subf %sub3A_262, %slice3A_255 : vector<256x64xf32>
    %mul3A_264 = arith.mulf %sub3A_263, %tanh3A_260 : vector<256x64xf32>
    %mul3A_265 = arith.mulf %slice3A_255, %add3A_209 : vector<256x64xf32>
    %add3A_266 = arith.addf %mul3A_264, %mul3A_265 : vector<256x64xf32>
    %concatenate3A_267 = tpu.concatenate %add3A_266, %add3A_266 in 1 : vector<256x64xf32>, vector<256x64xf32> -> vector<256x128xf32>
    %swap3A_268 = arith.constant 4 : index
    %swap3A_269 = arith.constant 0 : index
    %swap3A_270 = arith.constant 0 : index
    %swap3A_271 = vector.load %arg6[%swap3A_268, %swap3A_269, %swap3A_270] : memref<8x256x128xf32, #tpu.memory_space<vmem>>, vector<1x256x128xf32>
    %swap3A_272 = vector.shape_cast %swap3A_271 : vector<1x256x128xf32> to vector<256x128xf32>
    %swap3A_273 = vector.shape_cast %concatenate3A_267 : vector<256x128xf32> to vector<1x256x128xf32>
    tpu.vector_store %arg6[%swap3A_268, %swap3A_269, %swap3A_270], %swap3A_273 {strides = array<i32>} : memref<8x256x128xf32, #tpu.memory_space<vmem>>, vector<1x256x128xf32>,
    %reduce_sum3A_274 = arith.constant dense<0.000000e+00> : vector<64xf32>
    %reduce_sum3A_275 = vector.multi_reduction <add>, %add3A_266, %reduce_sum3A_274 [0] : vector<256x64xf32> to vector<64xf32>
    %broadcast_in_dim3A_276 = vector.shape_cast %reduce_sum3A_275 : vector<64xf32> to vector<1x64xf32>
    %ne3A_277 = arith.constant 0.000000e+00 : f32
    %ne3A_278 = vector.broadcast %ne3A_277 : f32 to vector<256x64xf32>
    %ne3A_279 = arith.cmpf one, %add3A_266, %ne3A_278 : vector<256x64xf32>
    %convert_element_type3A_280 = arith.extui %ne3A_279 : vector<256x64xi1> to vector<256x64xi32>
    %convert_element_type3A_281 = arith.sitofp %convert_element_type3A_280 : vector<256x64xi32> to vector<256x64xf32>
    %reduce_sum3A_282 = arith.constant dense<0.000000e+00> : vector<64xf32>
    %reduce_sum3A_283 = vector.multi_reduction <add>, %convert_element_type3A_281, %reduce_sum3A_282 [0] : vector<256x64xf32> to vector<64xf32>
    %broadcast_in_dim3A_284 = vector.shape_cast %reduce_sum3A_283 : vector<64xf32> to vector<1x64xf32>
    %concatenate3A_285 = tpu.concatenate %broadcast_in_dim3A_276, %broadcast_in_dim3A_284 in 1 : vector<1x64xf32>, vector<1x64xf32> -> vector<1x128xf32>
    %swap3A_286 = arith.constant 4 : index
    %swap3A_287 = arith.constant 0 : index
    %swap3A_288 = vector.load %arg7[%swap3A_286, %swap3A_287] : memref<8x128xf32, #tpu.memory_space<vmem>>, vector<1x128xf32>
    tpu.vector_store %arg7[%swap3A_286, %swap3A_287], %concatenate3A_285 {strides = array<i32>} : memref<8x128xf32, #tpu.memory_space<vmem>>, vector<1x128xf32>,
    %get3A_289 = arith.constant 5 : index
    %get3A_290 = arith.constant 0 : index
    %get3A_291 = arith.constant 0 : index
    %get3A_292 = vector.load %arg1[%get3A_289, %get3A_290, %get3A_291] : memref<8x256x128xf32, #tpu.memory_space<vmem>>, vector<1x256x128xf32>
    %get3A_293 = vector.shape_cast %get3A_292 : vector<1x256x128xf32> to vector<256x128xf32>
    %dot_general3A_294 = arith.constant dense<0.000000e+00> : vector<256x192xf32>
    %dot_general3A_295 = tpu.matmul %get3A_293, %get3A_3, %dot_general3A_294 {dimension_numbers = #tpu.dot_dimension_numbers<[1], [0], [0], [1], [0, 0, 1, 1], [], []>, transpose_lhs_hint = false} : vector<256x128xf32>, vector<128x192xf32>, vector<256x192xf32> -> vector<256x192xf32>
    %add3A_296 = vector.broadcast %get3A_6 : vector<1x192xf32> to vector<256x192xf32>
    %add3A_297 = arith.addf %dot_general3A_295, %add3A_296 : vector<256x192xf32>
    %dot_general3A_298 = arith.constant dense<0.000000e+00> : vector<256x192xf32>
    %dot_general3A_299 = tpu.matmul %add3A_266, %get3A_9, %dot_general3A_298 {dimension_numbers = #tpu.dot_dimension_numbers<[1], [0], [0], [1], [0, 0, 1, 1], [], []>, transpose_lhs_hint = false} : vector<256x64xf32>, vector<64x192xf32>, vector<256x192xf32> -> vector<256x192xf32>
    %add3A_300 = vector.broadcast %get3A_12 : vector<1x192xf32> to vector<256x192xf32>
    %add3A_301 = arith.addf %dot_general3A_299, %add3A_300 : vector<256x192xf32>
    %slice3A_302 = vector.extract_strided_slice %add3A_297 {offsets = [0, 0], sizes = [256, 128], strides = [1, 1]} : vector<256x192xf32> to vector<256x128xf32>
    %slice3A_303 = vector.extract_strided_slice %add3A_301 {offsets = [0, 0], sizes = [256, 128], strides = [1, 1]} : vector<256x192xf32> to vector<256x128xf32>
    %add3A_304 = arith.addf %slice3A_302, %slice3A_303 : vector<256x128xf32>
    %logistic3A_305 = arith.negf %add3A_304 : vector<256x128xf32>
    %logistic3A_306 = math.exp %logistic3A_305 : vector<256x128xf32>
    %logistic3A_307 = arith.constant 1.000000e+00 : f32
    %logistic3A_308 = vector.broadcast %logistic3A_307 : f32 to vector<256x128xf32>
    %logistic3A_309 = arith.addf %logistic3A_308, %logistic3A_306 : vector<256x128xf32>
    %logistic3A_310 = arith.divf %logistic3A_308, %logistic3A_309 : vector<256x128xf32>
    %slice3A_311 = vector.extract_strided_slice %logistic3A_310 {offsets = [0, 0], sizes = [256, 64], strides = [1, 1]} : vector<256x128xf32> to vector<256x64xf32>
    %slice3A_312 = vector.extract_strided_slice %logistic3A_310 {offsets = [0, 64], sizes = [256, 64], strides = [1, 1]} : vector<256x128xf32> to vector<256x64xf32>
    %slice3A_313 = vector.extract_strided_slice %add3A_297 {offsets = [0, 128], sizes = [256, 64], strides = [1, 1]} : vector<256x192xf32> to vector<256x64xf32>
    %slice3A_314 = vector.extract_strided_slice %add3A_301 {offsets = [0, 128], sizes = [256, 64], strides = [1, 1]} : vector<256x192xf32> to vector<256x64xf32>
    %mul3A_315 = arith.mulf %slice3A_311, %slice3A_314 : vector<256x64xf32>
    %add3A_316 = arith.addf %slice3A_313, %mul3A_315 : vector<256x64xf32>
    %tanh3A_317 = math.tanh %add3A_316 : vector<256x64xf32>
    %sub3A_318 = arith.constant 1.000000e+00 : f32
    %sub3A_319 = vector.broadcast %sub3A_318 : f32 to vector<256x64xf32>
    %sub3A_320 = arith.subf %sub3A_319, %slice3A_312 : vector<256x64xf32>
    %mul3A_321 = arith.mulf %sub3A_320, %tanh3A_317 : vector<256x64xf32>
    %mul3A_322 = arith.mulf %slice3A_312, %add3A_266 : vector<256x64xf32>
    %add3A_323 = arith.addf %mul3A_321, %mul3A_322 : vector<256x64xf32>
    %concatenate3A_324 = tpu.concatenate %add3A_323, %add3A_323 in 1 : vector<256x64xf32>, vector<256x64xf32> -> vector<256x128xf32>
    %swap3A_325 = arith.constant 5 : index
    %swap3A_326 = arith.constant 0 : index
    %swap3A_327 = arith.constant 0 : index
    %swap3A_328 = vector.load %arg6[%swap3A_325, %swap3A_326, %swap3A_327] : memref<8x256x128xf32, #tpu.memory_space<vmem>>, vector<1x256x128xf32>
    %swap3A_329 = vector.shape_cast %swap3A_328 : vector<1x256x128xf32> to vector<256x128xf32>
    %swap3A_330 = vector.shape_cast %concatenate3A_324 : vector<256x128xf32> to vector<1x256x128xf32>
    tpu.vector_store %arg6[%swap3A_325, %swap3A_326, %swap3A_327], %swap3A_330 {strides = array<i32>} : memref<8x256x128xf32, #tpu.memory_space<vmem>>, vector<1x256x128xf32>,
    %reduce_sum3A_331 = arith.constant dense<0.000000e+00> : vector<64xf32>
    %reduce_sum3A_332 = vector.multi_reduction <add>, %add3A_323, %reduce_sum3A_331 [0] : vector<256x64xf32> to vector<64xf32>
    %broadcast_in_dim3A_333 = vector.shape_cast %reduce_sum3A_332 : vector<64xf32> to vector<1x64xf32>
    %ne3A_334 = arith.constant 0.000000e+00 : f32
    %ne3A_335 = vector.broadcast %ne3A_334 : f32 to vector<256x64xf32>
    %ne3A_336 = arith.cmpf one, %add3A_323, %ne3A_335 : vector<256x64xf32>
    %convert_element_type3A_337 = arith.extui %ne3A_336 : vector<256x64xi1> to vector<256x64xi32>
    %convert_element_type3A_338 = arith.sitofp %convert_element_type3A_337 : vector<256x64xi32> to vector<256x64xf32>
    %reduce_sum3A_339 = arith.constant dense<0.000000e+00> : vector<64xf32>
    %reduce_sum3A_340 = vector.multi_reduction <add>, %convert_element_type3A_338, %reduce_sum3A_339 [0] : vector<256x64xf32> to vector<64xf32>
    %broadcast_in_dim3A_341 = vector.shape_cast %reduce_sum3A_340 : vector<64xf32> to vector<1x64xf32>
    %concatenate3A_342 = tpu.concatenate %broadcast_in_dim3A_333, %broadcast_in_dim3A_341 in 1 : vector<1x64xf32>, vector<1x64xf32> -> vector<1x128xf32>
    %swap3A_343 = arith.constant 5 : index
    %swap3A_344 = arith.constant 0 : index
    %swap3A_345 = vector.load %arg7[%swap3A_343, %swap3A_344] : memref<8x128xf32, #tpu.memory_space<vmem>>, vector<1x128xf32>
    tpu.vector_store %arg7[%swap3A_343, %swap3A_344], %concatenate3A_342 {strides = array<i32>} : memref<8x128xf32, #tpu.memory_space<vmem>>, vector<1x128xf32>,
    %get3A_346 = arith.constant 6 : index
    %get3A_347 = arith.constant 0 : index
    %get3A_348 = arith.constant 0 : index
    %get3A_349 = vector.load %arg1[%get3A_346, %get3A_347, %get3A_348] : memref<8x256x128xf32, #tpu.memory_space<vmem>>, vector<1x256x128xf32>
    %get3A_350 = vector.shape_cast %get3A_349 : vector<1x256x128xf32> to vector<256x128xf32>
    %dot_general3A_351 = arith.constant dense<0.000000e+00> : vector<256x192xf32>
    %dot_general3A_352 = tpu.matmul %get3A_350, %get3A_3, %dot_general3A_351 {dimension_numbers = #tpu.dot_dimension_numbers<[1], [0], [0], [1], [0, 0, 1, 1], [], []>, transpose_lhs_hint = false} : vector<256x128xf32>, vector<128x192xf32>, vector<256x192xf32> -> vector<256x192xf32>
    %add3A_353 = vector.broadcast %get3A_6 : vector<1x192xf32> to vector<256x192xf32>
    %add3A_354 = arith.addf %dot_general3A_352, %add3A_353 : vector<256x192xf32>
    %dot_general3A_355 = arith.constant dense<0.000000e+00> : vector<256x192xf32>
    %dot_general3A_356 = tpu.matmul %add3A_323, %get3A_9, %dot_general3A_355 {dimension_numbers = #tpu.dot_dimension_numbers<[1], [0], [0], [1], [0, 0, 1, 1], [], []>, transpose_lhs_hint = false} : vector<256x64xf32>, vector<64x192xf32>, vector<256x192xf32> -> vector<256x192xf32>
    %add3A_357 = vector.broadcast %get3A_12 : vector<1x192xf32> to vector<256x192xf32>
    %add3A_358 = arith.addf %dot_general3A_356, %add3A_357 : vector<256x192xf32>
    %slice3A_359 = vector.extract_strided_slice %add3A_354 {offsets = [0, 0], sizes = [256, 128], strides = [1, 1]} : vector<256x192xf32> to vector<256x128xf32>
    %slice3A_360 = vector.extract_strided_slice %add3A_358 {offsets = [0, 0], sizes = [256, 128], strides = [1, 1]} : vector<256x192xf32> to vector<256x128xf32>
    %add3A_361 = arith.addf %slice3A_359, %slice3A_360 : vector<256x128xf32>
    %logistic3A_362 = arith.negf %add3A_361 : vector<256x128xf32>
    %logistic3A_363 = math.exp %logistic3A_362 : vector<256x128xf32>
    %logistic3A_364 = arith.constant 1.000000e+00 : f32
    %logistic3A_365 = vector.broadcast %logistic3A_364 : f32 to vector<256x128xf32>
    %logistic3A_366 = arith.addf %logistic3A_365, %logistic3A_363 : vector<256x128xf32>
    %logistic3A_367 = arith.divf %logistic3A_365, %logistic3A_366 : vector<256x128xf32>
    %slice3A_368 = vector.extract_strided_slice %logistic3A_367 {offsets = [0, 0], sizes = [256, 64], strides = [1, 1]} : vector<256x128xf32> to vector<256x64xf32>
    %slice3A_369 = vector.extract_strided_slice %logistic3A_367 {offsets = [0, 64], sizes = [256, 64], strides = [1, 1]} : vector<256x128xf32> to vector<256x64xf32>
    %slice3A_370 = vector.extract_strided_slice %add3A_354 {offsets = [0, 128], sizes = [256, 64], strides = [1, 1]} : vector<256x192xf32> to vector<256x64xf32>
    %slice3A_371 = vector.extract_strided_slice %add3A_358 {offsets = [0, 128], sizes = [256, 64], strides = [1, 1]} : vector<256x192xf32> to vector<256x64xf32>
    %mul3A_372 = arith.mulf %slice3A_368, %slice3A_371 : vector<256x64xf32>
    %add3A_373 = arith.addf %slice3A_370, %mul3A_372 : vector<256x64xf32>
    %tanh3A_374 = math.tanh %add3A_373 : vector<256x64xf32>
    %sub3A_375 = arith.constant 1.000000e+00 : f32
    %sub3A_376 = vector.broadcast %sub3A_375 : f32 to vector<256x64xf32>
    %sub3A_377 = arith.subf %sub3A_376, %slice3A_369 : vector<256x64xf32>
    %mul3A_378 = arith.mulf %sub3A_377, %tanh3A_374 : vector<256x64xf32>
    %mul3A_379 = arith.mulf %slice3A_369, %add3A_323 : vector<256x64xf32>
    %add3A_380 = arith.addf %mul3A_378, %mul3A_379 : vector<256x64xf32>
    %concatenate3A_381 = tpu.concatenate %add3A_380, %add3A_380 in 1 : vector<256x64xf32>, vector<256x64xf32> -> vector<256x128xf32>
    %swap3A_382 = arith.constant 6 : index
    %swap3A_383 = arith.constant 0 : index
    %swap3A_384 = arith.constant 0 : index
    %swap3A_385 = vector.load %arg6[%swap3A_382, %swap3A_383, %swap3A_384] : memref<8x256x128xf32, #tpu.memory_space<vmem>>, vector<1x256x128xf32>
    %swap3A_386 = vector.shape_cast %swap3A_385 : vector<1x256x128xf32> to vector<256x128xf32>
    %swap3A_387 = vector.shape_cast %concatenate3A_381 : vector<256x128xf32> to vector<1x256x128xf32>
    tpu.vector_store %arg6[%swap3A_382, %swap3A_383, %swap3A_384], %swap3A_387 {strides = array<i32>} : memref<8x256x128xf32, #tpu.memory_space<vmem>>, vector<1x256x128xf32>,
    %reduce_sum3A_388 = arith.constant dense<0.000000e+00> : vector<64xf32>
    %reduce_sum3A_389 = vector.multi_reduction <add>, %add3A_380, %reduce_sum3A_388 [0] : vector<256x64xf32> to vector<64xf32>
    %broadcast_in_dim3A_390 = vector.shape_cast %reduce_sum3A_389 : vector<64xf32> to vector<1x64xf32>
    %ne3A_391 = arith.constant 0.000000e+00 : f32
    %ne3A_392 = vector.broadcast %ne3A_391 : f32 to vector<256x64xf32>
    %ne3A_393 = arith.cmpf one, %add3A_380, %ne3A_392 : vector<256x64xf32>
    %convert_element_type3A_394 = arith.extui %ne3A_393 : vector<256x64xi1> to vector<256x64xi32>
    %convert_element_type3A_395 = arith.sitofp %convert_element_type3A_394 : vector<256x64xi32> to vector<256x64xf32>
    %reduce_sum3A_396 = arith.constant dense<0.000000e+00> : vector<64xf32>
    %reduce_sum3A_397 = vector.multi_reduction <add>, %convert_element_type3A_395, %reduce_sum3A_396 [0] : vector<256x64xf32> to vector<64xf32>
    %broadcast_in_dim3A_398 = vector.shape_cast %reduce_sum3A_397 : vector<64xf32> to vector<1x64xf32>
    %concatenate3A_399 = tpu.concatenate %broadcast_in_dim3A_390, %broadcast_in_dim3A_398 in 1 : vector<1x64xf32>, vector<1x64xf32> -> vector<1x128xf32>
    %swap3A_400 = arith.constant 6 : index
    %swap3A_401 = arith.constant 0 : index
    %swap3A_402 = vector.load %arg7[%swap3A_400, %swap3A_401] : memref<8x128xf32, #tpu.memory_space<vmem>>, vector<1x128xf32>
    tpu.vector_store %arg7[%swap3A_400, %swap3A_401], %concatenate3A_399 {strides = array<i32>} : memref<8x128xf32, #tpu.memory_space<vmem>>, vector<1x128xf32>,
    %get3A_403 = arith.constant 7 : index
    %get3A_404 = arith.constant 0 : index
    %get3A_405 = arith.constant 0 : index
    %get3A_406 = vector.load %arg1[%get3A_403, %get3A_404, %get3A_405] : memref<8x256x128xf32, #tpu.memory_space<vmem>>, vector<1x256x128xf32>
    %get3A_407 = vector.shape_cast %get3A_406 : vector<1x256x128xf32> to vector<256x128xf32>
    %dot_general3A_408 = arith.constant dense<0.000000e+00> : vector<256x192xf32>
    %dot_general3A_409 = tpu.matmul %get3A_407, %get3A_3, %dot_general3A_408 {dimension_numbers = #tpu.dot_dimension_numbers<[1], [0], [0], [1], [0, 0, 1, 1], [], []>, transpose_lhs_hint = false} : vector<256x128xf32>, vector<128x192xf32>, vector<256x192xf32> -> vector<256x192xf32>
    %add3A_410 = vector.broadcast %get3A_6 : vector<1x192xf32> to vector<256x192xf32>
    %add3A_411 = arith.addf %dot_general3A_409, %add3A_410 : vector<256x192xf32>
    %dot_general3A_412 = arith.constant dense<0.000000e+00> : vector<256x192xf32>
    %dot_general3A_413 = tpu.matmul %add3A_380, %get3A_9, %dot_general3A_412 {dimension_numbers = #tpu.dot_dimension_numbers<[1], [0], [0], [1], [0, 0, 1, 1], [], []>, transpose_lhs_hint = false} : vector<256x64xf32>, vector<64x192xf32>, vector<256x192xf32> -> vector<256x192xf32>
    %add3A_414 = vector.broadcast %get3A_12 : vector<1x192xf32> to vector<256x192xf32>
    %add3A_415 = arith.addf %dot_general3A_413, %add3A_414 : vector<256x192xf32>
    %slice3A_416 = vector.extract_strided_slice %add3A_411 {offsets = [0, 0], sizes = [256, 128], strides = [1, 1]} : vector<256x192xf32> to vector<256x128xf32>
    %slice3A_417 = vector.extract_strided_slice %add3A_415 {offsets = [0, 0], sizes = [256, 128], strides = [1, 1]} : vector<256x192xf32> to vector<256x128xf32>
    %add3A_418 = arith.addf %slice3A_416, %slice3A_417 : vector<256x128xf32>
    %logistic3A_419 = arith.negf %add3A_418 : vector<256x128xf32>
    %logistic3A_420 = math.exp %logistic3A_419 : vector<256x128xf32>
    %logistic3A_421 = arith.constant 1.000000e+00 : f32
    %logistic3A_422 = vector.broadcast %logistic3A_421 : f32 to vector<256x128xf32>
    %logistic3A_423 = arith.addf %logistic3A_422, %logistic3A_420 : vector<256x128xf32>
    %logistic3A_424 = arith.divf %logistic3A_422, %logistic3A_423 : vector<256x128xf32>
    %slice3A_425 = vector.extract_strided_slice %logistic3A_424 {offsets = [0, 0], sizes = [256, 64], strides = [1, 1]} : vector<256x128xf32> to vector<256x64xf32>
    %slice3A_426 = vector.extract_strided_slice %logistic3A_424 {offsets = [0, 64], sizes = [256, 64], strides = [1, 1]} : vector<256x128xf32> to vector<256x64xf32>
    %slice3A_427 = vector.extract_strided_slice %add3A_411 {offsets = [0, 128], sizes = [256, 64], strides = [1, 1]} : vector<256x192xf32> to vector<256x64xf32>
    %slice3A_428 = vector.extract_strided_slice %add3A_415 {offsets = [0, 128], sizes = [256, 64], strides = [1, 1]} : vector<256x192xf32> to vector<256x64xf32>
    %mul3A_429 = arith.mulf %slice3A_425, %slice3A_428 : vector<256x64xf32>
    %add3A_430 = arith.addf %slice3A_427, %mul3A_429 : vector<256x64xf32>
    %tanh3A_431 = math.tanh %add3A_430 : vector<256x64xf32>
    %sub3A_432 = arith.constant 1.000000e+00 : f32
    %sub3A_433 = vector.broadcast %sub3A_432 : f32 to vector<256x64xf32>
    %sub3A_434 = arith.subf %sub3A_433, %slice3A_426 : vector<256x64xf32>
    %mul3A_435 = arith.mulf %sub3A_434, %tanh3A_431 : vector<256x64xf32>
    %mul3A_436 = arith.mulf %slice3A_426, %add3A_380 : vector<256x64xf32>
    %add3A_437 = arith.addf %mul3A_435, %mul3A_436 : vector<256x64xf32>
    %concatenate3A_438 = tpu.concatenate %add3A_437, %add3A_437 in 1 : vector<256x64xf32>, vector<256x64xf32> -> vector<256x128xf32>
    %swap3A_439 = arith.constant 7 : index
    %swap3A_440 = arith.constant 0 : index
    %swap3A_441 = arith.constant 0 : index
    %swap3A_442 = vector.load %arg6[%swap3A_439, %swap3A_440, %swap3A_441] : memref<8x256x128xf32, #tpu.memory_space<vmem>>, vector<1x256x128xf32>
    %swap3A_443 = vector.shape_cast %swap3A_442 : vector<1x256x128xf32> to vector<256x128xf32>
    %swap3A_444 = vector.shape_cast %concatenate3A_438 : vector<256x128xf32> to vector<1x256x128xf32>
    tpu.vector_store %arg6[%swap3A_439, %swap3A_440, %swap3A_441], %swap3A_444 {strides = array<i32>} : memref<8x256x128xf32, #tpu.memory_space<vmem>>, vector<1x256x128xf32>,
    %reduce_sum3A_445 = arith.constant dense<0.000000e+00> : vector<64xf32>
    %reduce_sum3A_446 = vector.multi_reduction <add>, %add3A_437, %reduce_sum3A_445 [0] : vector<256x64xf32> to vector<64xf32>
    %broadcast_in_dim3A_447 = vector.shape_cast %reduce_sum3A_446 : vector<64xf32> to vector<1x64xf32>
    %ne3A_448 = arith.constant 0.000000e+00 : f32
    %ne3A_449 = vector.broadcast %ne3A_448 : f32 to vector<256x64xf32>
    %ne3A_450 = arith.cmpf one, %add3A_437, %ne3A_449 : vector<256x64xf32>
    %convert_element_type3A_451 = arith.extui %ne3A_450 : vector<256x64xi1> to vector<256x64xi32>
    %convert_element_type3A_452 = arith.sitofp %convert_element_type3A_451 : vector<256x64xi32> to vector<256x64xf32>
    %reduce_sum3A_453 = arith.constant dense<0.000000e+00> : vector<64xf32>
    %reduce_sum3A_454 = vector.multi_reduction <add>, %convert_element_type3A_452, %reduce_sum3A_453 [0] : vector<256x64xf32> to vector<64xf32>
    %broadcast_in_dim3A_455 = vector.shape_cast %reduce_sum3A_454 : vector<64xf32> to vector<1x64xf32>
    %concatenate3A_456 = tpu.concatenate %broadcast_in_dim3A_447, %broadcast_in_dim3A_455 in 1 : vector<1x64xf32>, vector<1x64xf32> -> vector<1x128xf32>
    %swap3A_457 = arith.constant 7 : index
    %swap3A_458 = arith.constant 0 : index
    %swap3A_459 = vector.load %arg7[%swap3A_457, %swap3A_458] : memref<8x128xf32, #tpu.memory_space<vmem>>, vector<1x128xf32>
    tpu.vector_store %arg7[%swap3A_457, %swap3A_458], %concatenate3A_456 {strides = array<i32>} : memref<8x128xf32, #tpu.memory_space<vmem>>, vector<1x128xf32>,
    %swap3A_460 = arith.constant 0 : index
    %swap3A_461 = arith.constant 0 : index
    %swap3A_462 = vector.load %arg8[%swap3A_460, %swap3A_461] : memref<256x64xf32, #tpu.memory_space<vmem>>, vector<256x64xf32>
    tpu.vector_store %arg8[%swap3A_460, %swap3A_461], %add3A_437 {strides = array<i32>} : memref<256x64xf32, #tpu.memory_space<vmem>>, vector<256x64xf32>,
    return
  }
  func.func @transform_0(%arg0: i32) -> (i32, i32, i32) {
    %c0_i32 = arith.constant 0 : i32
    %c0_i32_0 = arith.constant 0 : i32
    %c0_i32_1 = arith.constant 0 : i32
    return %arg0, %c0_i32, %c0_i32_0 : i32, i32, i32
  }
  func.func @transform_1(%arg0: i32) -> (i32, i32) {
    %c0_i32 = arith.constant 0 : i32
    %c0_i32_0 = arith.constant 0 : i32
    %c0_i32_1 = arith.constant 0 : i32
    return %c0_i32, %c0_i32_0 : i32, i32
  }
  func.func @transform_2(%arg0: i32) -> (i32, i32) {
    %c0_i32 = arith.constant 0 : i32
    %c0_i32_0 = arith.constant 0 : i32
    %c0_i32_1 = arith.constant 0 : i32
    return %c0_i32, %c0_i32_0 : i32, i32
  }
  func.func @transform_3(%arg0: i32) -> (i32, i32) {
    %c0_i32 = arith.constant 0 : i32
    %c0_i32_0 = arith.constant 0 : i32
    %c0_i32_1 = arith.constant 0 : i32
    return %c0_i32, %c0_i32_0 : i32, i32
  }
  func.func @transform_4(%arg0: i32) -> (i32, i32) {
    %c0_i32 = arith.constant 0 : i32
    %c0_i32_0 = arith.constant 0 : i32
    %c0_i32_1 = arith.constant 0 : i32
    return %c0_i32, %c0_i32_0 : i32, i32
  }
  func.func @transform_5(%arg0: i32) -> (i32, i32, i32) {
    %c0_i32 = arith.constant 0 : i32
    %c0_i32_0 = arith.constant 0 : i32
    %c0_i32_1 = arith.constant 0 : i32
    return %arg0, %c0_i32, %c0_i32_0 : i32, i32, i32
  }
  func.func @transform_6(%arg0: i32) -> (i32, i32) {
    %c0_i32 = arith.constant 0 : i32
    %c0_i32_0 = arith.constant 0 : i32
    return %arg0, %c0_i32 : i32, i32
  }
}

module attributes {stable_mosaic.version = 14 : i64} {
  func.func @_gru_body(%arg0: i32, %arg1: memref<8x256x128xf32, #tpu.memory_space<vmem>>, %arg2: memref<128x192xf32, #tpu.memory_space<vmem>>, %arg3: memref<64x192xf32, #tpu.memory_space<vmem>>, %arg4: memref<1x192xf32, #tpu.memory_space<vmem>>, %arg5: memref<1x192xf32, #tpu.memory_space<vmem>>, %arg6: memref<8x256x64xf32, #tpu.memory_space<vmem>>, %arg7: memref<256x64xf32, #tpu.memory_space<vmem>>) attributes {dimension_semantics = [#tpu.dimension_semantics<arbitrary>], iteration_bounds = array<i64: 32>, scalar_prefetch = 0 : i64, scratch_operands = 1 : i64, tpu.core_type = #tpu.core_type<tc>, window_params = [{transform_indices = @transform_0, window_bounds = array<i64: 8, 256, 128>}, {pipeline_mode = #tpu.pipeline_mode<synchronous>, transform_indices = @transform_1, window_bounds = array<i64: 128, 192>}, {pipeline_mode = #tpu.pipeline_mode<synchronous>, transform_indices = @transform_2, window_bounds = array<i64: 64, 192>}, {pipeline_mode = #tpu.pipeline_mode<synchronous>, transform_indices = @transform_3, window_bounds = array<i64: 1, 192>}, {pipeline_mode = #tpu.pipeline_mode<synchronous>, transform_indices = @transform_4, window_bounds = array<i64: 1, 192>}, {transform_indices = @transform_5, window_bounds = array<i64: 8, 256, 64>}]} {
    %eq3A = arith.constant 0 : i32
    %eq3A_0 = arith.cmpi eq, %arg0, %eq3A : i32
    %convert_element_type3A = arith.extui %eq3A_0 : i1 to i32
    %cond3A = arith.constant 0 : i32
    %cond3A_1 = arith.cmpi ne, %convert_element_type3A, %cond3A : i32
    scf.if %cond3A_1 {
      %broadcast_in_dim3A = arith.constant 0.000000e+00 : f32
      %broadcast_in_dim3A_339 = vector.broadcast %broadcast_in_dim3A : f32 to vector<256x64xf32>
      %swap3A_340 = arith.constant 0 : index
      %swap3A_341 = arith.constant 0 : index
      %swap3A_342 = vector.load %arg7[%swap3A_340, %swap3A_341] : memref<256x64xf32, #tpu.memory_space<vmem>>, vector<256x64xf32>
      tpu.vector_store %arg7[%swap3A_340, %swap3A_341], %broadcast_in_dim3A_339 {strides = array<i32>} : memref<256x64xf32, #tpu.memory_space<vmem>>, vector<256x64xf32>,
    } else {
    }
    %get3A = arith.constant 0 : index
    %get3A_2 = arith.constant 0 : index
    %get3A_3 = vector.load %arg2[%get3A, %get3A_2] : memref<128x192xf32, #tpu.memory_space<vmem>>, vector<128x192xf32>
    %get3A_4 = arith.constant 0 : index
    %get3A_5 = arith.constant 0 : index
    %get3A_6 = vector.load %arg4[%get3A_4, %get3A_5] : memref<1x192xf32, #tpu.memory_space<vmem>>, vector<1x192xf32>
    %get3A_7 = arith.constant 0 : index
    %get3A_8 = arith.constant 0 : index
    %get3A_9 = vector.load %arg3[%get3A_7, %get3A_8] : memref<64x192xf32, #tpu.memory_space<vmem>>, vector<64x192xf32>
    %get3A_10 = arith.constant 0 : index
    %get3A_11 = arith.constant 0 : index
    %get3A_12 = vector.load %arg5[%get3A_10, %get3A_11] : memref<1x192xf32, #tpu.memory_space<vmem>>, vector<1x192xf32>
    %get3A_13 = arith.constant 0 : index
    %get3A_14 = arith.constant 0 : index
    %get3A_15 = vector.load %arg7[%get3A_13, %get3A_14] : memref<256x64xf32, #tpu.memory_space<vmem>>, vector<256x64xf32>
    %get3A_16 = arith.constant 0 : index
    %get3A_17 = arith.constant 0 : index
    %get3A_18 = arith.constant 0 : index
    %get3A_19 = vector.load %arg1[%get3A_16, %get3A_17, %get3A_18] : memref<8x256x128xf32, #tpu.memory_space<vmem>>, vector<1x256x128xf32>
    %get3A_20 = vector.shape_cast %get3A_19 : vector<1x256x128xf32> to vector<256x128xf32>
    %dot_general3A = arith.constant dense<0.000000e+00> : vector<256x192xf32>
    %dot_general3A_21 = tpu.matmul %get3A_20, %get3A_3, %dot_general3A {dimension_numbers = #tpu.dot_dimension_numbers<[1], [0], [0], [1], [0, 0, 1, 1], [], []>, transpose_lhs_hint = false} : vector<256x128xf32>, vector<128x192xf32>, vector<256x192xf32> -> vector<256x192xf32>
    %add3A = vector.broadcast %get3A_6 : vector<1x192xf32> to vector<256x192xf32>
    %add3A_22 = arith.addf %dot_general3A_21, %add3A : vector<256x192xf32>
    %dot_general3A_23 = arith.constant dense<0.000000e+00> : vector<256x192xf32>
    %dot_general3A_24 = tpu.matmul %get3A_15, %get3A_9, %dot_general3A_23 {dimension_numbers = #tpu.dot_dimension_numbers<[1], [0], [0], [1], [0, 0, 1, 1], [], []>, transpose_lhs_hint = false} : vector<256x64xf32>, vector<64x192xf32>, vector<256x192xf32> -> vector<256x192xf32>
    %add3A_25 = vector.broadcast %get3A_12 : vector<1x192xf32> to vector<256x192xf32>
    %add3A_26 = arith.addf %dot_general3A_24, %add3A_25 : vector<256x192xf32>
    %slice3A = vector.extract_strided_slice %add3A_22 {offsets = [0, 0], sizes = [256, 128], strides = [1, 1]} : vector<256x192xf32> to vector<256x128xf32>
    %slice3A_27 = vector.extract_strided_slice %add3A_26 {offsets = [0, 0], sizes = [256, 128], strides = [1, 1]} : vector<256x192xf32> to vector<256x128xf32>
    %add3A_28 = arith.addf %slice3A, %slice3A_27 : vector<256x128xf32>
    %logistic3A = arith.negf %add3A_28 : vector<256x128xf32>
    %logistic3A_29 = math.exp %logistic3A : vector<256x128xf32>
    %logistic3A_30 = arith.constant 1.000000e+00 : f32
    %logistic3A_31 = vector.broadcast %logistic3A_30 : f32 to vector<256x128xf32>
    %logistic3A_32 = arith.addf %logistic3A_31, %logistic3A_29 : vector<256x128xf32>
    %logistic3A_33 = arith.divf %logistic3A_31, %logistic3A_32 : vector<256x128xf32>
    %slice3A_34 = vector.extract_strided_slice %logistic3A_33 {offsets = [0, 0], sizes = [256, 64], strides = [1, 1]} : vector<256x128xf32> to vector<256x64xf32>
    %slice3A_35 = vector.extract_strided_slice %logistic3A_33 {offsets = [0, 64], sizes = [256, 64], strides = [1, 1]} : vector<256x128xf32> to vector<256x64xf32>
    %slice3A_36 = vector.extract_strided_slice %add3A_22 {offsets = [0, 128], sizes = [256, 64], strides = [1, 1]} : vector<256x192xf32> to vector<256x64xf32>
    %slice3A_37 = vector.extract_strided_slice %add3A_26 {offsets = [0, 128], sizes = [256, 64], strides = [1, 1]} : vector<256x192xf32> to vector<256x64xf32>
    %mul3A = arith.mulf %slice3A_34, %slice3A_37 : vector<256x64xf32>
    %add3A_38 = arith.addf %slice3A_36, %mul3A : vector<256x64xf32>
    %tanh3A = math.tanh %add3A_38 : vector<256x64xf32>
    %sub3A = arith.constant 1.000000e+00 : f32
    %sub3A_39 = vector.broadcast %sub3A : f32 to vector<256x64xf32>
    %sub3A_40 = arith.subf %sub3A_39, %slice3A_35 : vector<256x64xf32>
    %mul3A_41 = arith.mulf %sub3A_40, %tanh3A : vector<256x64xf32>
    %mul3A_42 = arith.mulf %slice3A_35, %get3A_15 : vector<256x64xf32>
    %add3A_43 = arith.addf %mul3A_41, %mul3A_42 : vector<256x64xf32>
    %swap3A = arith.constant 0 : index
    %swap3A_44 = arith.constant 0 : index
    %swap3A_45 = arith.constant 0 : index
    %swap3A_46 = vector.load %arg6[%swap3A, %swap3A_44, %swap3A_45] : memref<8x256x64xf32, #tpu.memory_space<vmem>>, vector<1x256x64xf32>
    %swap3A_47 = vector.shape_cast %swap3A_46 : vector<1x256x64xf32> to vector<256x64xf32>
    %swap3A_48 = vector.shape_cast %add3A_43 : vector<256x64xf32> to vector<1x256x64xf32>
    tpu.vector_store %arg6[%swap3A, %swap3A_44, %swap3A_45], %swap3A_48 {strides = array<i32>} : memref<8x256x64xf32, #tpu.memory_space<vmem>>, vector<1x256x64xf32>,
    %get3A_49 = arith.constant 1 : index
    %get3A_50 = arith.constant 0 : index
    %get3A_51 = arith.constant 0 : index
    %get3A_52 = vector.load %arg1[%get3A_49, %get3A_50, %get3A_51] : memref<8x256x128xf32, #tpu.memory_space<vmem>>, vector<1x256x128xf32>
    %get3A_53 = vector.shape_cast %get3A_52 : vector<1x256x128xf32> to vector<256x128xf32>
    %dot_general3A_54 = arith.constant dense<0.000000e+00> : vector<256x192xf32>
    %dot_general3A_55 = tpu.matmul %get3A_53, %get3A_3, %dot_general3A_54 {dimension_numbers = #tpu.dot_dimension_numbers<[1], [0], [0], [1], [0, 0, 1, 1], [], []>, transpose_lhs_hint = false} : vector<256x128xf32>, vector<128x192xf32>, vector<256x192xf32> -> vector<256x192xf32>
    %add3A_56 = vector.broadcast %get3A_6 : vector<1x192xf32> to vector<256x192xf32>
    %add3A_57 = arith.addf %dot_general3A_55, %add3A_56 : vector<256x192xf32>
    %dot_general3A_58 = arith.constant dense<0.000000e+00> : vector<256x192xf32>
    %dot_general3A_59 = tpu.matmul %add3A_43, %get3A_9, %dot_general3A_58 {dimension_numbers = #tpu.dot_dimension_numbers<[1], [0], [0], [1], [0, 0, 1, 1], [], []>, transpose_lhs_hint = false} : vector<256x64xf32>, vector<64x192xf32>, vector<256x192xf32> -> vector<256x192xf32>
    %add3A_60 = vector.broadcast %get3A_12 : vector<1x192xf32> to vector<256x192xf32>
    %add3A_61 = arith.addf %dot_general3A_59, %add3A_60 : vector<256x192xf32>
    %slice3A_62 = vector.extract_strided_slice %add3A_57 {offsets = [0, 0], sizes = [256, 128], strides = [1, 1]} : vector<256x192xf32> to vector<256x128xf32>
    %slice3A_63 = vector.extract_strided_slice %add3A_61 {offsets = [0, 0], sizes = [256, 128], strides = [1, 1]} : vector<256x192xf32> to vector<256x128xf32>
    %add3A_64 = arith.addf %slice3A_62, %slice3A_63 : vector<256x128xf32>
    %logistic3A_65 = arith.negf %add3A_64 : vector<256x128xf32>
    %logistic3A_66 = math.exp %logistic3A_65 : vector<256x128xf32>
    %logistic3A_67 = arith.constant 1.000000e+00 : f32
    %logistic3A_68 = vector.broadcast %logistic3A_67 : f32 to vector<256x128xf32>
    %logistic3A_69 = arith.addf %logistic3A_68, %logistic3A_66 : vector<256x128xf32>
    %logistic3A_70 = arith.divf %logistic3A_68, %logistic3A_69 : vector<256x128xf32>
    %slice3A_71 = vector.extract_strided_slice %logistic3A_70 {offsets = [0, 0], sizes = [256, 64], strides = [1, 1]} : vector<256x128xf32> to vector<256x64xf32>
    %slice3A_72 = vector.extract_strided_slice %logistic3A_70 {offsets = [0, 64], sizes = [256, 64], strides = [1, 1]} : vector<256x128xf32> to vector<256x64xf32>
    %slice3A_73 = vector.extract_strided_slice %add3A_57 {offsets = [0, 128], sizes = [256, 64], strides = [1, 1]} : vector<256x192xf32> to vector<256x64xf32>
    %slice3A_74 = vector.extract_strided_slice %add3A_61 {offsets = [0, 128], sizes = [256, 64], strides = [1, 1]} : vector<256x192xf32> to vector<256x64xf32>
    %mul3A_75 = arith.mulf %slice3A_71, %slice3A_74 : vector<256x64xf32>
    %add3A_76 = arith.addf %slice3A_73, %mul3A_75 : vector<256x64xf32>
    %tanh3A_77 = math.tanh %add3A_76 : vector<256x64xf32>
    %sub3A_78 = arith.constant 1.000000e+00 : f32
    %sub3A_79 = vector.broadcast %sub3A_78 : f32 to vector<256x64xf32>
    %sub3A_80 = arith.subf %sub3A_79, %slice3A_72 : vector<256x64xf32>
    %mul3A_81 = arith.mulf %sub3A_80, %tanh3A_77 : vector<256x64xf32>
    %mul3A_82 = arith.mulf %slice3A_72, %add3A_43 : vector<256x64xf32>
    %add3A_83 = arith.addf %mul3A_81, %mul3A_82 : vector<256x64xf32>
    %swap3A_84 = arith.constant 1 : index
    %swap3A_85 = arith.constant 0 : index
    %swap3A_86 = arith.constant 0 : index
    %swap3A_87 = vector.load %arg6[%swap3A_84, %swap3A_85, %swap3A_86] : memref<8x256x64xf32, #tpu.memory_space<vmem>>, vector<1x256x64xf32>
    %swap3A_88 = vector.shape_cast %swap3A_87 : vector<1x256x64xf32> to vector<256x64xf32>
    %swap3A_89 = vector.shape_cast %add3A_83 : vector<256x64xf32> to vector<1x256x64xf32>
    tpu.vector_store %arg6[%swap3A_84, %swap3A_85, %swap3A_86], %swap3A_89 {strides = array<i32>} : memref<8x256x64xf32, #tpu.memory_space<vmem>>, vector<1x256x64xf32>,
    %get3A_90 = arith.constant 2 : index
    %get3A_91 = arith.constant 0 : index
    %get3A_92 = arith.constant 0 : index
    %get3A_93 = vector.load %arg1[%get3A_90, %get3A_91, %get3A_92] : memref<8x256x128xf32, #tpu.memory_space<vmem>>, vector<1x256x128xf32>
    %get3A_94 = vector.shape_cast %get3A_93 : vector<1x256x128xf32> to vector<256x128xf32>
    %dot_general3A_95 = arith.constant dense<0.000000e+00> : vector<256x192xf32>
    %dot_general3A_96 = tpu.matmul %get3A_94, %get3A_3, %dot_general3A_95 {dimension_numbers = #tpu.dot_dimension_numbers<[1], [0], [0], [1], [0, 0, 1, 1], [], []>, transpose_lhs_hint = false} : vector<256x128xf32>, vector<128x192xf32>, vector<256x192xf32> -> vector<256x192xf32>
    %add3A_97 = vector.broadcast %get3A_6 : vector<1x192xf32> to vector<256x192xf32>
    %add3A_98 = arith.addf %dot_general3A_96, %add3A_97 : vector<256x192xf32>
    %dot_general3A_99 = arith.constant dense<0.000000e+00> : vector<256x192xf32>
    %dot_general3A_100 = tpu.matmul %add3A_83, %get3A_9, %dot_general3A_99 {dimension_numbers = #tpu.dot_dimension_numbers<[1], [0], [0], [1], [0, 0, 1, 1], [], []>, transpose_lhs_hint = false} : vector<256x64xf32>, vector<64x192xf32>, vector<256x192xf32> -> vector<256x192xf32>
    %add3A_101 = vector.broadcast %get3A_12 : vector<1x192xf32> to vector<256x192xf32>
    %add3A_102 = arith.addf %dot_general3A_100, %add3A_101 : vector<256x192xf32>
    %slice3A_103 = vector.extract_strided_slice %add3A_98 {offsets = [0, 0], sizes = [256, 128], strides = [1, 1]} : vector<256x192xf32> to vector<256x128xf32>
    %slice3A_104 = vector.extract_strided_slice %add3A_102 {offsets = [0, 0], sizes = [256, 128], strides = [1, 1]} : vector<256x192xf32> to vector<256x128xf32>
    %add3A_105 = arith.addf %slice3A_103, %slice3A_104 : vector<256x128xf32>
    %logistic3A_106 = arith.negf %add3A_105 : vector<256x128xf32>
    %logistic3A_107 = math.exp %logistic3A_106 : vector<256x128xf32>
    %logistic3A_108 = arith.constant 1.000000e+00 : f32
    %logistic3A_109 = vector.broadcast %logistic3A_108 : f32 to vector<256x128xf32>
    %logistic3A_110 = arith.addf %logistic3A_109, %logistic3A_107 : vector<256x128xf32>
    %logistic3A_111 = arith.divf %logistic3A_109, %logistic3A_110 : vector<256x128xf32>
    %slice3A_112 = vector.extract_strided_slice %logistic3A_111 {offsets = [0, 0], sizes = [256, 64], strides = [1, 1]} : vector<256x128xf32> to vector<256x64xf32>
    %slice3A_113 = vector.extract_strided_slice %logistic3A_111 {offsets = [0, 64], sizes = [256, 64], strides = [1, 1]} : vector<256x128xf32> to vector<256x64xf32>
    %slice3A_114 = vector.extract_strided_slice %add3A_98 {offsets = [0, 128], sizes = [256, 64], strides = [1, 1]} : vector<256x192xf32> to vector<256x64xf32>
    %slice3A_115 = vector.extract_strided_slice %add3A_102 {offsets = [0, 128], sizes = [256, 64], strides = [1, 1]} : vector<256x192xf32> to vector<256x64xf32>
    %mul3A_116 = arith.mulf %slice3A_112, %slice3A_115 : vector<256x64xf32>
    %add3A_117 = arith.addf %slice3A_114, %mul3A_116 : vector<256x64xf32>
    %tanh3A_118 = math.tanh %add3A_117 : vector<256x64xf32>
    %sub3A_119 = arith.constant 1.000000e+00 : f32
    %sub3A_120 = vector.broadcast %sub3A_119 : f32 to vector<256x64xf32>
    %sub3A_121 = arith.subf %sub3A_120, %slice3A_113 : vector<256x64xf32>
    %mul3A_122 = arith.mulf %sub3A_121, %tanh3A_118 : vector<256x64xf32>
    %mul3A_123 = arith.mulf %slice3A_113, %add3A_83 : vector<256x64xf32>
    %add3A_124 = arith.addf %mul3A_122, %mul3A_123 : vector<256x64xf32>
    %swap3A_125 = arith.constant 2 : index
    %swap3A_126 = arith.constant 0 : index
    %swap3A_127 = arith.constant 0 : index
    %swap3A_128 = vector.load %arg6[%swap3A_125, %swap3A_126, %swap3A_127] : memref<8x256x64xf32, #tpu.memory_space<vmem>>, vector<1x256x64xf32>
    %swap3A_129 = vector.shape_cast %swap3A_128 : vector<1x256x64xf32> to vector<256x64xf32>
    %swap3A_130 = vector.shape_cast %add3A_124 : vector<256x64xf32> to vector<1x256x64xf32>
    tpu.vector_store %arg6[%swap3A_125, %swap3A_126, %swap3A_127], %swap3A_130 {strides = array<i32>} : memref<8x256x64xf32, #tpu.memory_space<vmem>>, vector<1x256x64xf32>,
    %get3A_131 = arith.constant 3 : index
    %get3A_132 = arith.constant 0 : index
    %get3A_133 = arith.constant 0 : index
    %get3A_134 = vector.load %arg1[%get3A_131, %get3A_132, %get3A_133] : memref<8x256x128xf32, #tpu.memory_space<vmem>>, vector<1x256x128xf32>
    %get3A_135 = vector.shape_cast %get3A_134 : vector<1x256x128xf32> to vector<256x128xf32>
    %dot_general3A_136 = arith.constant dense<0.000000e+00> : vector<256x192xf32>
    %dot_general3A_137 = tpu.matmul %get3A_135, %get3A_3, %dot_general3A_136 {dimension_numbers = #tpu.dot_dimension_numbers<[1], [0], [0], [1], [0, 0, 1, 1], [], []>, transpose_lhs_hint = false} : vector<256x128xf32>, vector<128x192xf32>, vector<256x192xf32> -> vector<256x192xf32>
    %add3A_138 = vector.broadcast %get3A_6 : vector<1x192xf32> to vector<256x192xf32>
    %add3A_139 = arith.addf %dot_general3A_137, %add3A_138 : vector<256x192xf32>
    %dot_general3A_140 = arith.constant dense<0.000000e+00> : vector<256x192xf32>
    %dot_general3A_141 = tpu.matmul %add3A_124, %get3A_9, %dot_general3A_140 {dimension_numbers = #tpu.dot_dimension_numbers<[1], [0], [0], [1], [0, 0, 1, 1], [], []>, transpose_lhs_hint = false} : vector<256x64xf32>, vector<64x192xf32>, vector<256x192xf32> -> vector<256x192xf32>
    %add3A_142 = vector.broadcast %get3A_12 : vector<1x192xf32> to vector<256x192xf32>
    %add3A_143 = arith.addf %dot_general3A_141, %add3A_142 : vector<256x192xf32>
    %slice3A_144 = vector.extract_strided_slice %add3A_139 {offsets = [0, 0], sizes = [256, 128], strides = [1, 1]} : vector<256x192xf32> to vector<256x128xf32>
    %slice3A_145 = vector.extract_strided_slice %add3A_143 {offsets = [0, 0], sizes = [256, 128], strides = [1, 1]} : vector<256x192xf32> to vector<256x128xf32>
    %add3A_146 = arith.addf %slice3A_144, %slice3A_145 : vector<256x128xf32>
    %logistic3A_147 = arith.negf %add3A_146 : vector<256x128xf32>
    %logistic3A_148 = math.exp %logistic3A_147 : vector<256x128xf32>
    %logistic3A_149 = arith.constant 1.000000e+00 : f32
    %logistic3A_150 = vector.broadcast %logistic3A_149 : f32 to vector<256x128xf32>
    %logistic3A_151 = arith.addf %logistic3A_150, %logistic3A_148 : vector<256x128xf32>
    %logistic3A_152 = arith.divf %logistic3A_150, %logistic3A_151 : vector<256x128xf32>
    %slice3A_153 = vector.extract_strided_slice %logistic3A_152 {offsets = [0, 0], sizes = [256, 64], strides = [1, 1]} : vector<256x128xf32> to vector<256x64xf32>
    %slice3A_154 = vector.extract_strided_slice %logistic3A_152 {offsets = [0, 64], sizes = [256, 64], strides = [1, 1]} : vector<256x128xf32> to vector<256x64xf32>
    %slice3A_155 = vector.extract_strided_slice %add3A_139 {offsets = [0, 128], sizes = [256, 64], strides = [1, 1]} : vector<256x192xf32> to vector<256x64xf32>
    %slice3A_156 = vector.extract_strided_slice %add3A_143 {offsets = [0, 128], sizes = [256, 64], strides = [1, 1]} : vector<256x192xf32> to vector<256x64xf32>
    %mul3A_157 = arith.mulf %slice3A_153, %slice3A_156 : vector<256x64xf32>
    %add3A_158 = arith.addf %slice3A_155, %mul3A_157 : vector<256x64xf32>
    %tanh3A_159 = math.tanh %add3A_158 : vector<256x64xf32>
    %sub3A_160 = arith.constant 1.000000e+00 : f32
    %sub3A_161 = vector.broadcast %sub3A_160 : f32 to vector<256x64xf32>
    %sub3A_162 = arith.subf %sub3A_161, %slice3A_154 : vector<256x64xf32>
    %mul3A_163 = arith.mulf %sub3A_162, %tanh3A_159 : vector<256x64xf32>
    %mul3A_164 = arith.mulf %slice3A_154, %add3A_124 : vector<256x64xf32>
    %add3A_165 = arith.addf %mul3A_163, %mul3A_164 : vector<256x64xf32>
    %swap3A_166 = arith.constant 3 : index
    %swap3A_167 = arith.constant 0 : index
    %swap3A_168 = arith.constant 0 : index
    %swap3A_169 = vector.load %arg6[%swap3A_166, %swap3A_167, %swap3A_168] : memref<8x256x64xf32, #tpu.memory_space<vmem>>, vector<1x256x64xf32>
    %swap3A_170 = vector.shape_cast %swap3A_169 : vector<1x256x64xf32> to vector<256x64xf32>
    %swap3A_171 = vector.shape_cast %add3A_165 : vector<256x64xf32> to vector<1x256x64xf32>
    tpu.vector_store %arg6[%swap3A_166, %swap3A_167, %swap3A_168], %swap3A_171 {strides = array<i32>} : memref<8x256x64xf32, #tpu.memory_space<vmem>>, vector<1x256x64xf32>,
    %get3A_172 = arith.constant 4 : index
    %get3A_173 = arith.constant 0 : index
    %get3A_174 = arith.constant 0 : index
    %get3A_175 = vector.load %arg1[%get3A_172, %get3A_173, %get3A_174] : memref<8x256x128xf32, #tpu.memory_space<vmem>>, vector<1x256x128xf32>
    %get3A_176 = vector.shape_cast %get3A_175 : vector<1x256x128xf32> to vector<256x128xf32>
    %dot_general3A_177 = arith.constant dense<0.000000e+00> : vector<256x192xf32>
    %dot_general3A_178 = tpu.matmul %get3A_176, %get3A_3, %dot_general3A_177 {dimension_numbers = #tpu.dot_dimension_numbers<[1], [0], [0], [1], [0, 0, 1, 1], [], []>, transpose_lhs_hint = false} : vector<256x128xf32>, vector<128x192xf32>, vector<256x192xf32> -> vector<256x192xf32>
    %add3A_179 = vector.broadcast %get3A_6 : vector<1x192xf32> to vector<256x192xf32>
    %add3A_180 = arith.addf %dot_general3A_178, %add3A_179 : vector<256x192xf32>
    %dot_general3A_181 = arith.constant dense<0.000000e+00> : vector<256x192xf32>
    %dot_general3A_182 = tpu.matmul %add3A_165, %get3A_9, %dot_general3A_181 {dimension_numbers = #tpu.dot_dimension_numbers<[1], [0], [0], [1], [0, 0, 1, 1], [], []>, transpose_lhs_hint = false} : vector<256x64xf32>, vector<64x192xf32>, vector<256x192xf32> -> vector<256x192xf32>
    %add3A_183 = vector.broadcast %get3A_12 : vector<1x192xf32> to vector<256x192xf32>
    %add3A_184 = arith.addf %dot_general3A_182, %add3A_183 : vector<256x192xf32>
    %slice3A_185 = vector.extract_strided_slice %add3A_180 {offsets = [0, 0], sizes = [256, 128], strides = [1, 1]} : vector<256x192xf32> to vector<256x128xf32>
    %slice3A_186 = vector.extract_strided_slice %add3A_184 {offsets = [0, 0], sizes = [256, 128], strides = [1, 1]} : vector<256x192xf32> to vector<256x128xf32>
    %add3A_187 = arith.addf %slice3A_185, %slice3A_186 : vector<256x128xf32>
    %logistic3A_188 = arith.negf %add3A_187 : vector<256x128xf32>
    %logistic3A_189 = math.exp %logistic3A_188 : vector<256x128xf32>
    %logistic3A_190 = arith.constant 1.000000e+00 : f32
    %logistic3A_191 = vector.broadcast %logistic3A_190 : f32 to vector<256x128xf32>
    %logistic3A_192 = arith.addf %logistic3A_191, %logistic3A_189 : vector<256x128xf32>
    %logistic3A_193 = arith.divf %logistic3A_191, %logistic3A_192 : vector<256x128xf32>
    %slice3A_194 = vector.extract_strided_slice %logistic3A_193 {offsets = [0, 0], sizes = [256, 64], strides = [1, 1]} : vector<256x128xf32> to vector<256x64xf32>
    %slice3A_195 = vector.extract_strided_slice %logistic3A_193 {offsets = [0, 64], sizes = [256, 64], strides = [1, 1]} : vector<256x128xf32> to vector<256x64xf32>
    %slice3A_196 = vector.extract_strided_slice %add3A_180 {offsets = [0, 128], sizes = [256, 64], strides = [1, 1]} : vector<256x192xf32> to vector<256x64xf32>
    %slice3A_197 = vector.extract_strided_slice %add3A_184 {offsets = [0, 128], sizes = [256, 64], strides = [1, 1]} : vector<256x192xf32> to vector<256x64xf32>
    %mul3A_198 = arith.mulf %slice3A_194, %slice3A_197 : vector<256x64xf32>
    %add3A_199 = arith.addf %slice3A_196, %mul3A_198 : vector<256x64xf32>
    %tanh3A_200 = math.tanh %add3A_199 : vector<256x64xf32>
    %sub3A_201 = arith.constant 1.000000e+00 : f32
    %sub3A_202 = vector.broadcast %sub3A_201 : f32 to vector<256x64xf32>
    %sub3A_203 = arith.subf %sub3A_202, %slice3A_195 : vector<256x64xf32>
    %mul3A_204 = arith.mulf %sub3A_203, %tanh3A_200 : vector<256x64xf32>
    %mul3A_205 = arith.mulf %slice3A_195, %add3A_165 : vector<256x64xf32>
    %add3A_206 = arith.addf %mul3A_204, %mul3A_205 : vector<256x64xf32>
    %swap3A_207 = arith.constant 4 : index
    %swap3A_208 = arith.constant 0 : index
    %swap3A_209 = arith.constant 0 : index
    %swap3A_210 = vector.load %arg6[%swap3A_207, %swap3A_208, %swap3A_209] : memref<8x256x64xf32, #tpu.memory_space<vmem>>, vector<1x256x64xf32>
    %swap3A_211 = vector.shape_cast %swap3A_210 : vector<1x256x64xf32> to vector<256x64xf32>
    %swap3A_212 = vector.shape_cast %add3A_206 : vector<256x64xf32> to vector<1x256x64xf32>
    tpu.vector_store %arg6[%swap3A_207, %swap3A_208, %swap3A_209], %swap3A_212 {strides = array<i32>} : memref<8x256x64xf32, #tpu.memory_space<vmem>>, vector<1x256x64xf32>,
    %get3A_213 = arith.constant 5 : index
    %get3A_214 = arith.constant 0 : index
    %get3A_215 = arith.constant 0 : index
    %get3A_216 = vector.load %arg1[%get3A_213, %get3A_214, %get3A_215] : memref<8x256x128xf32, #tpu.memory_space<vmem>>, vector<1x256x128xf32>
    %get3A_217 = vector.shape_cast %get3A_216 : vector<1x256x128xf32> to vector<256x128xf32>
    %dot_general3A_218 = arith.constant dense<0.000000e+00> : vector<256x192xf32>
    %dot_general3A_219 = tpu.matmul %get3A_217, %get3A_3, %dot_general3A_218 {dimension_numbers = #tpu.dot_dimension_numbers<[1], [0], [0], [1], [0, 0, 1, 1], [], []>, transpose_lhs_hint = false} : vector<256x128xf32>, vector<128x192xf32>, vector<256x192xf32> -> vector<256x192xf32>
    %add3A_220 = vector.broadcast %get3A_6 : vector<1x192xf32> to vector<256x192xf32>
    %add3A_221 = arith.addf %dot_general3A_219, %add3A_220 : vector<256x192xf32>
    %dot_general3A_222 = arith.constant dense<0.000000e+00> : vector<256x192xf32>
    %dot_general3A_223 = tpu.matmul %add3A_206, %get3A_9, %dot_general3A_222 {dimension_numbers = #tpu.dot_dimension_numbers<[1], [0], [0], [1], [0, 0, 1, 1], [], []>, transpose_lhs_hint = false} : vector<256x64xf32>, vector<64x192xf32>, vector<256x192xf32> -> vector<256x192xf32>
    %add3A_224 = vector.broadcast %get3A_12 : vector<1x192xf32> to vector<256x192xf32>
    %add3A_225 = arith.addf %dot_general3A_223, %add3A_224 : vector<256x192xf32>
    %slice3A_226 = vector.extract_strided_slice %add3A_221 {offsets = [0, 0], sizes = [256, 128], strides = [1, 1]} : vector<256x192xf32> to vector<256x128xf32>
    %slice3A_227 = vector.extract_strided_slice %add3A_225 {offsets = [0, 0], sizes = [256, 128], strides = [1, 1]} : vector<256x192xf32> to vector<256x128xf32>
    %add3A_228 = arith.addf %slice3A_226, %slice3A_227 : vector<256x128xf32>
    %logistic3A_229 = arith.negf %add3A_228 : vector<256x128xf32>
    %logistic3A_230 = math.exp %logistic3A_229 : vector<256x128xf32>
    %logistic3A_231 = arith.constant 1.000000e+00 : f32
    %logistic3A_232 = vector.broadcast %logistic3A_231 : f32 to vector<256x128xf32>
    %logistic3A_233 = arith.addf %logistic3A_232, %logistic3A_230 : vector<256x128xf32>
    %logistic3A_234 = arith.divf %logistic3A_232, %logistic3A_233 : vector<256x128xf32>
    %slice3A_235 = vector.extract_strided_slice %logistic3A_234 {offsets = [0, 0], sizes = [256, 64], strides = [1, 1]} : vector<256x128xf32> to vector<256x64xf32>
    %slice3A_236 = vector.extract_strided_slice %logistic3A_234 {offsets = [0, 64], sizes = [256, 64], strides = [1, 1]} : vector<256x128xf32> to vector<256x64xf32>
    %slice3A_237 = vector.extract_strided_slice %add3A_221 {offsets = [0, 128], sizes = [256, 64], strides = [1, 1]} : vector<256x192xf32> to vector<256x64xf32>
    %slice3A_238 = vector.extract_strided_slice %add3A_225 {offsets = [0, 128], sizes = [256, 64], strides = [1, 1]} : vector<256x192xf32> to vector<256x64xf32>
    %mul3A_239 = arith.mulf %slice3A_235, %slice3A_238 : vector<256x64xf32>
    %add3A_240 = arith.addf %slice3A_237, %mul3A_239 : vector<256x64xf32>
    %tanh3A_241 = math.tanh %add3A_240 : vector<256x64xf32>
    %sub3A_242 = arith.constant 1.000000e+00 : f32
    %sub3A_243 = vector.broadcast %sub3A_242 : f32 to vector<256x64xf32>
    %sub3A_244 = arith.subf %sub3A_243, %slice3A_236 : vector<256x64xf32>
    %mul3A_245 = arith.mulf %sub3A_244, %tanh3A_241 : vector<256x64xf32>
    %mul3A_246 = arith.mulf %slice3A_236, %add3A_206 : vector<256x64xf32>
    %add3A_247 = arith.addf %mul3A_245, %mul3A_246 : vector<256x64xf32>
    %swap3A_248 = arith.constant 5 : index
    %swap3A_249 = arith.constant 0 : index
    %swap3A_250 = arith.constant 0 : index
    %swap3A_251 = vector.load %arg6[%swap3A_248, %swap3A_249, %swap3A_250] : memref<8x256x64xf32, #tpu.memory_space<vmem>>, vector<1x256x64xf32>
    %swap3A_252 = vector.shape_cast %swap3A_251 : vector<1x256x64xf32> to vector<256x64xf32>
    %swap3A_253 = vector.shape_cast %add3A_247 : vector<256x64xf32> to vector<1x256x64xf32>
    tpu.vector_store %arg6[%swap3A_248, %swap3A_249, %swap3A_250], %swap3A_253 {strides = array<i32>} : memref<8x256x64xf32, #tpu.memory_space<vmem>>, vector<1x256x64xf32>,
    %get3A_254 = arith.constant 6 : index
    %get3A_255 = arith.constant 0 : index
    %get3A_256 = arith.constant 0 : index
    %get3A_257 = vector.load %arg1[%get3A_254, %get3A_255, %get3A_256] : memref<8x256x128xf32, #tpu.memory_space<vmem>>, vector<1x256x128xf32>
    %get3A_258 = vector.shape_cast %get3A_257 : vector<1x256x128xf32> to vector<256x128xf32>
    %dot_general3A_259 = arith.constant dense<0.000000e+00> : vector<256x192xf32>
    %dot_general3A_260 = tpu.matmul %get3A_258, %get3A_3, %dot_general3A_259 {dimension_numbers = #tpu.dot_dimension_numbers<[1], [0], [0], [1], [0, 0, 1, 1], [], []>, transpose_lhs_hint = false} : vector<256x128xf32>, vector<128x192xf32>, vector<256x192xf32> -> vector<256x192xf32>
    %add3A_261 = vector.broadcast %get3A_6 : vector<1x192xf32> to vector<256x192xf32>
    %add3A_262 = arith.addf %dot_general3A_260, %add3A_261 : vector<256x192xf32>
    %dot_general3A_263 = arith.constant dense<0.000000e+00> : vector<256x192xf32>
    %dot_general3A_264 = tpu.matmul %add3A_247, %get3A_9, %dot_general3A_263 {dimension_numbers = #tpu.dot_dimension_numbers<[1], [0], [0], [1], [0, 0, 1, 1], [], []>, transpose_lhs_hint = false} : vector<256x64xf32>, vector<64x192xf32>, vector<256x192xf32> -> vector<256x192xf32>
    %add3A_265 = vector.broadcast %get3A_12 : vector<1x192xf32> to vector<256x192xf32>
    %add3A_266 = arith.addf %dot_general3A_264, %add3A_265 : vector<256x192xf32>
    %slice3A_267 = vector.extract_strided_slice %add3A_262 {offsets = [0, 0], sizes = [256, 128], strides = [1, 1]} : vector<256x192xf32> to vector<256x128xf32>
    %slice3A_268 = vector.extract_strided_slice %add3A_266 {offsets = [0, 0], sizes = [256, 128], strides = [1, 1]} : vector<256x192xf32> to vector<256x128xf32>
    %add3A_269 = arith.addf %slice3A_267, %slice3A_268 : vector<256x128xf32>
    %logistic3A_270 = arith.negf %add3A_269 : vector<256x128xf32>
    %logistic3A_271 = math.exp %logistic3A_270 : vector<256x128xf32>
    %logistic3A_272 = arith.constant 1.000000e+00 : f32
    %logistic3A_273 = vector.broadcast %logistic3A_272 : f32 to vector<256x128xf32>
    %logistic3A_274 = arith.addf %logistic3A_273, %logistic3A_271 : vector<256x128xf32>
    %logistic3A_275 = arith.divf %logistic3A_273, %logistic3A_274 : vector<256x128xf32>
    %slice3A_276 = vector.extract_strided_slice %logistic3A_275 {offsets = [0, 0], sizes = [256, 64], strides = [1, 1]} : vector<256x128xf32> to vector<256x64xf32>
    %slice3A_277 = vector.extract_strided_slice %logistic3A_275 {offsets = [0, 64], sizes = [256, 64], strides = [1, 1]} : vector<256x128xf32> to vector<256x64xf32>
    %slice3A_278 = vector.extract_strided_slice %add3A_262 {offsets = [0, 128], sizes = [256, 64], strides = [1, 1]} : vector<256x192xf32> to vector<256x64xf32>
    %slice3A_279 = vector.extract_strided_slice %add3A_266 {offsets = [0, 128], sizes = [256, 64], strides = [1, 1]} : vector<256x192xf32> to vector<256x64xf32>
    %mul3A_280 = arith.mulf %slice3A_276, %slice3A_279 : vector<256x64xf32>
    %add3A_281 = arith.addf %slice3A_278, %mul3A_280 : vector<256x64xf32>
    %tanh3A_282 = math.tanh %add3A_281 : vector<256x64xf32>
    %sub3A_283 = arith.constant 1.000000e+00 : f32
    %sub3A_284 = vector.broadcast %sub3A_283 : f32 to vector<256x64xf32>
    %sub3A_285 = arith.subf %sub3A_284, %slice3A_277 : vector<256x64xf32>
    %mul3A_286 = arith.mulf %sub3A_285, %tanh3A_282 : vector<256x64xf32>
    %mul3A_287 = arith.mulf %slice3A_277, %add3A_247 : vector<256x64xf32>
    %add3A_288 = arith.addf %mul3A_286, %mul3A_287 : vector<256x64xf32>
    %swap3A_289 = arith.constant 6 : index
    %swap3A_290 = arith.constant 0 : index
    %swap3A_291 = arith.constant 0 : index
    %swap3A_292 = vector.load %arg6[%swap3A_289, %swap3A_290, %swap3A_291] : memref<8x256x64xf32, #tpu.memory_space<vmem>>, vector<1x256x64xf32>
    %swap3A_293 = vector.shape_cast %swap3A_292 : vector<1x256x64xf32> to vector<256x64xf32>
    %swap3A_294 = vector.shape_cast %add3A_288 : vector<256x64xf32> to vector<1x256x64xf32>
    tpu.vector_store %arg6[%swap3A_289, %swap3A_290, %swap3A_291], %swap3A_294 {strides = array<i32>} : memref<8x256x64xf32, #tpu.memory_space<vmem>>, vector<1x256x64xf32>,
    %get3A_295 = arith.constant 7 : index
    %get3A_296 = arith.constant 0 : index
    %get3A_297 = arith.constant 0 : index
    %get3A_298 = vector.load %arg1[%get3A_295, %get3A_296, %get3A_297] : memref<8x256x128xf32, #tpu.memory_space<vmem>>, vector<1x256x128xf32>
    %get3A_299 = vector.shape_cast %get3A_298 : vector<1x256x128xf32> to vector<256x128xf32>
    %dot_general3A_300 = arith.constant dense<0.000000e+00> : vector<256x192xf32>
    %dot_general3A_301 = tpu.matmul %get3A_299, %get3A_3, %dot_general3A_300 {dimension_numbers = #tpu.dot_dimension_numbers<[1], [0], [0], [1], [0, 0, 1, 1], [], []>, transpose_lhs_hint = false} : vector<256x128xf32>, vector<128x192xf32>, vector<256x192xf32> -> vector<256x192xf32>
    %add3A_302 = vector.broadcast %get3A_6 : vector<1x192xf32> to vector<256x192xf32>
    %add3A_303 = arith.addf %dot_general3A_301, %add3A_302 : vector<256x192xf32>
    %dot_general3A_304 = arith.constant dense<0.000000e+00> : vector<256x192xf32>
    %dot_general3A_305 = tpu.matmul %add3A_288, %get3A_9, %dot_general3A_304 {dimension_numbers = #tpu.dot_dimension_numbers<[1], [0], [0], [1], [0, 0, 1, 1], [], []>, transpose_lhs_hint = false} : vector<256x64xf32>, vector<64x192xf32>, vector<256x192xf32> -> vector<256x192xf32>
    %add3A_306 = vector.broadcast %get3A_12 : vector<1x192xf32> to vector<256x192xf32>
    %add3A_307 = arith.addf %dot_general3A_305, %add3A_306 : vector<256x192xf32>
    %slice3A_308 = vector.extract_strided_slice %add3A_303 {offsets = [0, 0], sizes = [256, 128], strides = [1, 1]} : vector<256x192xf32> to vector<256x128xf32>
    %slice3A_309 = vector.extract_strided_slice %add3A_307 {offsets = [0, 0], sizes = [256, 128], strides = [1, 1]} : vector<256x192xf32> to vector<256x128xf32>
    %add3A_310 = arith.addf %slice3A_308, %slice3A_309 : vector<256x128xf32>
    %logistic3A_311 = arith.negf %add3A_310 : vector<256x128xf32>
    %logistic3A_312 = math.exp %logistic3A_311 : vector<256x128xf32>
    %logistic3A_313 = arith.constant 1.000000e+00 : f32
    %logistic3A_314 = vector.broadcast %logistic3A_313 : f32 to vector<256x128xf32>
    %logistic3A_315 = arith.addf %logistic3A_314, %logistic3A_312 : vector<256x128xf32>
    %logistic3A_316 = arith.divf %logistic3A_314, %logistic3A_315 : vector<256x128xf32>
    %slice3A_317 = vector.extract_strided_slice %logistic3A_316 {offsets = [0, 0], sizes = [256, 64], strides = [1, 1]} : vector<256x128xf32> to vector<256x64xf32>
    %slice3A_318 = vector.extract_strided_slice %logistic3A_316 {offsets = [0, 64], sizes = [256, 64], strides = [1, 1]} : vector<256x128xf32> to vector<256x64xf32>
    %slice3A_319 = vector.extract_strided_slice %add3A_303 {offsets = [0, 128], sizes = [256, 64], strides = [1, 1]} : vector<256x192xf32> to vector<256x64xf32>
    %slice3A_320 = vector.extract_strided_slice %add3A_307 {offsets = [0, 128], sizes = [256, 64], strides = [1, 1]} : vector<256x192xf32> to vector<256x64xf32>
    %mul3A_321 = arith.mulf %slice3A_317, %slice3A_320 : vector<256x64xf32>
    %add3A_322 = arith.addf %slice3A_319, %mul3A_321 : vector<256x64xf32>
    %tanh3A_323 = math.tanh %add3A_322 : vector<256x64xf32>
    %sub3A_324 = arith.constant 1.000000e+00 : f32
    %sub3A_325 = vector.broadcast %sub3A_324 : f32 to vector<256x64xf32>
    %sub3A_326 = arith.subf %sub3A_325, %slice3A_318 : vector<256x64xf32>
    %mul3A_327 = arith.mulf %sub3A_326, %tanh3A_323 : vector<256x64xf32>
    %mul3A_328 = arith.mulf %slice3A_318, %add3A_288 : vector<256x64xf32>
    %add3A_329 = arith.addf %mul3A_327, %mul3A_328 : vector<256x64xf32>
    %swap3A_330 = arith.constant 7 : index
    %swap3A_331 = arith.constant 0 : index
    %swap3A_332 = arith.constant 0 : index
    %swap3A_333 = vector.load %arg6[%swap3A_330, %swap3A_331, %swap3A_332] : memref<8x256x64xf32, #tpu.memory_space<vmem>>, vector<1x256x64xf32>
    %swap3A_334 = vector.shape_cast %swap3A_333 : vector<1x256x64xf32> to vector<256x64xf32>
    %swap3A_335 = vector.shape_cast %add3A_329 : vector<256x64xf32> to vector<1x256x64xf32>
    tpu.vector_store %arg6[%swap3A_330, %swap3A_331, %swap3A_332], %swap3A_335 {strides = array<i32>} : memref<8x256x64xf32, #tpu.memory_space<vmem>>, vector<1x256x64xf32>,
    %swap3A_336 = arith.constant 0 : index
    %swap3A_337 = arith.constant 0 : index
    %swap3A_338 = vector.load %arg7[%swap3A_336, %swap3A_337] : memref<256x64xf32, #tpu.memory_space<vmem>>, vector<256x64xf32>
    tpu.vector_store %arg7[%swap3A_336, %swap3A_337], %add3A_329 {strides = array<i32>} : memref<256x64xf32, #tpu.memory_space<vmem>>, vector<256x64xf32>,
    return
  }
  func.func @transform_0(%arg0: i32) -> (i32, i32, i32) {
    %c0_i32 = arith.constant 0 : i32
    %c0_i32_0 = arith.constant 0 : i32
    %c0_i32_1 = arith.constant 0 : i32
    return %arg0, %c0_i32, %c0_i32_0 : i32, i32, i32
  }
  func.func @transform_1(%arg0: i32) -> (i32, i32) {
    %c0_i32 = arith.constant 0 : i32
    %c0_i32_0 = arith.constant 0 : i32
    %c0_i32_1 = arith.constant 0 : i32
    return %c0_i32, %c0_i32_0 : i32, i32
  }
  func.func @transform_2(%arg0: i32) -> (i32, i32) {
    %c0_i32 = arith.constant 0 : i32
    %c0_i32_0 = arith.constant 0 : i32
    %c0_i32_1 = arith.constant 0 : i32
    return %c0_i32, %c0_i32_0 : i32, i32
  }
  func.func @transform_3(%arg0: i32) -> (i32, i32) {
    %c0_i32 = arith.constant 0 : i32
    %c0_i32_0 = arith.constant 0 : i32
    %c0_i32_1 = arith.constant 0 : i32
    return %c0_i32, %c0_i32_0 : i32, i32
  }
  func.func @transform_4(%arg0: i32) -> (i32, i32) {
    %c0_i32 = arith.constant 0 : i32
    %c0_i32_0 = arith.constant 0 : i32
    %c0_i32_1 = arith.constant 0 : i32
    return %c0_i32, %c0_i32_0 : i32, i32
  }
  func.func @transform_5(%arg0: i32) -> (i32, i32, i32) {
    %c0_i32 = arith.constant 0 : i32
    %c0_i32_0 = arith.constant 0 : i32
    %c0_i32_1 = arith.constant 0 : i32
    return %arg0, %c0_i32, %c0_i32_0 : i32, i32, i32
  }
}

</mosaic_0001>

<sc_bundles>
// kernel: kernel.11.cloned.1.call-start
scs
__scs_entry_jumppad:
0x0: {  	(pc) =	sbr.rel $0x88, $3  }
0x1: {  	(tag) =	ssettag $0x0;
	lr =	simm.s32 $0x1  }
0x2: {  	[smem:$0x3F97] =	sst lr;
	_ =	strace $0xD0000000  }
0x3: {  	_ = 	snop  }
0x4: {  	_ = 	snop  }
0x5: {  	_ = 	snop  }
0x6: {  	_ = 	snop  }
0x7: {  	_ = 	snop  }
__scs_overlays_trampoline_lowered:
0x8: {  	[smem:$0x3FA6] =	sst s0  }
0x9: {  	[smem:$0x3FA7] =	sst s1  }
0xa: {  	[smem:$0x3FA8] =	sst s2  }
0xb: {  	[smem:$0x3FA9] =	sst s3  }
0xc: {  	[smem:$0x3FAA] =	sst s4  }
0xd: {  	[smem:$0x3FAB] =	sst s5  }
0xe: {  	[smem:$0x3FAC] =	sst s6  }
0xf: {  	[smem:$0x3FAD] =	sst s7  }
0x10: {  	[smem:$0x3FAE] =	sst s8  }
0x11: {  	[smem:$0x3FAF] =	sst s9;
	s0 =	simm.s32 @!p0 $0x0  }
0x12: {  	s1 =	sld [smem:$0x3F95];
	s0 =	simm.s32 @p0 $0x1  }
0x13: {  	[smem:$0x3FB0] =	sst s0;
	s0 =	simm.s32 @!p1 $0x0  }
0x14: {  	s2 =	sld [smem:$0x3F94];
	s0 =	simm.s32 @p1 $0x1  }
0x15: {  	[smem:$0x3FB1] =	sst s0;
	s0 =	simm.s32 @!p2 $0x0  }
0x16: {  	s3 =	sld [smem:$0x3FDB];
	s0 =	simm.s32 @p2 $0x1  }
0x17: {  	s4 =	simm.s32 $0x1BF5;
	[smem:$0x3FB3] =	sst s0  }
0x18: {  	s0 =	sld [smem:$0x3F96];
	_ =	swait.ge [sflag:s4], $0x0  }
0x19: {  	s7 =	sld [smem:$0x3F97]  }
0x1a: {  	s8 =	sadd.s32 $0xFFFFE003, lr  }
0x1b: {  	s9 =	sadd.s32 $0xFFFFFEF7, lr;
	s5 =	simm.s32 $0xFFFFFFFF;
	p2 =	slt.u32 s8, $0xFFFFF086  }
0x1c: {  	p1 =	slt.u32 s9, $0xF7A;
	s5 =	simm.s32 @!p2 $0x0  }
0x1d: {  	s5 =	simm.s32 @p1 $0x1;
	p0 =	seq.s32 s7, s2  }
0x1e: {  	s7 =	smul.u32 @!p0 $0xF7A, s2;
	p2 =	seq.s32 @!p0 s5, $0x0  }
0x1f: {  	s9 =	smul.u32 $0xF7A, s1;
	s8 =	simm.s32 @!p0 $0x1BF5;
	p2 =	por !p2, p0  }
0x20: {  	[sflag:s8] =	ssyncset.s32 @!p0 $0xFFFFF086;
	s6 =	sadd.s32 @!p0 s3, s7;
	s7 =	simm.s32 @!p0 $0x108  }
0x21: {  	s3 =	sadd.s32 s3, s9;
	s6 =	sadd.s32 @!p0 $0x88, s6;
	s7 =	simm.s32 @p2 $0x1082  }
0x22: {  	[simem:s7], [sflag:s8] =	dma.local @!p0 [hbm:s6], $0xF7A  }
0x23: {  	s9 =	sor.u32 $0xD0000000, s2;
	s6 =	simm.s32 $0x108;
	_ =	swait.ge @!p0 [sflag:s8], $0x0  }
0x24: {  	s3 =	sadd.s32 $0x88, s3;
	s6 =	simm.s32 @!p1 $0x1082;
	[sflag:s4] =	ssyncset.s32 $0xFFFFF086  }
0x25: {  	[simem:s6], [sflag:s4] =	dma.local [hbm:s3], $0xF7A  }
0x26: {  	[smem:$0x3F97] =	sst s1;
	(tag) =	ssettag s2;
	_ =	strace s9  }
0x27: {  	s1 =	sld [smem:$0x3FA7]  }
0x28: {  	s2 =	sld [smem:$0x3FA8]  }
0x29: {  	s4 =	sld [smem:$0x3FAA]  }
0x2a: {  	p0 =	seq.s32 s5, $0x0;
	s5 =	sld [smem:$0x3FAB]  }
0x2b: {  	s6 =	sld [smem:$0x3FAC]  }
0x2c: {  	s7 =	sld [smem:$0x3FAD]  }
0x2d: {  	s3 =	simm.s32 $0x108;
	s8 =	sld [smem:$0x3FAE]  }
0x2e: {  	s3 =	simm.s32 @!p0 $0x1082;
	s9 =	sld [smem:$0x3FAF]  }
0x2f: {  	lr =	sadd.s32 s0, s3;
	s0 =	sld [smem:$0x3FA6]  }
0x30: {  	s3 =	sld [smem:$0x3FA9]  }
0x31: {  	[smem:$0x3FB2] =	sst s10  }
0x32: {  	s10 =	sld [smem:$0x3FB0];
	_ =	sdelay $0x3  }
0x33: {  	p0 =	seq.s32 s10, $0x1;
	s10 =	sld [smem:$0x3FB2];
	_ =	sdelay $0x3  }
0x34: {  	[smem:$0x3FB2] =	sst s10  }
0x35: {  	s10 =	sld [smem:$0x3FB1];
	_ =	sdelay $0x3  }
0x36: {  	p1 =	seq.s32 s10, $0x1;
	s10 =	sld [smem:$0x3FB2];
	_ =	sdelay $0x3  }
0x37: {  	[smem:$0x3FB2] =	sst s10  }
0x38: {  	s10 =	sld [smem:$0x3FB3]  }
0x39: {  	_ = 	snop;
	(pc) =	sbr.ind lr, $3  }
0x3a: {  	_ = 	snop  }
0x3b: {  	_ = 	snop  }
0x3c: {  	p2 =	seq.s32 s10, $0x1;
	s10 =	sld [smem:$0x3FB2]  }
0x3d: {  	_ =	shalt  }
0x3e: {  	_ =	shalt  }
0x3f: {  	_ =	shalt  }
0x40: {  	_ =	shalt  }
0x41: {  	_ =	shalt  }
0x42: {  	_ =	shalt  }
0x43: {  	_ =	shalt  }
0x44: {  	_ =	shalt  }
0x45: {  	_ =	shalt  }
0x46: {  	_ =	shalt  }
0x47: {  	_ =	shalt  }
0x48: {  	_ =	shalt  }
0x49: {  	_ =	shalt  }
0x4a: {  	_ =	shalt  }
0x4b: {  	_ =	shalt  }
0x4c: {  	_ =	shalt  }
0x4d: {  	_ =	shalt  }
0x4e: {  	_ =	shalt  }
0x4f: {  	_ =	shalt  }
0x50: {  	_ =	shalt  }
0x51: {  	_ =	shalt  }
0x52: {  	_ =	shalt  }
0x53: {  	_ =	shalt  }
0x54: {  	_ =	shalt  }
0x55: {  	_ =	shalt  }
0x56: {  	_ =	shalt  }
0x57: {  	_ =	shalt  }
0x58: {  	_ =	shalt  }
0x59: {  	_ =	shalt  }
0x5a: {  	_ =	shalt  }
0x5b: {  	_ =	shalt  }
0x5c: {  	_ =	shalt  }
0x5d: {  	_ =	shalt  }
0x5e: {  	_ =	shalt  }
0x5f: {  	_ =	shalt  }
0x60: {  	_ =	shalt  }
0x61: {  	_ =	shalt  }
0x62: {  	_ =	shalt  }
0x63: {  	_ =	shalt  }
0x64: {  	_ =	shalt  }
0x65: {  	_ =	shalt  }
0x66: {  	_ =	shalt  }
0x67: {  	_ =	shalt  }
0x68: {  	_ =	shalt  }
0x69: {  	_ =	shalt  }
0x6a: {  	_ =	shalt  }
0x6b: {  	_ =	shalt  }
0x6c: {  	_ =	shalt  }
0x6d: {  	_ =	shalt  }
0x6e: {  	_ =	shalt  }
0x6f: {  	_ =	shalt  }
0x70: {  	_ =	shalt  }
0x71: {  	_ =	shalt  }
0x72: {  	_ =	shalt  }
0x73: {  	_ =	shalt  }
0x74: {  	_ =	shalt  }
0x75: {  	_ =	shalt  }
0x76: {  	_ =	shalt  }
0x77: {  	_ =	shalt  }
0x78: {  	_ =	shalt  }
0x79: {  	_ =	shalt  }
0x7a: {  	_ =	shalt  }
0x7b: {  	_ =	shalt  }
0x7c: {  	_ =	shalt  }
0x7d: {  	_ =	shalt  }
0x7e: {  	_ =	shalt  }
0x7f: {  	_ =	shalt  }
0x80: {  	_ =	shalt  }
0x81: {  	_ =	shalt  }
0x82: {  	_ =	shalt  }
0x83: {  	_ =	shalt  }
0x84: {  	_ =	shalt  }
0x85: {  	_ =	shalt  }
0x86: {  	_ =	shalt  }
0x87: {  	_ =	shalt  }
.Lfunc_end0:
.L_simem_size_0:
called_computation.1_lowered:
.L_overlay_start_0:
0x88: {  	s2 =	sld [smem:$0x3FD9]  }
0x89: {  	s3 =	sld [smem:$0x3FFE];
	_ =	sdelay $0x1  }
0x8a: {  	s1 =	srdreg.scid  }
0x8b: {  	s0 =	sand.u32 $0x1, s1  }
0x8c: {  	s17 =	sshll.u32 s0, $0xA;
	s2 =	sadd.s32 s3, s2  }
0x8d: {  	s2 =	sadd.s32 s2, s17  }
0x8e: {  	[smem:$0x3FBE] =	sst s2  }
0x8f: {  	_ = 	snop  }
0x90: {  	s2 =	sld [smem:$0x3FC8]  }
0x91: {  	s18 =	sld [smem:$0x3FD0];
	(tm) =	ssettm $0x1  }
0x92: {  	s4 =	sld [smem:$0x3FFB];
	_ =	sdelay $0x3  }
0x93: {  	_ =	strace s4  }
0x94: {  	s4 =	sld [smem:$0x3FFC];
	_ =	sdelay $0x3  }
0x95: {  	_ =	strace s4  }
0x96: {  	s4 =	sld [smem:$0x3FFD];
	_ =	sdelay $0x3  }
0x97: {  	_ =	strace s4  }
0x98: {  	_ =	strace $0x8FFFFFFF  }
0x99: {  	s19 =	sld [smem:$0x3FDB];
	_ =	sdelay $0x1  }
0x9a: {  	s5 =	simm.s32 $_scs_section_size  }
0x9b: {  	s6 =	simm.s32 $_size__tile_overlayer_lowered;
	s7 =	simm.s32 $_tile_overlayer_lowered  }
0x9c: {  	s22 =	simm.s32 $0x1BFF;
	s21 =	sshll.u32 s7, $0x1;
	s4 =	sadd.s32 s5, s19  }
0x9d: {  	s8 =	simm.s32 $0x0;
	s20 =	sshll.u32 s6, $0x1;
	s6 =	sadd.s32 s21, s4  }
0x9e: {  	[timem:s8], [sflag:s22] =	dma.local [hbm:s6], s20  }
0x9f: {  	_ =	swait.ge [sflag:s22], s20  }
0xa0: {  	s5 =	ssub.s32 $0x0, s20;
	[sflag:s22] =	ssyncset.done $0x0  }
0xa1: {  	[sflag:s22] =	ssyncadd.s32 s5;
	_ =	sdelay $0x1  }
0xa2: {  	s23 =	simm.s32 $0x1B8B  }
0xa3: {  	_ =	swait.ge [sflag:s23], $0x1  }
0xa4: {  	[sflag:s23] =	ssyncset.done $0x0  }
0xa5: {  	s25 =	simm.s32 $0x1B8E;
	s24 =	sld [smem:$0x3FFE];
	[sflag:s23] =	ssyncadd.s32 $0xFFFFFFFF  }
0xa6: {  	s26 =	simm.s32 $execute0_lowered;
	[smem:$0x3FD2] =	sst s25  }
0xa7: {  	s6 =	sshll.u32 s26, $0x1;
	_ =	strace $0x80000049;
	[dreg:$0x1] =	wrdreg $0xFFFFFFFF  }
0xa8: {  	s28 =	simm.s32 $_size_execute0_lowered;
	s4 =	sadd.s32 s4, s6;
	[dreg:$0x0] =	wrdreg $0x0  }
0xa9: {  	s6 =	sshll.u32 s28, $0x1;
	[dreg:$0x2] =	wrdreg s4  }
0xaa: {  	[dreg:$0x3] =	wrdreg s6  }
0xab: {  	[dreg:$0x4] =	wrdreg $0xC0  }
0xac: {  	_ =	task [dreg:s8], $0x5FFFF  }
0xad: {  	[dreg:$0x1] =	wrdreg $0xFFFFFFFF  }
0xae: {  	[dreg:$0x0] =	wrdreg $0x60  }
0xaf: {  	[dreg:$0x2] =	wrdreg s24  }
0xb0: {  	[dreg:$0x3] =	wrdreg s2  }
0xb1: {  	[dreg:$0x4] =	wrdreg s18  }
0xb2: {  	[dreg:$0x5] =	wrdreg $0x9  }
0xb3: {  	_ =	task.clear_ibuf [dreg:s8], $0x6FFFF;
	_ =	strace $0x90000049  }
0xb4: {  	s29 =	simm.s32 $0x9;
	_ =	strace $0x8000004B  }
0xb5: {  	_ =	swait.ge [sflag:s29], $0x1  }
0xb6: {  	[sflag:s29] =	ssyncadd.s32 $0xFFFFFFFF  }
0xb7: {  	_ =	strace $0x9000004B  }
0xb8: {  	_ =	sfence  }
0xb9: {  	s30 =	sld [smem:$0x0];
	_ =	sdelay $0x2  }
0xba: {  	s31 =	sshll.u32 s1, $0xD;
	s1 =	sshrl.u32 s1, $0x2  }
0xbb: {  	s3 =	sand.u32 $0x4000, s31;
	s1 =	sadd.s32 s1, s30  }
0xbc: {  	s0 =	sor.u32 s3, s0;
	s1 =	sshll.u32 s1, $0x11  }
0xbd: {  	s0 =	sor.u32 s1, s0  }
0xbe: {  	s0 =	sadd.s32 $0x8F2B, s0  }
0xbf: {  	[sflag:s0] =	ssyncadd.remote.s32 $0x1  }
0xc0: {  	_ =	sfence.sel $0xFFFF  }
0xc1: {  	[dreg:$0x0] =	wrdreg $0xFFFFFFFF;
	(pc) =	sbr.abs _section_cstart, $3  }
0xc2: {  	[dreg:$0x1] =	wrdreg $0xFFFFFFFF  }
0xc3: {  	_ =	task.clear_ibuf [dreg:s8], $0x2FFFF;
	_ =	strace $0x9FFFFFFF  }
0xc4: {  	(tm) =	ssettm $0x7FFFFFFF  }
0xc5: {  	_ =	shalt  }
tec
execute0_lowered:
.L_overlay_start_1:
0x0: {  	(tag) =	ssettag $0x1  }
0x1: {  	s4 =	rddreg [dreg:$0x0];
	s1 =	srdreg.scid  }
0x2: {  	s3 =	rddreg [dreg:$0x1];
	s0 =	stileid.u32;
	s5 =	sand.u32 $0x1, s1  }
0x3: {  	s6 =	rddreg [dreg:$0x2];
	s7 =	sshll.u32 s0, $0x8;
	s8 =	sshll.u32 s5, $0x7  }
0x4: {  	s2 =	simm.s32 $0x0;
	s1 =	rddreg [dreg:$0x3];
	s7 =	sor.u32 s8, s7  }
0x5: {  	[smem:$0x7FF] =	sst s2;
	s8 =	sshrl.u32 s7, $0x2  }
0x6: {  	_ =	strace $0x8000004A;
	s18 =	sadd.s32 s3, s8;
	s3 =	simm.s32 $0x2  }
0x7: {  	[tilespmem:s2], [sflag:$0x2] =	stream.linear.gather [hbm4b:s18+s2], $0x80, $0x38;
	[tilespmem:$0x10200] =	vst v63  }
0x8: {  	s5 =	ssub.s32 $0x2, s5;
	_ =	swait.ge [sflag:s3], $0x80  }
0x9: {  	s9 =	sshrl.u32 s5, $0x1;
	[sflag:s3] =	ssyncset.done $0x0  }
0xa: {  	s8 =	simm.s32 $0x80;
	s19 =	sadd.s32 $0x10, s18;
	[sflag:s3] =	ssyncadd.s32 $0xFFFFFF80  }
0xb: {  	[tilespmem:s8], [sflag:$0x2] =	stream.linear.gather [hbm4b:s19+s2], $0x80, $0x38;
	[tilespmem:$0x10200] =	vst v63  }
0xc: {  	s9 =	ssub.s32 s5, s9;
	_ =	swait.ge [sflag:s3], $0x80  }
0xd: {  	s16 =	simm.s32 $0x100;
	s20 =	smax.u32 s9, $0x1;
	[sflag:s3] =	ssyncset.done $0x0  }
0xe: {  	s14 =	simm.s32 $0x200;
	p0 =	sne.s32 s20, $0x1;
	[sflag:s3] =	ssyncadd.s32 $0xFFFFFF80  }
.Ltmp0:
0xf: {  	s17 =	simm.s32 $0x180;
	s13 =	simm.s32 $0x4200;
	v0 =	vld [tilespmem:$0x50];
	(pc) =	sbr.rel @!p0 .LBB2_2-.Ltmp0, $4  }
0x10: {  	s11 =	simm.s32 $0x8200;
	s15 =	simm.s32 $0x1;
	s7 =	sshll.u32 s7, $0x4;
	v1 =	vld [tilespmem:$0xD0]  }
0x11: {  	s12 =	sadd.s32 $0x104E00, s4;
	s10 =	sadd.s32 $0x4E00, s4;
	s4 =	sadd.s32 s7, s4;
	v2 =	vld [tilespmem:$0x60]  }
0x12: {  	s7 =	sadd.s32 s6, s7;
	s9 =	simm.s32 $0xC200;
	s6 =	sadd.s32 $0x5E00, s4;
	v3 =	vld [tilespmem:$0xB0]  }
0x13: {  	s5 =	sadd.s32 $0x15E00, s4;
	s4 =	sadd.s32 $0x25E00, s4;
	s20 =	sadd.s32 $0xFFFFFFFF, s20;
	v4 =	vld [tilespmem:$0x30]  }
.LBB2_1:
0x14: {  	p0 =	sne.s32 s20, $0x1;
	s20 =	sadd.s32 $0xFFFFFFFF, s20;
	v5 =	vshll.u32 v0, $0x8;
	v6 =	vld [tilespmem:$0xE0]  }
0x15: {  	v7 =	vld [tilespmem:$0x0];
	v5 =	vadd.s32 v1, v5  }
0x16: {  	v8 =	vld [tilespmem:$0xF0]  }
0x17: {  	v9 =	vshll.u32 v3, $0x8;
	v10 =	vld [tilespmem:$0x70]  }
0x18: {  	v12 =	vshll.u32 v2, $0x8;
	v11 =	vld [tilespmem:$0x80];
	v9 =	vadd.s32 v4, v9;
	v4 =	vshll.u32 v4, $0x8  }
0x19: {  	v3 =	vadd.s32 v3, v4;
	v4 =	vld [tilespmem:$0x40];
	[tilespmem:$0x1D0] =	vst v5;
	v5 =	vshll.u32 v6, $0x8;
	v6 =	vadd.s32 v6, v12  }
0x1a: {  	[tilespmem:$0x130] =	vst v9;
	v9 =	vld [tilespmem:$0xC0];
	v2 =	vadd.s32 v2, v5  }
0x1b: {  	v5 =	vld [tilespmem:$0x10];
	[tilespmem:$0x1B0] =	vst v3;
	v3 =	vshll.u32 v8, $0x8  }
0x1c: {  	v12 =	vshll.u32 v7, $0x8;
	v13 =	vld [tilespmem:$0xA0];
	[tilespmem:$0x1E0] =	vst v6;
	v3 =	vadd.s32 v10, v3;
	v6 =	vshll.u32 v10, $0x8  }
0x1d: {  	v10 =	vadd.s32 v11, v12;
	v12 =	vld [tilespmem:$0x90];
	[tilespmem:$0x170] =	vst v3;
	v3 =	vadd.s32 v8, v6  }
0x1e: {  	v6 =	vld [tilespmem:$0x20];
	v8 =	vshll.u32 v4, $0x8;
	[tilespmem:$0x1F0] =	vst v3  }
0x1f: {  	v3 =	vshll.u32 v11, $0x8;
	v11 =	vshll.u32 v9, $0x8;
	v8 =	vadd.s32 v9, v8;
	[tilespmem:$0x160] =	vst v2  }
0x20: {  	v2 =	vadd.s32 v7, v3;
	[tilespmem:$0x180] =	vst v10;
	v3 =	vadd.s32 v4, v11  }
0x21: {  	[tilespmem:$0x100] =	vst v2;
	v2 =	vshll.u32 v5, $0x8  }
0x22: {  	v4 =	vshll.u32 v12, $0x8;
	v2 =	vadd.s32 v12, v2;
	[tilespmem:$0x1C0] =	vst v8  }
0x23: {  	v4 =	vadd.s32 v5, v4;
	v5 =	vshll.u32 v13, $0x8;
	v7 =	vshll.u32 v6, $0x8;
	[tilespmem:$0x140] =	vst v3  }
0x24: {  	[tilespmem:$0x110] =	vst v4;
	v3 =	vadd.s32 v6, v5;
	v4 =	vadd.s32 v13, v7  }
0x25: {  	v1 =	vshll.u32 v1, $0x8;
	[tilespmem:$0x120] =	vst v3  }
0x26: {  	v0 =	vadd.s32 v0, v1;
	[tilespmem:$0x190] =	vst v2  }
0x27: {  	[tilespmem:$0x150] =	vst v0  }
0x28: {  	[tilespmem:$0x1A0] =	vst v4  }
0x29: {  	[tilespmem:s14], [sflag:$0x1] =	stream.indirect.gather [hbm4b:s12+s8], $0x80, s16, s8, $0xb8;
	[tilespmem:$0x10200] =	vst v63  }
0x2a: {  	_ = 	snop  }
0x2b: {  	[tilespmem:s13], [sflag:$0x1] =	stream.indirect.gather [hbm4b:s12+s8], $0x80, s17, s8, $0xb8;
	[tilespmem:$0x10200] =	vst v63  }
0x2c: {  	_ = 	snop  }
0x2d: {  	[tilespmem:s11], [sflag:$0x1] =	stream.indirect.gather [hbm4b:s10+s8], $0x80, s2, s8, $0xb8;
	[tilespmem:$0x10200] =	vst v63  }
0x2e: {  	_ = 	snop  }
0x2f: {  	[tilespmem:s9], [sflag:$0x1] =	stream.indirect.gather [hbm4b:s10+s8], $0x80, s8, s8, $0xb8;
	[tilespmem:$0x10200] =	vst v63  }
0x30: {  	_ =	swait.ge [sflag:s15], $0x4000  }
0x31: {  	[sflag:s15] =	ssyncset.done $0x0  }
0x32: {  	[sflag:s15] =	ssyncadd.s32 $0xFFFFC000  }
0x33: {  	_ =	swait.ge [sflag:s15], $0x4000  }
0x34: {  	[sflag:s15] =	ssyncset.done $0x0  }
0x35: {  	[sflag:s15] =	ssyncadd.s32 $0xFFFFC000  }
0x36: {  	_ =	swait.ge [sflag:s15], $0x4000  }
0x37: {  	[sflag:s15] =	ssyncset.done $0x0  }
0x38: {  	[sflag:s15] =	ssyncadd.s32 $0xFFFFC000  }
0x39: {  	_ =	swait.ge [sflag:s15], $0x4000  }
0x3a: {  	[sflag:s15] =	ssyncset.done $0x0  }
0x3b: {  	[sflag:s15] =	ssyncadd.s32 $0xFFFFC000  }
0x3c: {  	[hbm4b:s7+s2] =	stream.linear.scatter [tilespmem:s14], [sflag:$0x2], $0x4000, $0x38;
	[tilespmem:$0x10200] =	vst v63  }
0x3d: {  	_ =	swait.ge [sflag:s3], $0x4000  }
0x3e: {  	[sflag:s3] =	ssyncset.done $0x0  }
0x3f: {  	[sflag:s3] =	ssyncadd.s32 $0xFFFFC000  }
0x40: {  	[hbm4b:s6+s2] =	stream.linear.scatter [tilespmem:s13], [sflag:$0x2], $0x4000, $0x38;
	[tilespmem:$0x10200] =	vst v63  }
0x41: {  	_ =	swait.ge [sflag:s3], $0x4000  }
0x42: {  	[sflag:s3] =	ssyncset.done $0x0  }
0x43: {  	[sflag:s3] =	ssyncadd.s32 $0xFFFFC000  }
0x44: {  	[hbm4b:s5+s2] =	stream.linear.scatter [tilespmem:s11], [sflag:$0x2], $0x4000, $0x38;
	[tilespmem:$0x10200] =	vst v63  }
0x45: {  	_ =	swait.ge [sflag:s3], $0x4000  }
0x46: {  	[sflag:s3] =	ssyncset.done $0x0  }
0x47: {  	[sflag:s3] =	ssyncadd.s32 $0xFFFFC000  }
0x48: {  	[hbm4b:s4+s2] =	stream.linear.scatter [tilespmem:s9], [sflag:$0x2], $0x4000, $0x38;
	[tilespmem:$0x10200] =	vst v63  }
0x49: {  	_ =	swait.ge [sflag:s3], $0x4000  }
0x4a: {  	[sflag:s3] =	ssyncset.done $0x0  }
0x4b: {  	[sflag:s3] =	ssyncadd.s32 $0xFFFFC000  }
0x4c: {  	[tilespmem:s2], [sflag:$0x2] =	stream.linear.gather [hbm4b:s18+s2], $0x80, $0x38;
	[tilespmem:$0x10200] =	vst v63  }
0x4d: {  	_ =	swait.ge [sflag:s3], $0x80  }
0x4e: {  	[sflag:s3] =	ssyncset.done $0x0  }
0x4f: {  	[sflag:s3] =	ssyncadd.s32 $0xFFFFFF80  }
0x50: {  	[tilespmem:s8], [sflag:$0x2] =	stream.linear.gather [hbm4b:s19+s2], $0x80, $0x38;
	[tilespmem:$0x10200] =	vst v63  }
0x51: {  	_ =	swait.ge [sflag:s3], $0x80  }
0x52: {  	[sflag:s3] =	ssyncset.done $0x0  }
0x53: {  	[sflag:s3] =	ssyncadd.s32 $0xFFFFFF80  }
.Ltmp1:
0x54: {  	v0 =	vld [tilespmem:$0x50];
	(pc) =	sbr.rel @p0 .LBB2_1-.Ltmp1, $4  }
0x55: {  	v1 =	vld [tilespmem:$0xD0]  }
0x56: {  	v2 =	vld [tilespmem:$0x60]  }
0x57: {  	v3 =	vld [tilespmem:$0xB0]  }
0x58: {  	v4 =	vld [tilespmem:$0x30]  }
.LBB2_2:
0x59: {  	v5 =	vld [tilespmem:$0xE0]  }
0x5a: {  	v6 =	vld [tilespmem:$0xF0]  }
0x5b: {  	v7 =	vshll.u32 v0, $0x8;
	v8 =	vld [tilespmem:$0x70]  }
0x5c: {  	v9 =	vld [tilespmem:$0x0];
	v7 =	vadd.s32 v1, v7;
	v60 =	vshll.u32 v1, $0x8  }
0x5d: {  	v11 =	vld [tilespmem:$0x80];
	[tilespmem:$0x1D0] =	vst v7;
	v62 =	vadd.s32 v0, v60;
	v10 =	vshll.u32 v3, $0x8  }
0x5e: {  	v41 =	vld [tilespmem:$0x40];
	[tilespmem:$0x150] =	vst v62;
	v10 =	vadd.s32 v4, v10;
	v38 =	vshll.u32 v4, $0x8  }
0x5f: {  	v42 =	vld [tilespmem:$0xC0];
	v39 =	vshll.u32 v2, $0x8;
	v40 =	vadd.s32 v3, v38;
	[tilespmem:$0x130] =	vst v10  }
0x60: {  	v12 =	vld [tilespmem:$0x10];
	v7 =	vadd.s32 v5, v39;
	v43 =	vshll.u32 v6, $0x8;
	[tilespmem:$0x1B0] =	vst v40  }
0x61: {  	v45 =	vld [tilespmem:$0x90];
	v44 =	vshll.u32 v8, $0x8;
	[tilespmem:$0x1E0] =	vst v7;
	v3 =	vadd.s32 v8, v43  }
0x62: {  	v49 =	vld [tilespmem:$0xA0];
	v5 =	vshll.u32 v5, $0x8;
	v46 =	vadd.s32 v6, v44;
	[tilespmem:$0x170] =	vst v3  }
0x63: {  	v51 =	vld [tilespmem:$0x20];
	v48 =	vshll.u32 v9, $0x8;
	v47 =	vadd.s32 v2, v5;
	[tilespmem:$0x1F0] =	vst v46  }
0x64: {  	v52 =	vshll.u32 v11, $0x8;
	v50 =	vadd.s32 v11, v48;
	[tilespmem:$0x160] =	vst v47  }
0x65: {  	v53 =	vshll.u32 v41, $0x8;
	v7 =	vadd.s32 v9, v52;
	[tilespmem:$0x180] =	vst v50  }
0x66: {  	v55 =	vshll.u32 v45, $0x8;
	v2 =	vadd.s32 v42, v53;
	[tilespmem:$0x100] =	vst v7  }
0x67: {  	v57 =	vshll.u32 v49, $0x8;
	v56 =	vadd.s32 v12, v55;
	[tilespmem:$0x1C0] =	vst v2  }
0x68: {  	v61 =	vshll.u32 v51, $0x8;
	v59 =	vadd.s32 v51, v57;
	[tilespmem:$0x110] =	vst v56  }
0x69: {  	v54 =	vshll.u32 v42, $0x8;
	v63 =	vadd.s32 v49, v61;
	[tilespmem:$0x120] =	vst v59  }
0x6a: {  	v58 =	vshll.u32 v12, $0x8;
	v3 =	vadd.s32 v41, v54;
	[tilespmem:$0x1A0] =	vst v63  }
0x6b: {  	[tilespmem:$0x140] =	vst v3;
	v3 =	vadd.s32 v45, v58  }
0x6c: {  	[tilespmem:$0x190] =	vst v3  }
0x6d: {  	[tilespmem:s14], [sflag:$0x1] =	stream.indirect.gather [hbm4b:s12+s8], $0x80, s16, s8, $0xb8;
	[tilespmem:$0x10200] =	vst v63  }
0x6e: {  	_ = 	snop  }
0x6f: {  	[tilespmem:s13], [sflag:$0x1] =	stream.indirect.gather [hbm4b:s12+s8], $0x80, s17, s8, $0xb8;
	[tilespmem:$0x10200] =	vst v63  }
0x70: {  	_ = 	snop  }
0x71: {  	[tilespmem:s11], [sflag:$0x1] =	stream.indirect.gather [hbm4b:s10+s8], $0x80, s2, s8, $0xb8;
	[tilespmem:$0x10200] =	vst v63  }
0x72: {  	_ = 	snop  }
0x73: {  	[tilespmem:s9], [sflag:$0x1] =	stream.indirect.gather [hbm4b:s10+s8], $0x80, s8, s8, $0xb8;
	[tilespmem:$0x10200] =	vst v63  }
0x74: {  	_ =	swait.ge [sflag:s15], $0x4000  }
0x75: {  	[sflag:s15] =	ssyncset.done $0x0  }
0x76: {  	[sflag:s15] =	ssyncadd.s32 $0xFFFFC000  }
0x77: {  	_ =	swait.ge [sflag:s15], $0x4000  }
0x78: {  	[sflag:s15] =	ssyncset.done $0x0  }
0x79: {  	[sflag:s15] =	ssyncadd.s32 $0xFFFFC000  }
0x7a: {  	_ =	swait.ge [sflag:s15], $0x4000  }
0x7b: {  	[sflag:s15] =	ssyncset.done $0x0  }
0x7c: {  	[sflag:s15] =	ssyncadd.s32 $0xFFFFC000  }
0x7d: {  	_ =	swait.ge [sflag:s15], $0x4000  }
0x7e: {  	[sflag:s15] =	ssyncset.done $0x0  }
0x7f: {  	[sflag:s15] =	ssyncadd.s32 $0xFFFFC000  }
0x80: {  	[hbm4b:s7+s2] =	stream.linear.scatter [tilespmem:s14], [sflag:$0x2], $0x4000, $0x38;
	[tilespmem:$0x10200] =	vst v63  }
0x81: {  	_ =	swait.ge [sflag:s3], $0x4000  }
0x82: {  	[sflag:s3] =	ssyncset.done $0x0  }
0x83: {  	[sflag:s3] =	ssyncadd.s32 $0xFFFFC000  }
0x84: {  	[hbm4b:s6+s2] =	stream.linear.scatter [tilespmem:s13], [sflag:$0x2], $0x4000, $0x38;
	[tilespmem:$0x10200] =	vst v63  }
0x85: {  	_ =	swait.ge [sflag:s3], $0x4000  }
0x86: {  	[sflag:s3] =	ssyncset.done $0x0  }
0x87: {  	[sflag:s3] =	ssyncadd.s32 $0xFFFFC000  }
0x88: {  	[hbm4b:s5+s2] =	stream.linear.scatter [tilespmem:s11], [sflag:$0x2], $0x4000, $0x38;
	[tilespmem:$0x10200] =	vst v63  }
0x89: {  	_ =	swait.ge [sflag:s3], $0x4000  }
0x8a: {  	[sflag:s3] =	ssyncset.done $0x0  }
0x8b: {  	[sflag:s3] =	ssyncadd.s32 $0xFFFFC000  }
0x8c: {  	[hbm4b:s4+s2] =	stream.linear.scatter [tilespmem:s9], [sflag:$0x2], $0x4000, $0x38;
	[tilespmem:$0x10200] =	vst v63  }
0x8d: {  	_ =	swait.ge [sflag:s3], $0x4000  }
0x8e: {  	[sflag:s3] =	ssyncset.done $0x0  }
0x8f: {  	[sflag:s3] =	ssyncadd.s32 $0xFFFFC000  }
0x90: {  	_ =	sfence.sel $0x180000  }
0x91: {  	[bflag:$0x0] =	sbarrier.arrive $0xFFFF  }
0x92: {  	p0 =	sne.s32 s0, $0x0;
	_ =	strace $0x9000004A  }
0x93: {  	s0 =	sadd.s32 @!p0 $0x100000, s1;
	[bflag:$0x2] =	sbarrier.arrive $0xFFFF  }
0x94: {  	[sflag:s0] =	ssyncadd.tile.s32 @!p0 $0x1;
	_ =	shalt  }
.Lfunc_end2:
_tile_overlayer_lowered:
.L_overlay_start_2:
0x95: {  	(tag) =	ssettag $0x2  }
0x96: {  	s0 =	rddreg [dreg:$0x0];
	s2 =	stileid.u32  }
0x97: {  	s1 =	rddreg [dreg:$0x1];
	p0 =	sne.s32 s2, $0x0  }
0x98: {  	s3 =	rddreg [dreg:$0x2];
	[bflag:$0x3] =	sbarrier.arrive $0xFFFF;
	s2 =	simm.s32 @!p0 $0x1C02  }
0x99: {  	[timem:s3], [sflag:s2] =	dma.local @!p0 [hbm:s0], s1  }
0x9a: {  	s0 =	simm.s32 @!p0 $0x2  }
0x9b: {  	_ =	swait.ge @!p0 [sflag:s0], s1  }
0x9c: {  	s1 =	ssub.s32 @!p0 $0x0, s1;
	[sflag:s0] =	ssyncset.done @!p0 $0x0  }
0x9d: {  	[sflag:s0] =	ssyncadd.s32 @!p0 s1  }
0x9e: {  	[bflag:$0x3] =	sbarrier.arrive $0xFFFF  }
0x9f: {  	_ =	shalt  }

// kernel: kernel.14.cloned.1.call-start
scs
__scs_entry_jumppad:
0x0: {  	(pc) =	sbr.rel $0x88, $3  }
0x1: {  	(tag) =	ssettag $0x0;
	lr =	simm.s32 $0x1  }
0x2: {  	[smem:$0x3F97] =	sst lr;
	_ =	strace $0xD0000000  }
0x3: {  	_ = 	snop  }
0x4: {  	_ = 	snop  }
0x5: {  	_ = 	snop  }
0x6: {  	_ = 	snop  }
0x7: {  	_ = 	snop  }
__scs_overlays_trampoline_lowered:
0x8: {  	[smem:$0x3FA6] =	sst s0  }
0x9: {  	[smem:$0x3FA7] =	sst s1  }
0xa: {  	[smem:$0x3FA8] =	sst s2  }
0xb: {  	[smem:$0x3FA9] =	sst s3  }
0xc: {  	[smem:$0x3FAA] =	sst s4  }
0xd: {  	[smem:$0x3FAB] =	sst s5  }
0xe: {  	[smem:$0x3FAC] =	sst s6  }
0xf: {  	[smem:$0x3FAD] =	sst s7  }
0x10: {  	[smem:$0x3FAE] =	sst s8  }
0x11: {  	[smem:$0x3FAF] =	sst s9;
	s0 =	simm.s32 @!p0 $0x0  }
0x12: {  	s1 =	sld [smem:$0x3F95];
	s0 =	simm.s32 @p0 $0x1  }
0x13: {  	[smem:$0x3FB0] =	sst s0;
	s0 =	simm.s32 @!p1 $0x0  }
0x14: {  	s2 =	sld [smem:$0x3F94];
	s0 =	simm.s32 @p1 $0x1  }
0x15: {  	[smem:$0x3FB1] =	sst s0;
	s0 =	simm.s32 @!p2 $0x0  }
0x16: {  	s3 =	sld [smem:$0x3FDB];
	s0 =	simm.s32 @p2 $0x1  }
0x17: {  	s4 =	simm.s32 $0x1BF5;
	[smem:$0x3FB3] =	sst s0  }
0x18: {  	s0 =	sld [smem:$0x3F96];
	_ =	swait.ge [sflag:s4], $0x0  }
0x19: {  	s7 =	sld [smem:$0x3F97]  }
0x1a: {  	s8 =	sadd.s32 $0xFFFFE003, lr  }
0x1b: {  	s9 =	sadd.s32 $0xFFFFFEF7, lr;
	s5 =	simm.s32 $0xFFFFFFFF;
	p2 =	slt.u32 s8, $0xFFFFF086  }
0x1c: {  	p1 =	slt.u32 s9, $0xF7A;
	s5 =	simm.s32 @!p2 $0x0  }
0x1d: {  	s5 =	simm.s32 @p1 $0x1;
	p0 =	seq.s32 s7, s2  }
0x1e: {  	s7 =	smul.u32 @!p0 $0xF7A, s2;
	p2 =	seq.s32 @!p0 s5, $0x0  }
0x1f: {  	s9 =	smul.u32 $0xF7A, s1;
	s8 =	simm.s32 @!p0 $0x1BF5;
	p2 =	por !p2, p0  }
0x20: {  	[sflag:s8] =	ssyncset.s32 @!p0 $0xFFFFF086;
	s6 =	sadd.s32 @!p0 s3, s7;
	s7 =	simm.s32 @!p0 $0x108  }
0x21: {  	s3 =	sadd.s32 s3, s9;
	s6 =	sadd.s32 @!p0 $0x88, s6;
	s7 =	simm.s32 @p2 $0x1082  }
0x22: {  	[simem:s7], [sflag:s8] =	dma.local @!p0 [hbm:s6], $0xF7A  }
0x23: {  	s9 =	sor.u32 $0xD0000000, s2;
	s6 =	simm.s32 $0x108;
	_ =	swait.ge @!p0 [sflag:s8], $0x0  }
0x24: {  	s3 =	sadd.s32 $0x88, s3;
	s6 =	simm.s32 @!p1 $0x1082;
	[sflag:s4] =	ssyncset.s32 $0xFFFFF086  }
0x25: {  	[simem:s6], [sflag:s4] =	dma.local [hbm:s3], $0xF7A  }
0x26: {  	[smem:$0x3F97] =	sst s1;
	(tag) =	ssettag s2;
	_ =	strace s9  }
0x27: {  	s1 =	sld [smem:$0x3FA7]  }
0x28: {  	s2 =	sld [smem:$0x3FA8]  }
0x29: {  	s4 =	sld [smem:$0x3FAA]  }
0x2a: {  	p0 =	seq.s32 s5, $0x0;
	s5 =	sld [smem:$0x3FAB]  }
0x2b: {  	s6 =	sld [smem:$0x3FAC]  }
0x2c: {  	s7 =	sld [smem:$0x3FAD]  }
0x2d: {  	s3 =	simm.s32 $0x108;
	s8 =	sld [smem:$0x3FAE]  }
0x2e: {  	s3 =	simm.s32 @!p0 $0x1082;
	s9 =	sld [smem:$0x3FAF]  }
0x2f: {  	lr =	sadd.s32 s0, s3;
	s0 =	sld [smem:$0x3FA6]  }
0x30: {  	s3 =	sld [smem:$0x3FA9]  }
0x31: {  	[smem:$0x3FB2] =	sst s10  }
0x32: {  	s10 =	sld [smem:$0x3FB0];
	_ =	sdelay $0x3  }
0x33: {  	p0 =	seq.s32 s10, $0x1;
	s10 =	sld [smem:$0x3FB2];
	_ =	sdelay $0x3  }
0x34: {  	[smem:$0x3FB2] =	sst s10  }
0x35: {  	s10 =	sld [smem:$0x3FB1];
	_ =	sdelay $0x3  }
0x36: {  	p1 =	seq.s32 s10, $0x1;
	s10 =	sld [smem:$0x3FB2];
	_ =	sdelay $0x3  }
0x37: {  	[smem:$0x3FB2] =	sst s10  }
0x38: {  	s10 =	sld [smem:$0x3FB3]  }
0x39: {  	_ = 	snop;
	(pc) =	sbr.ind lr, $3  }
0x3a: {  	_ = 	snop  }
0x3b: {  	_ = 	snop  }
0x3c: {  	p2 =	seq.s32 s10, $0x1;
	s10 =	sld [smem:$0x3FB2]  }
0x3d: {  	_ =	shalt  }
0x3e: {  	_ =	shalt  }
0x3f: {  	_ =	shalt  }
0x40: {  	_ =	shalt  }
0x41: {  	_ =	shalt  }
0x42: {  	_ =	shalt  }
0x43: {  	_ =	shalt  }
0x44: {  	_ =	shalt  }
0x45: {  	_ =	shalt  }
0x46: {  	_ =	shalt  }
0x47: {  	_ =	shalt  }
0x48: {  	_ =	shalt  }
0x49: {  	_ =	shalt  }
0x4a: {  	_ =	shalt  }
0x4b: {  	_ =	shalt  }
0x4c: {  	_ =	shalt  }
0x4d: {  	_ =	shalt  }
0x4e: {  	_ =	shalt  }
0x4f: {  	_ =	shalt  }
0x50: {  	_ =	shalt  }
0x51: {  	_ =	shalt  }
0x52: {  	_ =	shalt  }
0x53: {  	_ =	shalt  }
0x54: {  	_ =	shalt  }
0x55: {  	_ =	shalt  }
0x56: {  	_ =	shalt  }
0x57: {  	_ =	shalt  }
0x58: {  	_ =	shalt  }
0x59: {  	_ =	shalt  }
0x5a: {  	_ =	shalt  }
0x5b: {  	_ =	shalt  }
0x5c: {  	_ =	shalt  }
0x5d: {  	_ =	shalt  }
0x5e: {  	_ =	shalt  }
0x5f: {  	_ =	shalt  }
0x60: {  	_ =	shalt  }
0x61: {  	_ =	shalt  }
0x62: {  	_ =	shalt  }
0x63: {  	_ =	shalt  }
0x64: {  	_ =	shalt  }
0x65: {  	_ =	shalt  }
0x66: {  	_ =	shalt  }
0x67: {  	_ =	shalt  }
0x68: {  	_ =	shalt  }
0x69: {  	_ =	shalt  }
0x6a: {  	_ =	shalt  }
0x6b: {  	_ =	shalt  }
0x6c: {  	_ =	shalt  }
0x6d: {  	_ =	shalt  }
0x6e: {  	_ =	shalt  }
0x6f: {  	_ =	shalt  }
0x70: {  	_ =	shalt  }
0x71: {  	_ =	shalt  }
0x72: {  	_ =	shalt  }
0x73: {  	_ =	shalt  }
0x74: {  	_ =	shalt  }
0x75: {  	_ =	shalt  }
0x76: {  	_ =	shalt  }
0x77: {  	_ =	shalt  }
0x78: {  	_ =	shalt  }
0x79: {  	_ =	shalt  }
0x7a: {  	_ =	shalt  }
0x7b: {  	_ =	shalt  }
0x7c: {  	_ =	shalt  }
0x7d: {  	_ =	shalt  }
0x7e: {  	_ =	shalt  }
0x7f: {  	_ =	shalt  }
0x80: {  	_ =	shalt  }
0x81: {  	_ =	shalt  }
0x82: {  	_ =	shalt  }
0x83: {  	_ =	shalt  }
0x84: {  	_ =	shalt  }
0x85: {  	_ =	shalt  }
0x86: {  	_ =	shalt  }
0x87: {  	_ =	shalt  }
.Lfunc_end0:
.L_simem_size_0:
called_computation.2_lowered:
.L_overlay_start_0:
0x88: {  	s2 =	sld [smem:$0x3FD9]  }
0x89: {  	s3 =	sld [smem:$0x3FFE];
	_ =	sdelay $0x1  }
0x8a: {  	s1 =	srdreg.scid  }
0x8b: {  	s0 =	sand.u32 $0x1, s1  }
0x8c: {  	s17 =	sshll.u32 s0, $0xA;
	s2 =	sadd.s32 s3, s2  }
0x8d: {  	s2 =	sadd.s32 s2, s17  }
0x8e: {  	[smem:$0x3FBE] =	sst s2  }
0x8f: {  	_ = 	snop  }
0x90: {  	s2 =	sld [smem:$0x3FC8]  }
0x91: {  	s18 =	sld [smem:$0x3FD0];
	(tm) =	ssettm $0x1  }
0x92: {  	s4 =	sld [smem:$0x3FFB];
	_ =	sdelay $0x3  }
0x93: {  	_ =	strace s4  }
0x94: {  	s4 =	sld [smem:$0x3FFC];
	_ =	sdelay $0x3  }
0x95: {  	_ =	strace s4  }
0x96: {  	s4 =	sld [smem:$0x3FFD];
	_ =	sdelay $0x3  }
0x97: {  	_ =	strace s4  }
0x98: {  	_ =	strace $0x8FFFFFFF  }
0x99: {  	s19 =	sld [smem:$0x3FDB];
	_ =	sdelay $0x1  }
0x9a: {  	s5 =	simm.s32 $_scs_section_size  }
0x9b: {  	s6 =	simm.s32 $_size__tile_overlayer_lowered;
	s7 =	simm.s32 $_tile_overlayer_lowered  }
0x9c: {  	s22 =	simm.s32 $0x1BFF;
	s21 =	sshll.u32 s7, $0x1;
	s4 =	sadd.s32 s5, s19  }
0x9d: {  	s8 =	simm.s32 $0x0;
	s20 =	sshll.u32 s6, $0x1;
	s6 =	sadd.s32 s21, s4  }
0x9e: {  	[timem:s8], [sflag:s22] =	dma.local [hbm:s6], s20  }
0x9f: {  	_ =	swait.ge [sflag:s22], s20  }
0xa0: {  	s5 =	ssub.s32 $0x0, s20;
	[sflag:s22] =	ssyncset.done $0x0  }
0xa1: {  	[sflag:s22] =	ssyncadd.s32 s5;
	_ =	sdelay $0x1  }
0xa2: {  	s23 =	simm.s32 $0x1B8B  }
0xa3: {  	_ =	swait.ge [sflag:s23], $0x1  }
0xa4: {  	[sflag:s23] =	ssyncset.done $0x0  }
0xa5: {  	s25 =	simm.s32 $0x1B8E;
	s24 =	sld [smem:$0x3FFE];
	[sflag:s23] =	ssyncadd.s32 $0xFFFFFFFF  }
0xa6: {  	s26 =	simm.s32 $execute0_lowered;
	[smem:$0x3FD2] =	sst s25  }
0xa7: {  	s6 =	sshll.u32 s26, $0x1;
	_ =	strace $0x8000004C;
	[dreg:$0x1] =	wrdreg $0xFFFFFFFF  }
0xa8: {  	s28 =	simm.s32 $_size_execute0_lowered;
	s4 =	sadd.s32 s4, s6;
	[dreg:$0x0] =	wrdreg $0x0  }
0xa9: {  	s6 =	sshll.u32 s28, $0x1;
	[dreg:$0x2] =	wrdreg s4  }
0xaa: {  	[dreg:$0x3] =	wrdreg s6  }
0xab: {  	[dreg:$0x4] =	wrdreg $0xC0  }
0xac: {  	_ =	task [dreg:s8], $0x5FFFF  }
0xad: {  	[dreg:$0x1] =	wrdreg $0xFFFFFFFF  }
0xae: {  	[dreg:$0x0] =	wrdreg $0x60  }
0xaf: {  	[dreg:$0x2] =	wrdreg s18  }
0xb0: {  	[dreg:$0x3] =	wrdreg s2  }
0xb1: {  	[dreg:$0x4] =	wrdreg s24  }
0xb2: {  	[dreg:$0x5] =	wrdreg $0x9  }
0xb3: {  	_ =	task.clear_ibuf [dreg:s8], $0x6FFFF;
	_ =	strace $0x9000004C  }
0xb4: {  	s29 =	simm.s32 $0x9;
	_ =	strace $0x8000004E  }
0xb5: {  	_ =	swait.ge [sflag:s29], $0x1  }
0xb6: {  	[sflag:s29] =	ssyncadd.s32 $0xFFFFFFFF  }
0xb7: {  	_ =	strace $0x9000004E  }
0xb8: {  	_ =	sfence  }
0xb9: {  	s30 =	sld [smem:$0x0];
	_ =	sdelay $0x2  }
0xba: {  	s31 =	sshll.u32 s1, $0xD;
	s1 =	sshrl.u32 s1, $0x2  }
0xbb: {  	s3 =	sand.u32 $0x4000, s31;
	s1 =	sadd.s32 s1, s30  }
0xbc: {  	s0 =	sor.u32 s3, s0;
	s1 =	sshll.u32 s1, $0x11  }
0xbd: {  	s0 =	sor.u32 s1, s0  }
0xbe: {  	s0 =	sadd.s32 $0x8F2B, s0  }
0xbf: {  	[sflag:s0] =	ssyncadd.remote.s32 $0x1  }
0xc0: {  	_ =	sfence.sel $0xFFFF  }
0xc1: {  	[dreg:$0x0] =	wrdreg $0xFFFFFFFF;
	(pc) =	sbr.abs _section_cstart, $3  }
0xc2: {  	[dreg:$0x1] =	wrdreg $0xFFFFFFFF  }
0xc3: {  	_ =	task.clear_ibuf [dreg:s8], $0x2FFFF;
	_ =	strace $0x9FFFFFFF  }
0xc4: {  	(tm) =	ssettm $0x7FFFFFFF  }
0xc5: {  	_ =	shalt  }
tec
execute0_lowered:
.L_overlay_start_1:
0x0: {  	(tag) =	ssettag $0x1  }
0x1: {  	s8 =	rddreg [dreg:$0x0];
	s1 =	srdreg.scid  }
0x2: {  	s3 =	rddreg [dreg:$0x1];
	s0 =	stileid.u32;
	s7 =	sand.u32 $0x1, s1  }
0x3: {  	s9 =	rddreg [dreg:$0x2];
	s4 =	sshll.u32 s0, $0x8;
	s5 =	sshll.u32 s7, $0x7  }
0x4: {  	s2 =	simm.s32 $0x0;
	s1 =	rddreg [dreg:$0x3];
	s10 =	sor.u32 s5, s4  }
0x5: {  	[smem:$0x7FF] =	sst s2;
	s4 =	sshrl.u32 s10, $0x2  }
0x6: {  	_ =	strace $0x8000004D;
	s5 =	sadd.s32 s3, s4;
	s3 =	simm.s32 $0x2  }
0x7: {  	[tilespmem:s2], [sflag:$0x2] =	stream.linear.gather [hbm4b:s5+s2], $0x80, $0x38;
	[tilespmem:$0x4180] =	vst v63  }
0x8: {  	_ =	swait.ge [sflag:s3], $0x80  }
0x9: {  	[sflag:s3] =	ssyncset.done $0x0  }
0xa: {  	s4 =	simm.s32 $0x80;
	s6 =	sadd.s32 $0x10, s5;
	[sflag:s3] =	ssyncadd.s32 $0xFFFFFF80  }
0xb: {  	[tilespmem:s4], [sflag:$0x2] =	stream.linear.gather [hbm4b:s6+s2], $0x80, $0x38;
	[tilespmem:$0x4180] =	vst v63  }
0xc: {  	_ =	swait.ge [sflag:s3], $0x80  }
0xd: {  	[sflag:s3] =	ssyncset.done $0x0  }
0xe: {  	[sflag:s3] =	ssyncadd.s32 $0xFFFFFF80  }
0xf: {  	v0 =	vld [tilespmem:$0x0]  }
0x10: {  	v2 =	vld [tilespmem:$0x60]  }
0x11: {  	v3 =	vld [tilespmem:$0x30]  }
0x12: {  	v4 =	vld [tilespmem:$0x20]  }
0x13: {  	v1 =	vld [tilespmem:$0xE0]  }
0x14: {  	s7 =	ssub.s32 $0x2, s7;
	v5 =	vld [tilespmem:$0xB0]  }
0x15: {  	s11 =	sshrl.u32 s7, $0x1;
	v6 =	vld [tilespmem:$0xA0]  }
0x16: {  	s11 =	ssub.s32 s7, s11;
	v7 =	vld [tilespmem:$0x70]  }
0x17: {  	s12 =	smax.u32 s11, $0x1;
	v8 =	vld [tilespmem:$0xF0]  }
0x18: {  	p0 =	sne.s32 s12, $0x1;
	v9 =	vld [tilespmem:$0x90]  }
.Ltmp0:
0x19: {  	v10 =	vshll.u32 v1, $0x8;
	v1 =	vld [tilespmem:$0xD0];
	(pc) =	sbr.rel @!p0 .LBB2_2-.Ltmp0, $4  }
0x1a: {  	v5 =	vshll.u32 v5, $0x8;
	v10 =	vadd.s32 v2, v10;
	v2 =	vld [tilespmem:$0x80]  }
0x1b: {  	s31 =	sshll.u32 s10, $0x4;
	v6 =	vshll.u32 v6, $0x8;
	v5 =	vadd.s32 v3, v5;
	v3 =	vld [tilespmem:$0xC0];
	[tilespmem:$0x160] =	vst v10  }
0x1c: {  	s7 =	sadd.s32 $0x104E00, s9;
	s10 =	simm.s32 $0x1;
	s9 =	sadd.s32 s8, s31;
	v8 =	vshll.u32 v8, $0x8;
	v6 =	vadd.s32 v4, v6;
	v4 =	vld [tilespmem:$0x40];
	[tilespmem:$0x130] =	vst v5  }
0x1d: {  	s8 =	simm.s32 $0x180;
	s11 =	simm.s32 $0x100;
	s12 =	sadd.s32 $0xFFFFFFFF, s12;
	v7 =	vadd.s32 v7, v8;
	[tilespmem:$0x120] =	vst v6;
	v5 =	vshll.u32 v9, $0x8;
	v6 =	vld [tilespmem:$0x10]  }
.LBB2_1:
0x1e: {  	p0 =	sne.s32 s12, $0x1;
	s12 =	sadd.s32 $0xFFFFFFFF, s12;
	v8 =	vld [tilespmem:$0x50]  }
0x1f: {  	v2 =	vshll.u32 v2, $0x8  }
0x20: {  	v0 =	vadd.s32 v0, v2;
	v2 =	vshll.u32 v3, $0x8;
	[tilespmem:$0x170] =	vst v7  }
0x21: {  	[tilespmem:$0x100] =	vst v0;
	v0 =	vadd.s32 v4, v2  }
0x22: {  	v2 =	vadd.s32 v6, v5;
	[tilespmem:$0x140] =	vst v0;
	v0 =	vshll.u32 v1, $0x8  }
0x23: {  	[tilespmem:$0x110] =	vst v2;
	v0 =	vadd.s32 v8, v0  }
0x24: {  	[tilespmem:$0x150] =	vst v0  }
0x25: {  	[tilespmem:s8], [sflag:$0x2] =	stream.linear.gather [hbm4b:s9+s2], $0x4000, $0x38;
	[tilespmem:$0x4180] =	vst v63  }
0x26: {  	_ =	swait.ge [sflag:s3], $0x4000  }
0x27: {  	[sflag:s3] =	ssyncset.done $0x0  }
0x28: {  	[sflag:s3] =	ssyncadd.s32 $0xFFFFC000  }
0x29: {  	[hbm4b:s7+s4] =	stream.indirect.scatter [tilespmem:s8], [sflag:$0x1], $0x80, s11, s4, $0xb8;
	[tilespmem:$0x4180] =	vst v63  }
0x2a: {  	_ =	swait.ge [sflag:s10], $0x4000  }
0x2b: {  	[sflag:s10] =	ssyncset.done $0x0  }
0x2c: {  	[sflag:s10] =	ssyncadd.s32 $0xFFFFC000  }
0x2d: {  	[tilespmem:s2], [sflag:$0x2] =	stream.linear.gather [hbm4b:s5+s2], $0x80, $0x38;
	[tilespmem:$0x4180] =	vst v63  }
0x2e: {  	_ =	swait.ge [sflag:s3], $0x80  }
0x2f: {  	[sflag:s3] =	ssyncset.done $0x0  }
0x30: {  	[sflag:s3] =	ssyncadd.s32 $0xFFFFFF80  }
0x31: {  	[tilespmem:s4], [sflag:$0x2] =	stream.linear.gather [hbm4b:s6+s2], $0x80, $0x38;
	[tilespmem:$0x4180] =	vst v63  }
0x32: {  	_ =	swait.ge [sflag:s3], $0x80  }
0x33: {  	[sflag:s3] =	ssyncset.done $0x0  }
0x34: {  	[sflag:s3] =	ssyncadd.s32 $0xFFFFFF80  }
0x35: {  	v0 =	vld [tilespmem:$0x0]  }
0x36: {  	v2 =	vld [tilespmem:$0x60]  }
0x37: {  	v3 =	vld [tilespmem:$0x30]  }
0x38: {  	v4 =	vld [tilespmem:$0x20]  }
0x39: {  	v1 =	vld [tilespmem:$0xE0]  }
0x3a: {  	v5 =	vld [tilespmem:$0xB0]  }
0x3b: {  	v6 =	vld [tilespmem:$0xA0]  }
0x3c: {  	v7 =	vld [tilespmem:$0x70]  }
0x3d: {  	v8 =	vld [tilespmem:$0xF0]  }
0x3e: {  	v9 =	vld [tilespmem:$0x90];
	v10 =	vshll.u32 v1, $0x8  }
.Ltmp1:
0x3f: {  	v5 =	vshll.u32 v5, $0x8;
	v1 =	vld [tilespmem:$0xD0];
	v10 =	vadd.s32 v2, v10;
	(pc) =	sbr.rel @p0 .LBB2_1-.Ltmp1, $4  }
0x40: {  	v2 =	vld [tilespmem:$0x80];
	v6 =	vshll.u32 v6, $0x8;
	v3 =	vadd.s32 v3, v5;
	[tilespmem:$0x160] =	vst v10  }
0x41: {  	v4 =	vadd.s32 v4, v6;
	[tilespmem:$0x130] =	vst v3;
	v3 =	vld [tilespmem:$0xC0]  }
0x42: {  	[tilespmem:$0x120] =	vst v4;
	v4 =	vld [tilespmem:$0x40];
	v8 =	vshll.u32 v8, $0x8  }
0x43: {  	v5 =	vshll.u32 v9, $0x8;
	v6 =	vld [tilespmem:$0x10];
	v7 =	vadd.s32 v7, v8  }
.LBB2_2:
0x44: {  	v8 =	vld [tilespmem:$0x50]  }
0x45: {  	v2 =	vshll.u32 v2, $0x8  }
0x46: {  	[tilespmem:$0x170] =	vst v7;
	v0 =	vadd.s32 v0, v2;
	v60 =	vshll.u32 v3, $0x8  }
0x47: {  	[tilespmem:$0x100] =	vst v0;
	v61 =	vadd.s32 v4, v60  }
0x48: {  	v63 =	vshll.u32 v1, $0x8;
	v62 =	vadd.s32 v6, v5;
	[tilespmem:$0x140] =	vst v61  }
0x49: {  	[tilespmem:$0x110] =	vst v62;
	v0 =	vadd.s32 v8, v63  }
0x4a: {  	[tilespmem:$0x150] =	vst v0  }
0x4b: {  	[tilespmem:s8], [sflag:$0x2] =	stream.linear.gather [hbm4b:s9+s2], $0x4000, $0x38;
	[tilespmem:$0x4180] =	vst v63  }
0x4c: {  	_ =	swait.ge [sflag:s3], $0x4000  }
0x4d: {  	[sflag:s3] =	ssyncset.done $0x0  }
0x4e: {  	[sflag:s3] =	ssyncadd.s32 $0xFFFFC000  }
0x4f: {  	[hbm4b:s7+s4] =	stream.indirect.scatter [tilespmem:s8], [sflag:$0x1], $0x80, s11, s4, $0xb8;
	[tilespmem:$0x4180] =	vst v63  }
0x50: {  	_ =	swait.ge [sflag:s10], $0x4000  }
0x51: {  	[sflag:s10] =	ssyncset.done $0x0  }
0x52: {  	[sflag:s10] =	ssyncadd.s32 $0xFFFFC000  }
0x53: {  	_ =	sfence.sel $0x180000  }
0x54: {  	[bflag:$0x0] =	sbarrier.arrive $0xFFFF  }
0x55: {  	p0 =	sne.s32 s0, $0x0;
	_ =	strace $0x9000004D  }
0x56: {  	s0 =	sadd.s32 @!p0 $0x100000, s1;
	[bflag:$0x2] =	sbarrier.arrive $0xFFFF  }
0x57: {  	[sflag:s0] =	ssyncadd.tile.s32 @!p0 $0x1;
	_ =	shalt  }
.Lfunc_end2:
_tile_overlayer_lowered:
.L_overlay_start_2:
0x58: {  	(tag) =	ssettag $0x2  }
0x59: {  	s0 =	rddreg [dreg:$0x0];
	s2 =	stileid.u32  }
0x5a: {  	s1 =	rddreg [dreg:$0x1];
	p0 =	sne.s32 s2, $0x0  }
0x5b: {  	s3 =	rddreg [dreg:$0x2];
	[bflag:$0x3] =	sbarrier.arrive $0xFFFF;
	s2 =	simm.s32 @!p0 $0x1C02  }
0x5c: {  	[timem:s3], [sflag:s2] =	dma.local @!p0 [hbm:s0], s1  }
0x5d: {  	s0 =	simm.s32 @!p0 $0x2  }
0x5e: {  	_ =	swait.ge @!p0 [sflag:s0], s1  }
0x5f: {  	s1 =	ssub.s32 @!p0 $0x0, s1;
	[sflag:s0] =	ssyncset.done @!p0 $0x0  }
0x60: {  	[sflag:s0] =	ssyncadd.s32 @!p0 s1  }
0x61: {  	[bflag:$0x3] =	sbarrier.arrive $0xFFFF  }
0x62: {  	_ =	shalt  }

// kernel: kernel.17.cloned.1.call-start
scs
__scs_entry_jumppad:
0x0: {  	(pc) =	sbr.rel $0x88, $3  }
0x1: {  	(tag) =	ssettag $0x0;
	lr =	simm.s32 $0x1  }
0x2: {  	[smem:$0x3F97] =	sst lr;
	_ =	strace $0xD0000000  }
0x3: {  	_ = 	snop  }
0x4: {  	_ = 	snop  }
0x5: {  	_ = 	snop  }
0x6: {  	_ = 	snop  }
0x7: {  	_ = 	snop  }
__scs_overlays_trampoline_lowered:
0x8: {  	[smem:$0x3FA6] =	sst s0  }
0x9: {  	[smem:$0x3FA7] =	sst s1  }
0xa: {  	[smem:$0x3FA8] =	sst s2  }
0xb: {  	[smem:$0x3FA9] =	sst s3  }
0xc: {  	[smem:$0x3FAA] =	sst s4  }
0xd: {  	[smem:$0x3FAB] =	sst s5  }
0xe: {  	[smem:$0x3FAC] =	sst s6  }
0xf: {  	[smem:$0x3FAD] =	sst s7  }
0x10: {  	[smem:$0x3FAE] =	sst s8  }
0x11: {  	[smem:$0x3FAF] =	sst s9;
	s0 =	simm.s32 @!p0 $0x0  }
0x12: {  	s1 =	sld [smem:$0x3F95];
	s0 =	simm.s32 @p0 $0x1  }
0x13: {  	[smem:$0x3FB0] =	sst s0;
	s0 =	simm.s32 @!p1 $0x0  }
0x14: {  	s2 =	sld [smem:$0x3F94];
	s0 =	simm.s32 @p1 $0x1  }
0x15: {  	[smem:$0x3FB1] =	sst s0;
	s0 =	simm.s32 @!p2 $0x0  }
0x16: {  	s3 =	sld [smem:$0x3FDB];
	s0 =	simm.s32 @p2 $0x1  }
0x17: {  	s4 =	simm.s32 $0x1BF5;
	[smem:$0x3FB3] =	sst s0  }
0x18: {  	s0 =	sld [smem:$0x3F96];
	_ =	swait.ge [sflag:s4], $0x0  }
0x19: {  	s7 =	sld [smem:$0x3F97]  }
0x1a: {  	s8 =	sadd.s32 $0xFFFFE003, lr  }
0x1b: {  	s9 =	sadd.s32 $0xFFFFFEF7, lr;
	s5 =	simm.s32 $0xFFFFFFFF;
	p2 =	slt.u32 s8, $0xFFFFF086  }
0x1c: {  	p1 =	slt.u32 s9, $0xF7A;
	s5 =	simm.s32 @!p2 $0x0  }
0x1d: {  	s5 =	simm.s32 @p1 $0x1;
	p0 =	seq.s32 s7, s2  }
0x1e: {  	s7 =	smul.u32 @!p0 $0xF7A, s2;
	p2 =	seq.s32 @!p0 s5, $0x0  }
0x1f: {  	s9 =	smul.u32 $0xF7A, s1;
	s8 =	simm.s32 @!p0 $0x1BF5;
	p2 =	por !p2, p0  }
0x20: {  	[sflag:s8] =	ssyncset.s32 @!p0 $0xFFFFF086;
	s6 =	sadd.s32 @!p0 s3, s7;
	s7 =	simm.s32 @!p0 $0x108  }
0x21: {  	s3 =	sadd.s32 s3, s9;
	s6 =	sadd.s32 @!p0 $0x88, s6;
	s7 =	simm.s32 @p2 $0x1082  }
0x22: {  	[simem:s7], [sflag:s8] =	dma.local @!p0 [hbm:s6], $0xF7A  }
0x23: {  	s9 =	sor.u32 $0xD0000000, s2;
	s6 =	simm.s32 $0x108;
	_ =	swait.ge @!p0 [sflag:s8], $0x0  }
0x24: {  	s3 =	sadd.s32 $0x88, s3;
	s6 =	simm.s32 @!p1 $0x1082;
	[sflag:s4] =	ssyncset.s32 $0xFFFFF086  }
0x25: {  	[simem:s6], [sflag:s4] =	dma.local [hbm:s3], $0xF7A  }
0x26: {  	[smem:$0x3F97] =	sst s1;
	(tag) =	ssettag s2;
	_ =	strace s9  }
0x27: {  	s1 =	sld [smem:$0x3FA7]  }
0x28: {  	s2 =	sld [smem:$0x3FA8]  }
0x29: {  	s4 =	sld [smem:$0x3FAA]  }
0x2a: {  	p0 =	seq.s32 s5, $0x0;
	s5 =	sld [smem:$0x3FAB]  }
0x2b: {  	s6 =	sld [smem:$0x3FAC]  }
0x2c: {  	s7 =	sld [smem:$0x3FAD]  }
0x2d: {  	s3 =	simm.s32 $0x108;
	s8 =	sld [smem:$0x3FAE]  }
0x2e: {  	s3 =	simm.s32 @!p0 $0x1082;
	s9 =	sld [smem:$0x3FAF]  }
0x2f: {  	lr =	sadd.s32 s0, s3;
	s0 =	sld [smem:$0x3FA6]  }
0x30: {  	s3 =	sld [smem:$0x3FA9]  }
0x31: {  	[smem:$0x3FB2] =	sst s10  }
0x32: {  	s10 =	sld [smem:$0x3FB0];
	_ =	sdelay $0x3  }
0x33: {  	p0 =	seq.s32 s10, $0x1;
	s10 =	sld [smem:$0x3FB2];
	_ =	sdelay $0x3  }
0x34: {  	[smem:$0x3FB2] =	sst s10  }
0x35: {  	s10 =	sld [smem:$0x3FB1];
	_ =	sdelay $0x3  }
0x36: {  	p1 =	seq.s32 s10, $0x1;
	s10 =	sld [smem:$0x3FB2];
	_ =	sdelay $0x3  }
0x37: {  	[smem:$0x3FB2] =	sst s10  }
0x38: {  	s10 =	sld [smem:$0x3FB3]  }
0x39: {  	_ = 	snop;
	(pc) =	sbr.ind lr, $3  }
0x3a: {  	_ = 	snop  }
0x3b: {  	_ = 	snop  }
0x3c: {  	p2 =	seq.s32 s10, $0x1;
	s10 =	sld [smem:$0x3FB2]  }
0x3d: {  	_ =	shalt  }
0x3e: {  	_ =	shalt  }
0x3f: {  	_ =	shalt  }
0x40: {  	_ =	shalt  }
0x41: {  	_ =	shalt  }
0x42: {  	_ =	shalt  }
0x43: {  	_ =	shalt  }
0x44: {  	_ =	shalt  }
0x45: {  	_ =	shalt  }
0x46: {  	_ =	shalt  }
0x47: {  	_ =	shalt  }
0x48: {  	_ =	shalt  }
0x49: {  	_ =	shalt  }
0x4a: {  	_ =	shalt  }
0x4b: {  	_ =	shalt  }
0x4c: {  	_ =	shalt  }
0x4d: {  	_ =	shalt  }
0x4e: {  	_ =	shalt  }
0x4f: {  	_ =	shalt  }
0x50: {  	_ =	shalt  }
0x51: {  	_ =	shalt  }
0x52: {  	_ =	shalt  }
0x53: {  	_ =	shalt  }
0x54: {  	_ =	shalt  }
0x55: {  	_ =	shalt  }
0x56: {  	_ =	shalt  }
0x57: {  	_ =	shalt  }
0x58: {  	_ =	shalt  }
0x59: {  	_ =	shalt  }
0x5a: {  	_ =	shalt  }
0x5b: {  	_ =	shalt  }
0x5c: {  	_ =	shalt  }
0x5d: {  	_ =	shalt  }
0x5e: {  	_ =	shalt  }
0x5f: {  	_ =	shalt  }
0x60: {  	_ =	shalt  }
0x61: {  	_ =	shalt  }
0x62: {  	_ =	shalt  }
0x63: {  	_ =	shalt  }
0x64: {  	_ =	shalt  }
0x65: {  	_ =	shalt  }
0x66: {  	_ =	shalt  }
0x67: {  	_ =	shalt  }
0x68: {  	_ =	shalt  }
0x69: {  	_ =	shalt  }
0x6a: {  	_ =	shalt  }
0x6b: {  	_ =	shalt  }
0x6c: {  	_ =	shalt  }
0x6d: {  	_ =	shalt  }
0x6e: {  	_ =	shalt  }
0x6f: {  	_ =	shalt  }
0x70: {  	_ =	shalt  }
0x71: {  	_ =	shalt  }
0x72: {  	_ =	shalt  }
0x73: {  	_ =	shalt  }
0x74: {  	_ =	shalt  }
0x75: {  	_ =	shalt  }
0x76: {  	_ =	shalt  }
0x77: {  	_ =	shalt  }
0x78: {  	_ =	shalt  }
0x79: {  	_ =	shalt  }
0x7a: {  	_ =	shalt  }
0x7b: {  	_ =	shalt  }
0x7c: {  	_ =	shalt  }
0x7d: {  	_ =	shalt  }
0x7e: {  	_ =	shalt  }
0x7f: {  	_ =	shalt  }
0x80: {  	_ =	shalt  }
0x81: {  	_ =	shalt  }
0x82: {  	_ =	shalt  }
0x83: {  	_ =	shalt  }
0x84: {  	_ =	shalt  }
0x85: {  	_ =	shalt  }
0x86: {  	_ =	shalt  }
0x87: {  	_ =	shalt  }
.Lfunc_end0:
.L_simem_size_0:
called_computation.3_lowered:
.L_overlay_start_0:
0x88: {  	s2 =	sld [smem:$0x3FD9]  }
0x89: {  	s3 =	sld [smem:$0x3FFE];
	_ =	sdelay $0x1  }
0x8a: {  	s1 =	srdreg.scid  }
0x8b: {  	s0 =	sand.u32 $0x1, s1  }
0x8c: {  	s17 =	sshll.u32 s0, $0xA;
	s2 =	sadd.s32 s3, s2  }
0x8d: {  	s2 =	sadd.s32 s2, s17  }
0x8e: {  	[smem:$0x3FBE] =	sst s2  }
0x8f: {  	_ = 	snop  }
0x90: {  	s2 =	sld [smem:$0x3FC8]  }
0x91: {  	s18 =	sld [smem:$0x3FD0];
	(tm) =	ssettm $0x1  }
0x92: {  	s4 =	sld [smem:$0x3FFB];
	_ =	sdelay $0x3  }
0x93: {  	_ =	strace s4  }
0x94: {  	s4 =	sld [smem:$0x3FFC];
	_ =	sdelay $0x3  }
0x95: {  	_ =	strace s4  }
0x96: {  	s4 =	sld [smem:$0x3FFD];
	_ =	sdelay $0x3  }
0x97: {  	_ =	strace s4  }
0x98: {  	_ =	strace $0x8FFFFFFF  }
0x99: {  	s19 =	sld [smem:$0x3FDB];
	_ =	sdelay $0x1  }
0x9a: {  	s5 =	simm.s32 $_scs_section_size  }
0x9b: {  	s6 =	simm.s32 $_size__tile_overlayer_lowered;
	s7 =	simm.s32 $_tile_overlayer_lowered  }
0x9c: {  	s22 =	simm.s32 $0x1BFF;
	s21 =	sshll.u32 s7, $0x1;
	s4 =	sadd.s32 s5, s19  }
0x9d: {  	s8 =	simm.s32 $0x0;
	s20 =	sshll.u32 s6, $0x1;
	s6 =	sadd.s32 s21, s4  }
0x9e: {  	[timem:s8], [sflag:s22] =	dma.local [hbm:s6], s20  }
0x9f: {  	_ =	swait.ge [sflag:s22], s20  }
0xa0: {  	s5 =	ssub.s32 $0x0, s20;
	[sflag:s22] =	ssyncset.done $0x0  }
0xa1: {  	[sflag:s22] =	ssyncadd.s32 s5;
	_ =	sdelay $0x1  }
0xa2: {  	s23 =	simm.s32 $0x1B8B  }
0xa3: {  	_ =	swait.ge [sflag:s23], $0x1  }
0xa4: {  	[sflag:s23] =	ssyncset.done $0x0  }
0xa5: {  	s25 =	simm.s32 $0x1B8E;
	s24 =	sld [smem:$0x3FFE];
	[sflag:s23] =	ssyncadd.s32 $0xFFFFFFFF  }
0xa6: {  	s26 =	simm.s32 $execute0_lowered;
	[smem:$0x3FD2] =	sst s25  }
0xa7: {  	s6 =	sshll.u32 s26, $0x1;
	_ =	strace $0x8000004F;
	[dreg:$0x1] =	wrdreg $0xFFFFFFFF  }
0xa8: {  	s28 =	simm.s32 $_size_execute0_lowered;
	s4 =	sadd.s32 s4, s6;
	[dreg:$0x0] =	wrdreg $0x0  }
0xa9: {  	s6 =	sshll.u32 s28, $0x1;
	[dreg:$0x2] =	wrdreg s4  }
0xaa: {  	[dreg:$0x3] =	wrdreg s6  }
0xab: {  	[dreg:$0x4] =	wrdreg $0xC0  }
0xac: {  	_ =	task [dreg:s8], $0x5FFFF  }
0xad: {  	[dreg:$0x1] =	wrdreg $0xFFFFFFFF  }
0xae: {  	[dreg:$0x0] =	wrdreg $0x60  }
0xaf: {  	[dreg:$0x2] =	wrdreg s24  }
0xb0: {  	[dreg:$0x3] =	wrdreg s2  }
0xb1: {  	[dreg:$0x4] =	wrdreg s18  }
0xb2: {  	[dreg:$0x5] =	wrdreg $0x9  }
0xb3: {  	_ =	task.clear_ibuf [dreg:s8], $0x6FFFF;
	_ =	strace $0x9000004F  }
0xb4: {  	s29 =	simm.s32 $0x9;
	_ =	strace $0x80000051  }
0xb5: {  	_ =	swait.ge [sflag:s29], $0x1  }
0xb6: {  	[sflag:s29] =	ssyncadd.s32 $0xFFFFFFFF  }
0xb7: {  	_ =	strace $0x90000051  }
0xb8: {  	_ =	sfence  }
0xb9: {  	s30 =	sld [smem:$0x0];
	_ =	sdelay $0x2  }
0xba: {  	s31 =	sshll.u32 s1, $0xD;
	s1 =	sshrl.u32 s1, $0x2  }
0xbb: {  	s3 =	sand.u32 $0x4000, s31;
	s1 =	sadd.s32 s1, s30  }
0xbc: {  	s0 =	sor.u32 s3, s0;
	s1 =	sshll.u32 s1, $0x11  }
0xbd: {  	s0 =	sor.u32 s1, s0  }
0xbe: {  	s0 =	sadd.s32 $0x8F2B, s0  }
0xbf: {  	[sflag:s0] =	ssyncadd.remote.s32 $0x1  }
0xc0: {  	_ =	sfence.sel $0xFFFF  }
0xc1: {  	[dreg:$0x0] =	wrdreg $0xFFFFFFFF;
	(pc) =	sbr.abs _section_cstart, $3  }
0xc2: {  	[dreg:$0x1] =	wrdreg $0xFFFFFFFF  }
0xc3: {  	_ =	task.clear_ibuf [dreg:s8], $0x2FFFF;
	_ =	strace $0x9FFFFFFF  }
0xc4: {  	(tm) =	ssettm $0x7FFFFFFF  }
0xc5: {  	_ =	shalt  }
tec
execute0_lowered:
.L_overlay_start_1:
0x0: {  	(tag) =	ssettag $0x1  }
0x1: {  	s4 =	rddreg [dreg:$0x0];
	s1 =	srdreg.scid  }
0x2: {  	s3 =	rddreg [dreg:$0x1];
	s0 =	stileid.u32;
	s5 =	sand.u32 $0x1, s1  }
0x3: {  	s6 =	rddreg [dreg:$0x2];
	s7 =	sshll.u32 s0, $0x8;
	s8 =	sshll.u32 s5, $0x7  }
0x4: {  	s2 =	simm.s32 $0x0;
	s1 =	rddreg [dreg:$0x3];
	s7 =	sor.u32 s8, s7  }
0x5: {  	[smem:$0x7FF] =	sst s2;
	s8 =	sshrl.u32 s7, $0x2  }
0x6: {  	_ =	strace $0x80000050;
	s18 =	sadd.s32 s3, s8;
	s3 =	simm.s32 $0x2  }
0x7: {  	[tilespmem:s2], [sflag:$0x2] =	stream.linear.gather [hbm4b:s18+s2], $0x80, $0x38;
	[tilespmem:$0x10200] =	vst v63  }
0x8: {  	s5 =	ssub.s32 $0x2, s5;
	_ =	swait.ge [sflag:s3], $0x80  }
0x9: {  	s9 =	sshrl.u32 s5, $0x1;
	[sflag:s3] =	ssyncset.done $0x0  }
0xa: {  	s8 =	simm.s32 $0x80;
	s19 =	sadd.s32 $0x10, s18;
	[sflag:s3] =	ssyncadd.s32 $0xFFFFFF80  }
0xb: {  	[tilespmem:s8], [sflag:$0x2] =	stream.linear.gather [hbm4b:s19+s2], $0x80, $0x38;
	[tilespmem:$0x10200] =	vst v63  }
0xc: {  	s9 =	ssub.s32 s5, s9;
	_ =	swait.ge [sflag:s3], $0x80  }
0xd: {  	s16 =	simm.s32 $0x100;
	s20 =	smax.u32 s9, $0x1;
	[sflag:s3] =	ssyncset.done $0x0  }
0xe: {  	s14 =	simm.s32 $0x200;
	p0 =	sne.s32 s20, $0x1;
	[sflag:s3] =	ssyncadd.s32 $0xFFFFFF80  }
.Ltmp0:
0xf: {  	s17 =	simm.s32 $0x180;
	s13 =	simm.s32 $0x4200;
	v0 =	vld [tilespmem:$0x50];
	(pc) =	sbr.rel @!p0 .LBB2_2-.Ltmp0, $4  }
0x10: {  	s11 =	simm.s32 $0x8200;
	s15 =	simm.s32 $0x1;
	s7 =	sshll.u32 s7, $0x4;
	v1 =	vld [tilespmem:$0xD0]  }
0x11: {  	s12 =	sadd.s32 $0x4E00, s4;
	s10 =	sadd.s32 $0x104E00, s4;
	s4 =	sadd.s32 s7, s4;
	v2 =	vld [tilespmem:$0x60]  }
0x12: {  	s7 =	sadd.s32 s6, s7;
	s9 =	simm.s32 $0xC200;
	s6 =	sadd.s32 $0x105E00, s4;
	v3 =	vld [tilespmem:$0xB0]  }
0x13: {  	s5 =	sadd.s32 $0x115E00, s4;
	s4 =	sadd.s32 $0x125E00, s4;
	s20 =	sadd.s32 $0xFFFFFFFF, s20;
	v4 =	vld [tilespmem:$0x30]  }
.LBB2_1:
0x14: {  	p0 =	sne.s32 s20, $0x1;
	s20 =	sadd.s32 $0xFFFFFFFF, s20;
	v5 =	vshll.u32 v0, $0x8;
	v6 =	vld [tilespmem:$0xE0]  }
0x15: {  	v7 =	vld [tilespmem:$0x0];
	v5 =	vadd.s32 v1, v5  }
0x16: {  	v8 =	vld [tilespmem:$0xF0]  }
0x17: {  	v9 =	vshll.u32 v3, $0x8;
	v10 =	vld [tilespmem:$0x70]  }
0x18: {  	v12 =	vshll.u32 v2, $0x8;
	v11 =	vld [tilespmem:$0x80];
	v9 =	vadd.s32 v4, v9;
	v4 =	vshll.u32 v4, $0x8  }
0x19: {  	v3 =	vadd.s32 v3, v4;
	v4 =	vld [tilespmem:$0x40];
	[tilespmem:$0x1D0] =	vst v5;
	v5 =	vshll.u32 v6, $0x8;
	v6 =	vadd.s32 v6, v12  }
0x1a: {  	[tilespmem:$0x130] =	vst v9;
	v9 =	vld [tilespmem:$0xC0];
	v2 =	vadd.s32 v2, v5  }
0x1b: {  	v5 =	vld [tilespmem:$0x10];
	[tilespmem:$0x1B0] =	vst v3;
	v3 =	vshll.u32 v8, $0x8  }
0x1c: {  	v12 =	vshll.u32 v7, $0x8;
	v13 =	vld [tilespmem:$0xA0];
	[tilespmem:$0x1E0] =	vst v6;
	v3 =	vadd.s32 v10, v3;
	v6 =	vshll.u32 v10, $0x8  }
0x1d: {  	v10 =	vadd.s32 v11, v12;
	v12 =	vld [tilespmem:$0x90];
	[tilespmem:$0x170] =	vst v3;
	v3 =	vadd.s32 v8, v6  }
0x1e: {  	v6 =	vld [tilespmem:$0x20];
	v8 =	vshll.u32 v4, $0x8;
	[tilespmem:$0x1F0] =	vst v3  }
0x1f: {  	v3 =	vshll.u32 v11, $0x8;
	v11 =	vshll.u32 v9, $0x8;
	v8 =	vadd.s32 v9, v8;
	[tilespmem:$0x160] =	vst v2  }
0x20: {  	v2 =	vadd.s32 v7, v3;
	[tilespmem:$0x180] =	vst v10;
	v3 =	vadd.s32 v4, v11  }
0x21: {  	[tilespmem:$0x100] =	vst v2;
	v2 =	vshll.u32 v5, $0x8  }
0x22: {  	v4 =	vshll.u32 v12, $0x8;
	v2 =	vadd.s32 v12, v2;
	[tilespmem:$0x1C0] =	vst v8  }
0x23: {  	v4 =	vadd.s32 v5, v4;
	v5 =	vshll.u32 v13, $0x8;
	v7 =	vshll.u32 v6, $0x8;
	[tilespmem:$0x140] =	vst v3  }
0x24: {  	[tilespmem:$0x110] =	vst v4;
	v3 =	vadd.s32 v6, v5;
	v4 =	vadd.s32 v13, v7  }
0x25: {  	v1 =	vshll.u32 v1, $0x8;
	[tilespmem:$0x120] =	vst v3  }
0x26: {  	v0 =	vadd.s32 v0, v1;
	[tilespmem:$0x190] =	vst v2  }
0x27: {  	[tilespmem:$0x150] =	vst v0  }
0x28: {  	[tilespmem:$0x1A0] =	vst v4  }
0x29: {  	[tilespmem:s14], [sflag:$0x1] =	stream.indirect.gather [hbm4b:s12+s8], $0x80, s16, s8, $0xb8;
	[tilespmem:$0x10200] =	vst v63  }
0x2a: {  	_ = 	snop  }
0x2b: {  	[tilespmem:s13], [sflag:$0x1] =	stream.indirect.gather [hbm4b:s12+s8], $0x80, s17, s8, $0xb8;
	[tilespmem:$0x10200] =	vst v63  }
0x2c: {  	_ = 	snop  }
0x2d: {  	[tilespmem:s11], [sflag:$0x1] =	stream.indirect.gather [hbm4b:s10+s8], $0x80, s2, s8, $0xb8;
	[tilespmem:$0x10200] =	vst v63  }
0x2e: {  	_ = 	snop  }
0x2f: {  	[tilespmem:s9], [sflag:$0x1] =	stream.indirect.gather [hbm4b:s10+s8], $0x80, s8, s8, $0xb8;
	[tilespmem:$0x10200] =	vst v63  }
0x30: {  	_ =	swait.ge [sflag:s15], $0x4000  }
0x31: {  	[sflag:s15] =	ssyncset.done $0x0  }
0x32: {  	[sflag:s15] =	ssyncadd.s32 $0xFFFFC000  }
0x33: {  	_ =	swait.ge [sflag:s15], $0x4000  }
0x34: {  	[sflag:s15] =	ssyncset.done $0x0  }
0x35: {  	[sflag:s15] =	ssyncadd.s32 $0xFFFFC000  }
0x36: {  	_ =	swait.ge [sflag:s15], $0x4000  }
0x37: {  	[sflag:s15] =	ssyncset.done $0x0  }
0x38: {  	[sflag:s15] =	ssyncadd.s32 $0xFFFFC000  }
0x39: {  	_ =	swait.ge [sflag:s15], $0x4000  }
0x3a: {  	[sflag:s15] =	ssyncset.done $0x0  }
0x3b: {  	[sflag:s15] =	ssyncadd.s32 $0xFFFFC000  }
0x3c: {  	[hbm4b:s7+s2] =	stream.linear.scatter [tilespmem:s14], [sflag:$0x2], $0x4000, $0x38;
	[tilespmem:$0x10200] =	vst v63  }
0x3d: {  	_ =	swait.ge [sflag:s3], $0x4000  }
0x3e: {  	[sflag:s3] =	ssyncset.done $0x0  }
0x3f: {  	[sflag:s3] =	ssyncadd.s32 $0xFFFFC000  }
0x40: {  	[hbm4b:s6+s2] =	stream.linear.scatter [tilespmem:s13], [sflag:$0x2], $0x4000, $0x38;
	[tilespmem:$0x10200] =	vst v63  }
0x41: {  	_ =	swait.ge [sflag:s3], $0x4000  }
0x42: {  	[sflag:s3] =	ssyncset.done $0x0  }
0x43: {  	[sflag:s3] =	ssyncadd.s32 $0xFFFFC000  }
0x44: {  	[hbm4b:s5+s2] =	stream.linear.scatter [tilespmem:s11], [sflag:$0x2], $0x4000, $0x38;
	[tilespmem:$0x10200] =	vst v63  }
0x45: {  	_ =	swait.ge [sflag:s3], $0x4000  }
0x46: {  	[sflag:s3] =	ssyncset.done $0x0  }
0x47: {  	[sflag:s3] =	ssyncadd.s32 $0xFFFFC000  }
0x48: {  	[hbm4b:s4+s2] =	stream.linear.scatter [tilespmem:s9], [sflag:$0x2], $0x4000, $0x38;
	[tilespmem:$0x10200] =	vst v63  }
0x49: {  	_ =	swait.ge [sflag:s3], $0x4000  }
0x4a: {  	[sflag:s3] =	ssyncset.done $0x0  }
0x4b: {  	[sflag:s3] =	ssyncadd.s32 $0xFFFFC000  }
0x4c: {  	[tilespmem:s2], [sflag:$0x2] =	stream.linear.gather [hbm4b:s18+s2], $0x80, $0x38;
	[tilespmem:$0x10200] =	vst v63  }
0x4d: {  	_ =	swait.ge [sflag:s3], $0x80  }
0x4e: {  	[sflag:s3] =	ssyncset.done $0x0  }
0x4f: {  	[sflag:s3] =	ssyncadd.s32 $0xFFFFFF80  }
0x50: {  	[tilespmem:s8], [sflag:$0x2] =	stream.linear.gather [hbm4b:s19+s2], $0x80, $0x38;
	[tilespmem:$0x10200] =	vst v63  }
0x51: {  	_ =	swait.ge [sflag:s3], $0x80  }
0x52: {  	[sflag:s3] =	ssyncset.done $0x0  }
0x53: {  	[sflag:s3] =	ssyncadd.s32 $0xFFFFFF80  }
.Ltmp1:
0x54: {  	v0 =	vld [tilespmem:$0x50];
	(pc) =	sbr.rel @p0 .LBB2_1-.Ltmp1, $4  }
0x55: {  	v1 =	vld [tilespmem:$0xD0]  }
0x56: {  	v2 =	vld [tilespmem:$0x60]  }
0x57: {  	v3 =	vld [tilespmem:$0xB0]  }
0x58: {  	v4 =	vld [tilespmem:$0x30]  }
.LBB2_2:
0x59: {  	v5 =	vld [tilespmem:$0xE0]  }
0x5a: {  	v6 =	vld [tilespmem:$0xF0]  }
0x5b: {  	v7 =	vshll.u32 v0, $0x8;
	v8 =	vld [tilespmem:$0x70]  }
0x5c: {  	v9 =	vld [tilespmem:$0x0];
	v7 =	vadd.s32 v1, v7;
	v60 =	vshll.u32 v1, $0x8  }
0x5d: {  	v11 =	vld [tilespmem:$0x80];
	[tilespmem:$0x1D0] =	vst v7;
	v62 =	vadd.s32 v0, v60;
	v10 =	vshll.u32 v3, $0x8  }
0x5e: {  	v41 =	vld [tilespmem:$0x40];
	[tilespmem:$0x150] =	vst v62;
	v10 =	vadd.s32 v4, v10;
	v38 =	vshll.u32 v4, $0x8  }
0x5f: {  	v42 =	vld [tilespmem:$0xC0];
	v39 =	vshll.u32 v2, $0x8;
	v40 =	vadd.s32 v3, v38;
	[tilespmem:$0x130] =	vst v10  }
0x60: {  	v12 =	vld [tilespmem:$0x10];
	v7 =	vadd.s32 v5, v39;
	v43 =	vshll.u32 v6, $0x8;
	[tilespmem:$0x1B0] =	vst v40  }
0x61: {  	v45 =	vld [tilespmem:$0x90];
	v44 =	vshll.u32 v8, $0x8;
	[tilespmem:$0x1E0] =	vst v7;
	v3 =	vadd.s32 v8, v43  }
0x62: {  	v49 =	vld [tilespmem:$0xA0];
	v5 =	vshll.u32 v5, $0x8;
	v46 =	vadd.s32 v6, v44;
	[tilespmem:$0x170] =	vst v3  }
0x63: {  	v51 =	vld [tilespmem:$0x20];
	v48 =	vshll.u32 v9, $0x8;
	v47 =	vadd.s32 v2, v5;
	[tilespmem:$0x1F0] =	vst v46  }
0x64: {  	v52 =	vshll.u32 v11, $0x8;
	v50 =	vadd.s32 v11, v48;
	[tilespmem:$0x160] =	vst v47  }
0x65: {  	v53 =	vshll.u32 v41, $0x8;
	v7 =	vadd.s32 v9, v52;
	[tilespmem:$0x180] =	vst v50  }
0x66: {  	v55 =	vshll.u32 v45, $0x8;
	v2 =	vadd.s32 v42, v53;
	[tilespmem:$0x100] =	vst v7  }
0x67: {  	v57 =	vshll.u32 v49, $0x8;
	v56 =	vadd.s32 v12, v55;
	[tilespmem:$0x1C0] =	vst v2  }
0x68: {  	v61 =	vshll.u32 v51, $0x8;
	v59 =	vadd.s32 v51, v57;
	[tilespmem:$0x110] =	vst v56  }
0x69: {  	v54 =	vshll.u32 v42, $0x8;
	v63 =	vadd.s32 v49, v61;
	[tilespmem:$0x120] =	vst v59  }
0x6a: {  	v58 =	vshll.u32 v12, $0x8;
	v3 =	vadd.s32 v41, v54;
	[tilespmem:$0x1A0] =	vst v63  }
0x6b: {  	[tilespmem:$0x140] =	vst v3;
	v3 =	vadd.s32 v45, v58  }
0x6c: {  	[tilespmem:$0x190] =	vst v3  }
0x6d: {  	[tilespmem:s14], [sflag:$0x1] =	stream.indirect.gather [hbm4b:s12+s8], $0x80, s16, s8, $0xb8;
	[tilespmem:$0x10200] =	vst v63  }
0x6e: {  	_ = 	snop  }
0x6f: {  	[tilespmem:s13], [sflag:$0x1] =	stream.indirect.gather [hbm4b:s12+s8], $0x80, s17, s8, $0xb8;
	[tilespmem:$0x10200] =	vst v63  }
0x70: {  	_ = 	snop  }
0x71: {  	[tilespmem:s11], [sflag:$0x1] =	stream.indirect.gather [hbm4b:s10+s8], $0x80, s2, s8, $0xb8;
	[tilespmem:$0x10200] =	vst v63  }
0x72: {  	_ = 	snop  }
0x73: {  	[tilespmem:s9], [sflag:$0x1] =	stream.indirect.gather [hbm4b:s10+s8], $0x80, s8, s8, $0xb8;
	[tilespmem:$0x10200] =	vst v63  }
0x74: {  	_ =	swait.ge [sflag:s15], $0x4000  }
0x75: {  	[sflag:s15] =	ssyncset.done $0x0  }
0x76: {  	[sflag:s15] =	ssyncadd.s32 $0xFFFFC000  }
0x77: {  	_ =	swait.ge [sflag:s15], $0x4000  }
0x78: {  	[sflag:s15] =	ssyncset.done $0x0  }
0x79: {  	[sflag:s15] =	ssyncadd.s32 $0xFFFFC000  }
0x7a: {  	_ =	swait.ge [sflag:s15], $0x4000  }
0x7b: {  	[sflag:s15] =	ssyncset.done $0x0  }
0x7c: {  	[sflag:s15] =	ssyncadd.s32 $0xFFFFC000  }
0x7d: {  	_ =	swait.ge [sflag:s15], $0x4000  }
0x7e: {  	[sflag:s15] =	ssyncset.done $0x0  }
0x7f: {  	[sflag:s15] =	ssyncadd.s32 $0xFFFFC000  }
0x80: {  	[hbm4b:s7+s2] =	stream.linear.scatter [tilespmem:s14], [sflag:$0x2], $0x4000, $0x38;
	[tilespmem:$0x10200] =	vst v63  }
0x81: {  	_ =	swait.ge [sflag:s3], $0x4000  }
0x82: {  	[sflag:s3] =	ssyncset.done $0x0  }
0x83: {  	[sflag:s3] =	ssyncadd.s32 $0xFFFFC000  }
0x84: {  	[hbm4b:s6+s2] =	stream.linear.scatter [tilespmem:s13], [sflag:$0x2], $0x4000, $0x38;
	[tilespmem:$0x10200] =	vst v63  }
0x85: {  	_ =	swait.ge [sflag:s3], $0x4000  }
0x86: {  	[sflag:s3] =	ssyncset.done $0x0  }
0x87: {  	[sflag:s3] =	ssyncadd.s32 $0xFFFFC000  }
0x88: {  	[hbm4b:s5+s2] =	stream.linear.scatter [tilespmem:s11], [sflag:$0x2], $0x4000, $0x38;
	[tilespmem:$0x10200] =	vst v63  }
0x89: {  	_ =	swait.ge [sflag:s3], $0x4000  }
0x8a: {  	[sflag:s3] =	ssyncset.done $0x0  }
0x8b: {  	[sflag:s3] =	ssyncadd.s32 $0xFFFFC000  }
0x8c: {  	[hbm4b:s4+s2] =	stream.linear.scatter [tilespmem:s9], [sflag:$0x2], $0x4000, $0x38;
	[tilespmem:$0x10200] =	vst v63  }
0x8d: {  	_ =	swait.ge [sflag:s3], $0x4000  }
0x8e: {  	[sflag:s3] =	ssyncset.done $0x0  }
0x8f: {  	[sflag:s3] =	ssyncadd.s32 $0xFFFFC000  }
0x90: {  	_ =	sfence.sel $0x180000  }
0x91: {  	[bflag:$0x0] =	sbarrier.arrive $0xFFFF  }
0x92: {  	p0 =	sne.s32 s0, $0x0;
	_ =	strace $0x90000050  }
0x93: {  	s0 =	sadd.s32 @!p0 $0x100000, s1;
	[bflag:$0x2] =	sbarrier.arrive $0xFFFF  }
0x94: {  	[sflag:s0] =	ssyncadd.tile.s32 @!p0 $0x1;
	_ =	shalt  }
.Lfunc_end2:
_tile_overlayer_lowered:
.L_overlay_start_2:
0x95: {  	(tag) =	ssettag $0x2  }
0x96: {  	s0 =	rddreg [dreg:$0x0];
	s2 =	stileid.u32  }
0x97: {  	s1 =	rddreg [dreg:$0x1];
	p0 =	sne.s32 s2, $0x0  }
0x98: {  	s3 =	rddreg [dreg:$0x2];
	[bflag:$0x3] =	sbarrier.arrive $0xFFFF;
	s2 =	simm.s32 @!p0 $0x1C02  }
0x99: {  	[timem:s3], [sflag:s2] =	dma.local @!p0 [hbm:s0], s1  }
0x9a: {  	s0 =	simm.s32 @!p0 $0x2  }
0x9b: {  	_ =	swait.ge @!p0 [sflag:s0], s1  }
0x9c: {  	s1 =	ssub.s32 @!p0 $0x0, s1;
	[sflag:s0] =	ssyncset.done @!p0 $0x0  }
0x9d: {  	[sflag:s0] =	ssyncadd.s32 @!p0 s1  }
0x9e: {  	[bflag:$0x3] =	sbarrier.arrive $0xFFFF  }
0x9f: {  	_ =	shalt  }

// kernel: kernel.20.cloned.1.call-start
scs
__scs_entry_jumppad:
0x0: {  	(pc) =	sbr.rel $0x88, $3  }
0x1: {  	(tag) =	ssettag $0x0;
	lr =	simm.s32 $0x1  }
0x2: {  	[smem:$0x3F97] =	sst lr;
	_ =	strace $0xD0000000  }
0x3: {  	_ = 	snop  }
0x4: {  	_ = 	snop  }
0x5: {  	_ = 	snop  }
0x6: {  	_ = 	snop  }
0x7: {  	_ = 	snop  }
__scs_overlays_trampoline_lowered:
0x8: {  	[smem:$0x3FA6] =	sst s0  }
0x9: {  	[smem:$0x3FA7] =	sst s1  }
0xa: {  	[smem:$0x3FA8] =	sst s2  }
0xb: {  	[smem:$0x3FA9] =	sst s3  }
0xc: {  	[smem:$0x3FAA] =	sst s4  }
0xd: {  	[smem:$0x3FAB] =	sst s5  }
0xe: {  	[smem:$0x3FAC] =	sst s6  }
0xf: {  	[smem:$0x3FAD] =	sst s7  }
0x10: {  	[smem:$0x3FAE] =	sst s8  }
0x11: {  	[smem:$0x3FAF] =	sst s9;
	s0 =	simm.s32 @!p0 $0x0  }
0x12: {  	s1 =	sld [smem:$0x3F95];
	s0 =	simm.s32 @p0 $0x1  }
0x13: {  	[smem:$0x3FB0] =	sst s0;
	s0 =	simm.s32 @!p1 $0x0  }
0x14: {  	s2 =	sld [smem:$0x3F94];
	s0 =	simm.s32 @p1 $0x1  }
0x15: {  	[smem:$0x3FB1] =	sst s0;
	s0 =	simm.s32 @!p2 $0x0  }
0x16: {  	s3 =	sld [smem:$0x3FDB];
	s0 =	simm.s32 @p2 $0x1  }
0x17: {  	s4 =	simm.s32 $0x1BF5;
	[smem:$0x3FB3] =	sst s0  }
0x18: {  	s0 =	sld [smem:$0x3F96];
	_ =	swait.ge [sflag:s4], $0x0  }
0x19: {  	s7 =	sld [smem:$0x3F97]  }
0x1a: {  	s8 =	sadd.s32 $0xFFFFE003, lr  }
0x1b: {  	s9 =	sadd.s32 $0xFFFFFEF7, lr;
	s5 =	simm.s32 $0xFFFFFFFF;
	p2 =	slt.u32 s8, $0xFFFFF086  }
0x1c: {  	p1 =	slt.u32 s9, $0xF7A;
	s5 =	simm.s32 @!p2 $0x0  }
0x1d: {  	s5 =	simm.s32 @p1 $0x1;
	p0 =	seq.s32 s7, s2  }
0x1e: {  	s7 =	smul.u32 @!p0 $0xF7A, s2;
	p2 =	seq.s32 @!p0 s5, $0x0  }
0x1f: {  	s9 =	smul.u32 $0xF7A, s1;
	s8 =	simm.s32 @!p0 $0x1BF5;
	p2 =	por !p2, p0  }
0x20: {  	[sflag:s8] =	ssyncset.s32 @!p0 $0xFFFFF086;
	s6 =	sadd.s32 @!p0 s3, s7;
	s7 =	simm.s32 @!p0 $0x108  }
0x21: {  	s3 =	sadd.s32 s3, s9;
	s6 =	sadd.s32 @!p0 $0x88, s6;
	s7 =	simm.s32 @p2 $0x1082  }
0x22: {  	[simem:s7], [sflag:s8] =	dma.local @!p0 [hbm:s6], $0xF7A  }
0x23: {  	s9 =	sor.u32 $0xD0000000, s2;
	s6 =	simm.s32 $0x108;
	_ =	swait.ge @!p0 [sflag:s8], $0x0  }
0x24: {  	s3 =	sadd.s32 $0x88, s3;
	s6 =	simm.s32 @!p1 $0x1082;
	[sflag:s4] =	ssyncset.s32 $0xFFFFF086  }
0x25: {  	[simem:s6], [sflag:s4] =	dma.local [hbm:s3], $0xF7A  }
0x26: {  	[smem:$0x3F97] =	sst s1;
	(tag) =	ssettag s2;
	_ =	strace s9  }
0x27: {  	s1 =	sld [smem:$0x3FA7]  }
0x28: {  	s2 =	sld [smem:$0x3FA8]  }
0x29: {  	s4 =	sld [smem:$0x3FAA]  }
0x2a: {  	p0 =	seq.s32 s5, $0x0;
	s5 =	sld [smem:$0x3FAB]  }
0x2b: {  	s6 =	sld [smem:$0x3FAC]  }
0x2c: {  	s7 =	sld [smem:$0x3FAD]  }
0x2d: {  	s3 =	simm.s32 $0x108;
	s8 =	sld [smem:$0x3FAE]  }
0x2e: {  	s3 =	simm.s32 @!p0 $0x1082;
	s9 =	sld [smem:$0x3FAF]  }
0x2f: {  	lr =	sadd.s32 s0, s3;
	s0 =	sld [smem:$0x3FA6]  }
0x30: {  	s3 =	sld [smem:$0x3FA9]  }
0x31: {  	[smem:$0x3FB2] =	sst s10  }
0x32: {  	s10 =	sld [smem:$0x3FB0];
	_ =	sdelay $0x3  }
0x33: {  	p0 =	seq.s32 s10, $0x1;
	s10 =	sld [smem:$0x3FB2];
	_ =	sdelay $0x3  }
0x34: {  	[smem:$0x3FB2] =	sst s10  }
0x35: {  	s10 =	sld [smem:$0x3FB1];
	_ =	sdelay $0x3  }
0x36: {  	p1 =	seq.s32 s10, $0x1;
	s10 =	sld [smem:$0x3FB2];
	_ =	sdelay $0x3  }
0x37: {  	[smem:$0x3FB2] =	sst s10  }
0x38: {  	s10 =	sld [smem:$0x3FB3]  }
0x39: {  	_ = 	snop;
	(pc) =	sbr.ind lr, $3  }
0x3a: {  	_ = 	snop  }
0x3b: {  	_ = 	snop  }
0x3c: {  	p2 =	seq.s32 s10, $0x1;
	s10 =	sld [smem:$0x3FB2]  }
0x3d: {  	_ =	shalt  }
0x3e: {  	_ =	shalt  }
0x3f: {  	_ =	shalt  }
0x40: {  	_ =	shalt  }
0x41: {  	_ =	shalt  }
0x42: {  	_ =	shalt  }
0x43: {  	_ =	shalt  }
0x44: {  	_ =	shalt  }
0x45: {  	_ =	shalt  }
0x46: {  	_ =	shalt  }
0x47: {  	_ =	shalt  }
0x48: {  	_ =	shalt  }
0x49: {  	_ =	shalt  }
0x4a: {  	_ =	shalt  }
0x4b: {  	_ =	shalt  }
0x4c: {  	_ =	shalt  }
0x4d: {  	_ =	shalt  }
0x4e: {  	_ =	shalt  }
0x4f: {  	_ =	shalt  }
0x50: {  	_ =	shalt  }
0x51: {  	_ =	shalt  }
0x52: {  	_ =	shalt  }
0x53: {  	_ =	shalt  }
0x54: {  	_ =	shalt  }
0x55: {  	_ =	shalt  }
0x56: {  	_ =	shalt  }
0x57: {  	_ =	shalt  }
0x58: {  	_ =	shalt  }
0x59: {  	_ =	shalt  }
0x5a: {  	_ =	shalt  }
0x5b: {  	_ =	shalt  }
0x5c: {  	_ =	shalt  }
0x5d: {  	_ =	shalt  }
0x5e: {  	_ =	shalt  }
0x5f: {  	_ =	shalt  }
0x60: {  	_ =	shalt  }
0x61: {  	_ =	shalt  }
0x62: {  	_ =	shalt  }
0x63: {  	_ =	shalt  }
0x64: {  	_ =	shalt  }
0x65: {  	_ =	shalt  }
0x66: {  	_ =	shalt  }
0x67: {  	_ =	shalt  }
0x68: {  	_ =	shalt  }
0x69: {  	_ =	shalt  }
0x6a: {  	_ =	shalt  }
0x6b: {  	_ =	shalt  }
0x6c: {  	_ =	shalt  }
0x6d: {  	_ =	shalt  }
0x6e: {  	_ =	shalt  }
0x6f: {  	_ =	shalt  }
0x70: {  	_ =	shalt  }
0x71: {  	_ =	shalt  }
0x72: {  	_ =	shalt  }
0x73: {  	_ =	shalt  }
0x74: {  	_ =	shalt  }
0x75: {  	_ =	shalt  }
0x76: {  	_ =	shalt  }
0x77: {  	_ =	shalt  }
0x78: {  	_ =	shalt  }
0x79: {  	_ =	shalt  }
0x7a: {  	_ =	shalt  }
0x7b: {  	_ =	shalt  }
0x7c: {  	_ =	shalt  }
0x7d: {  	_ =	shalt  }
0x7e: {  	_ =	shalt  }
0x7f: {  	_ =	shalt  }
0x80: {  	_ =	shalt  }
0x81: {  	_ =	shalt  }
0x82: {  	_ =	shalt  }
0x83: {  	_ =	shalt  }
0x84: {  	_ =	shalt  }
0x85: {  	_ =	shalt  }
0x86: {  	_ =	shalt  }
0x87: {  	_ =	shalt  }
.Lfunc_end0:
.L_simem_size_0:
called_computation.4_lowered:
.L_overlay_start_0:
0x88: {  	s2 =	sld [smem:$0x3FD9]  }
0x89: {  	s3 =	sld [smem:$0x3FFE];
	_ =	sdelay $0x1  }
0x8a: {  	s1 =	srdreg.scid  }
0x8b: {  	s0 =	sand.u32 $0x1, s1  }
0x8c: {  	s17 =	sshll.u32 s0, $0xA;
	s2 =	sadd.s32 s3, s2  }
0x8d: {  	s2 =	sadd.s32 s2, s17  }
0x8e: {  	[smem:$0x3FBE] =	sst s2  }
0x8f: {  	_ = 	snop  }
0x90: {  	s2 =	sld [smem:$0x3FC8]  }
0x91: {  	s18 =	sld [smem:$0x3FD0];
	(tm) =	ssettm $0x1  }
0x92: {  	s4 =	sld [smem:$0x3FFB];
	_ =	sdelay $0x3  }
0x93: {  	_ =	strace s4  }
0x94: {  	s4 =	sld [smem:$0x3FFC];
	_ =	sdelay $0x3  }
0x95: {  	_ =	strace s4  }
0x96: {  	s4 =	sld [smem:$0x3FFD];
	_ =	sdelay $0x3  }
0x97: {  	_ =	strace s4  }
0x98: {  	_ =	strace $0x8FFFFFFF  }
0x99: {  	s19 =	sld [smem:$0x3FDB];
	_ =	sdelay $0x1  }
0x9a: {  	s5 =	simm.s32 $_scs_section_size  }
0x9b: {  	s6 =	simm.s32 $_size__tile_overlayer_lowered;
	s7 =	simm.s32 $_tile_overlayer_lowered  }
0x9c: {  	s22 =	simm.s32 $0x1BFF;
	s21 =	sshll.u32 s7, $0x1;
	s4 =	sadd.s32 s5, s19  }
0x9d: {  	s8 =	simm.s32 $0x0;
	s20 =	sshll.u32 s6, $0x1;
	s6 =	sadd.s32 s21, s4  }
0x9e: {  	[timem:s8], [sflag:s22] =	dma.local [hbm:s6], s20  }
0x9f: {  	_ =	swait.ge [sflag:s22], s20  }
0xa0: {  	s5 =	ssub.s32 $0x0, s20;
	[sflag:s22] =	ssyncset.done $0x0  }
0xa1: {  	[sflag:s22] =	ssyncadd.s32 s5;
	_ =	sdelay $0x1  }
0xa2: {  	s23 =	simm.s32 $0x1B8B  }
0xa3: {  	_ =	swait.ge [sflag:s23], $0x1  }
0xa4: {  	[sflag:s23] =	ssyncset.done $0x0  }
0xa5: {  	s25 =	simm.s32 $0x1B8E;
	s24 =	sld [smem:$0x3FFE];
	[sflag:s23] =	ssyncadd.s32 $0xFFFFFFFF  }
0xa6: {  	s26 =	simm.s32 $execute0_lowered;
	[smem:$0x3FD2] =	sst s25  }
0xa7: {  	s6 =	sshll.u32 s26, $0x1;
	_ =	strace $0x80000052;
	[dreg:$0x1] =	wrdreg $0xFFFFFFFF  }
0xa8: {  	s28 =	simm.s32 $_size_execute0_lowered;
	s4 =	sadd.s32 s4, s6;
	[dreg:$0x0] =	wrdreg $0x0  }
0xa9: {  	s6 =	sshll.u32 s28, $0x1;
	[dreg:$0x2] =	wrdreg s4  }
0xaa: {  	[dreg:$0x3] =	wrdreg s6  }
0xab: {  	[dreg:$0x4] =	wrdreg $0xC0  }
0xac: {  	_ =	task [dreg:s8], $0x5FFFF  }
0xad: {  	[dreg:$0x1] =	wrdreg $0xFFFFFFFF  }
0xae: {  	[dreg:$0x0] =	wrdreg $0x60  }
0xaf: {  	[dreg:$0x2] =	wrdreg s18  }
0xb0: {  	[dreg:$0x3] =	wrdreg s2  }
0xb1: {  	[dreg:$0x4] =	wrdreg s24  }
0xb2: {  	[dreg:$0x5] =	wrdreg $0x9  }
0xb3: {  	_ =	task.clear_ibuf [dreg:s8], $0x6FFFF;
	_ =	strace $0x90000052  }
0xb4: {  	s29 =	simm.s32 $0x9;
	_ =	strace $0x80000054  }
0xb5: {  	_ =	swait.ge [sflag:s29], $0x1  }
0xb6: {  	[sflag:s29] =	ssyncadd.s32 $0xFFFFFFFF  }
0xb7: {  	_ =	strace $0x90000054  }
0xb8: {  	_ =	sfence  }
0xb9: {  	s30 =	sld [smem:$0x0];
	_ =	sdelay $0x2  }
0xba: {  	s31 =	sshll.u32 s1, $0xD;
	s1 =	sshrl.u32 s1, $0x2  }
0xbb: {  	s3 =	sand.u32 $0x4000, s31;
	s1 =	sadd.s32 s1, s30  }
0xbc: {  	s0 =	sor.u32 s3, s0;
	s1 =	sshll.u32 s1, $0x11  }
0xbd: {  	s0 =	sor.u32 s1, s0  }
0xbe: {  	s0 =	sadd.s32 $0x8F2B, s0  }
0xbf: {  	[sflag:s0] =	ssyncadd.remote.s32 $0x1  }
0xc0: {  	_ =	sfence.sel $0xFFFF  }
0xc1: {  	[dreg:$0x0] =	wrdreg $0xFFFFFFFF;
	(pc) =	sbr.abs _section_cstart, $3  }
0xc2: {  	[dreg:$0x1] =	wrdreg $0xFFFFFFFF  }
0xc3: {  	_ =	task.clear_ibuf [dreg:s8], $0x2FFFF;
	_ =	strace $0x9FFFFFFF  }
0xc4: {  	(tm) =	ssettm $0x7FFFFFFF  }
0xc5: {  	_ =	shalt  }
tec
execute0_lowered:
.L_overlay_start_1:
0x0: {  	(tag) =	ssettag $0x1  }
0x1: {  	s8 =	rddreg [dreg:$0x0];
	s1 =	srdreg.scid  }
0x2: {  	s3 =	rddreg [dreg:$0x1];
	s0 =	stileid.u32;
	s7 =	sand.u32 $0x1, s1  }
0x3: {  	s9 =	rddreg [dreg:$0x2];
	s4 =	sshll.u32 s0, $0x8;
	s5 =	sshll.u32 s7, $0x7  }
0x4: {  	s2 =	simm.s32 $0x0;
	s1 =	rddreg [dreg:$0x3];
	s10 =	sor.u32 s5, s4  }
0x5: {  	[smem:$0x7FF] =	sst s2;
	s4 =	sshrl.u32 s10, $0x2  }
0x6: {  	_ =	strace $0x80000053;
	s5 =	sadd.s32 s3, s4;
	s3 =	simm.s32 $0x2  }
0x7: {  	[tilespmem:s2], [sflag:$0x2] =	stream.linear.gather [hbm4b:s5+s2], $0x80, $0x38;
	[tilespmem:$0x4180] =	vst v63  }
0x8: {  	_ =	swait.ge [sflag:s3], $0x80  }
0x9: {  	[sflag:s3] =	ssyncset.done $0x0  }
0xa: {  	s4 =	simm.s32 $0x80;
	s6 =	sadd.s32 $0x10, s5;
	[sflag:s3] =	ssyncadd.s32 $0xFFFFFF80  }
0xb: {  	[tilespmem:s4], [sflag:$0x2] =	stream.linear.gather [hbm4b:s6+s2], $0x80, $0x38;
	[tilespmem:$0x4180] =	vst v63  }
0xc: {  	_ =	swait.ge [sflag:s3], $0x80  }
0xd: {  	[sflag:s3] =	ssyncset.done $0x0  }
0xe: {  	[sflag:s3] =	ssyncadd.s32 $0xFFFFFF80  }
0xf: {  	v0 =	vld [tilespmem:$0x0]  }
0x10: {  	v2 =	vld [tilespmem:$0x60]  }
0x11: {  	v3 =	vld [tilespmem:$0x30]  }
0x12: {  	v4 =	vld [tilespmem:$0x20]  }
0x13: {  	v1 =	vld [tilespmem:$0xE0]  }
0x14: {  	s7 =	ssub.s32 $0x2, s7;
	v5 =	vld [tilespmem:$0xB0]  }
0x15: {  	s11 =	sshrl.u32 s7, $0x1;
	v6 =	vld [tilespmem:$0xA0]  }
0x16: {  	s11 =	ssub.s32 s7, s11;
	v7 =	vld [tilespmem:$0x70]  }
0x17: {  	s12 =	smax.u32 s11, $0x1;
	v8 =	vld [tilespmem:$0xF0]  }
0x18: {  	p0 =	sne.s32 s12, $0x1;
	v9 =	vld [tilespmem:$0x90]  }
.Ltmp0:
0x19: {  	v10 =	vshll.u32 v1, $0x8;
	v1 =	vld [tilespmem:$0xD0];
	(pc) =	sbr.rel @!p0 .LBB2_2-.Ltmp0, $4  }
0x1a: {  	v5 =	vshll.u32 v5, $0x8;
	v10 =	vadd.s32 v2, v10;
	v2 =	vld [tilespmem:$0x80]  }
0x1b: {  	s31 =	sshll.u32 s10, $0x4;
	v6 =	vshll.u32 v6, $0x8;
	v5 =	vadd.s32 v3, v5;
	v3 =	vld [tilespmem:$0xC0];
	[tilespmem:$0x160] =	vst v10  }
0x1c: {  	s7 =	sadd.s32 $0x4E00, s9;
	s10 =	simm.s32 $0x1;
	s9 =	sadd.s32 s8, s31;
	v8 =	vshll.u32 v8, $0x8;
	v6 =	vadd.s32 v4, v6;
	v4 =	vld [tilespmem:$0x40];
	[tilespmem:$0x130] =	vst v5  }
0x1d: {  	s8 =	simm.s32 $0x180;
	s11 =	simm.s32 $0x100;
	s12 =	sadd.s32 $0xFFFFFFFF, s12;
	v7 =	vadd.s32 v7, v8;
	[tilespmem:$0x120] =	vst v6;
	v5 =	vshll.u32 v9, $0x8;
	v6 =	vld [tilespmem:$0x10]  }
.LBB2_1:
0x1e: {  	p0 =	sne.s32 s12, $0x1;
	s12 =	sadd.s32 $0xFFFFFFFF, s12;
	v8 =	vld [tilespmem:$0x50]  }
0x1f: {  	v2 =	vshll.u32 v2, $0x8  }
0x20: {  	v0 =	vadd.s32 v0, v2;
	v2 =	vshll.u32 v3, $0x8;
	[tilespmem:$0x170] =	vst v7  }
0x21: {  	[tilespmem:$0x100] =	vst v0;
	v0 =	vadd.s32 v4, v2  }
0x22: {  	v2 =	vadd.s32 v6, v5;
	[tilespmem:$0x140] =	vst v0;
	v0 =	vshll.u32 v1, $0x8  }
0x23: {  	[tilespmem:$0x110] =	vst v2;
	v0 =	vadd.s32 v8, v0  }
0x24: {  	[tilespmem:$0x150] =	vst v0  }
0x25: {  	[tilespmem:s8], [sflag:$0x2] =	stream.linear.gather [hbm4b:s9+s2], $0x4000, $0x38;
	[tilespmem:$0x4180] =	vst v63  }
0x26: {  	_ =	swait.ge [sflag:s3], $0x4000  }
0x27: {  	[sflag:s3] =	ssyncset.done $0x0  }
0x28: {  	[sflag:s3] =	ssyncadd.s32 $0xFFFFC000  }
0x29: {  	[hbm4b:s7+s4] =	stream.indirect.scatter [tilespmem:s8], [sflag:$0x1], $0x80, s11, s4, $0xb8;
	[tilespmem:$0x4180] =	vst v63  }
0x2a: {  	_ =	swait.ge [sflag:s10], $0x4000  }
0x2b: {  	[sflag:s10] =	ssyncset.done $0x0  }
0x2c: {  	[sflag:s10] =	ssyncadd.s32 $0xFFFFC000  }
0x2d: {  	[tilespmem:s2], [sflag:$0x2] =	stream.linear.gather [hbm4b:s5+s2], $0x80, $0x38;
	[tilespmem:$0x4180] =	vst v63  }
0x2e: {  	_ =	swait.ge [sflag:s3], $0x80  }
0x2f: {  	[sflag:s3] =	ssyncset.done $0x0  }
0x30: {  	[sflag:s3] =	ssyncadd.s32 $0xFFFFFF80  }
0x31: {  	[tilespmem:s4], [sflag:$0x2] =	stream.linear.gather [hbm4b:s6+s2], $0x80, $0x38;
	[tilespmem:$0x4180] =	vst v63  }
0x32: {  	_ =	swait.ge [sflag:s3], $0x80  }
0x33: {  	[sflag:s3] =	ssyncset.done $0x0  }
0x34: {  	[sflag:s3] =	ssyncadd.s32 $0xFFFFFF80  }
0x35: {  	v0 =	vld [tilespmem:$0x0]  }
0x36: {  	v2 =	vld [tilespmem:$0x60]  }
0x37: {  	v3 =	vld [tilespmem:$0x30]  }
0x38: {  	v4 =	vld [tilespmem:$0x20]  }
0x39: {  	v1 =	vld [tilespmem:$0xE0]  }
0x3a: {  	v5 =	vld [tilespmem:$0xB0]  }
0x3b: {  	v6 =	vld [tilespmem:$0xA0]  }
0x3c: {  	v7 =	vld [tilespmem:$0x70]  }
0x3d: {  	v8 =	vld [tilespmem:$0xF0]  }
0x3e: {  	v9 =	vld [tilespmem:$0x90];
	v10 =	vshll.u32 v1, $0x8  }
.Ltmp1:
0x3f: {  	v5 =	vshll.u32 v5, $0x8;
	v1 =	vld [tilespmem:$0xD0];
	v10 =	vadd.s32 v2, v10;
	(pc) =	sbr.rel @p0 .LBB2_1-.Ltmp1, $4  }
0x40: {  	v2 =	vld [tilespmem:$0x80];
	v6 =	vshll.u32 v6, $0x8;
	v3 =	vadd.s32 v3, v5;
	[tilespmem:$0x160] =	vst v10  }
0x41: {  	v4 =	vadd.s32 v4, v6;
	[tilespmem:$0x130] =	vst v3;
	v3 =	vld [tilespmem:$0xC0]  }
0x42: {  	[tilespmem:$0x120] =	vst v4;
	v4 =	vld [tilespmem:$0x40];
	v8 =	vshll.u32 v8, $0x8  }
0x43: {  	v5 =	vshll.u32 v9, $0x8;
	v6 =	vld [tilespmem:$0x10];
	v7 =	vadd.s32 v7, v8  }
.LBB2_2:
0x44: {  	v8 =	vld [tilespmem:$0x50]  }
0x45: {  	v2 =	vshll.u32 v2, $0x8  }
0x46: {  	[tilespmem:$0x170] =	vst v7;
	v0 =	vadd.s32 v0, v2;
	v60 =	vshll.u32 v3, $0x8  }
0x47: {  	[tilespmem:$0x100] =	vst v0;
	v61 =	vadd.s32 v4, v60  }
0x48: {  	v63 =	vshll.u32 v1, $0x8;
	v62 =	vadd.s32 v6, v5;
	[tilespmem:$0x140] =	vst v61  }
0x49: {  	[tilespmem:$0x110] =	vst v62;
	v0 =	vadd.s32 v8, v63  }
0x4a: {  	[tilespmem:$0x150] =	vst v0  }
0x4b: {  	[tilespmem:s8], [sflag:$0x2] =	stream.linear.gather [hbm4b:s9+s2], $0x4000, $0x38;
	[tilespmem:$0x4180] =	vst v63  }
0x4c: {  	_ =	swait.ge [sflag:s3], $0x4000  }
0x4d: {  	[sflag:s3] =	ssyncset.done $0x0  }
0x4e: {  	[sflag:s3] =	ssyncadd.s32 $0xFFFFC000  }
0x4f: {  	[hbm4b:s7+s4] =	stream.indirect.scatter [tilespmem:s8], [sflag:$0x1], $0x80, s11, s4, $0xb8;
	[tilespmem:$0x4180] =	vst v63  }
0x50: {  	_ =	swait.ge [sflag:s10], $0x4000  }
0x51: {  	[sflag:s10] =	ssyncset.done $0x0  }
0x52: {  	[sflag:s10] =	ssyncadd.s32 $0xFFFFC000  }
0x53: {  	_ =	sfence.sel $0x180000  }
0x54: {  	[bflag:$0x0] =	sbarrier.arrive $0xFFFF  }
0x55: {  	p0 =	sne.s32 s0, $0x0;
	_ =	strace $0x90000053  }
0x56: {  	s0 =	sadd.s32 @!p0 $0x100000, s1;
	[bflag:$0x2] =	sbarrier.arrive $0xFFFF  }
0x57: {  	[sflag:s0] =	ssyncadd.tile.s32 @!p0 $0x1;
	_ =	shalt  }
.Lfunc_end2:
_tile_overlayer_lowered:
.L_overlay_start_2:
0x58: {  	(tag) =	ssettag $0x2  }
0x59: {  	s0 =	rddreg [dreg:$0x0];
	s2 =	stileid.u32  }
0x5a: {  	s1 =	rddreg [dreg:$0x1];
	p0 =	sne.s32 s2, $0x0  }
0x5b: {  	s3 =	rddreg [dreg:$0x2];
	[bflag:$0x3] =	sbarrier.arrive $0xFFFF;
	s2 =	simm.s32 @!p0 $0x1C02  }
0x5c: {  	[timem:s3], [sflag:s2] =	dma.local @!p0 [hbm:s0], s1  }
0x5d: {  	s0 =	simm.s32 @!p0 $0x2  }
0x5e: {  	_ =	swait.ge @!p0 [sflag:s0], s1  }
0x5f: {  	s1 =	ssub.s32 @!p0 $0x0, s1;
	[sflag:s0] =	ssyncset.done @!p0 $0x0  }
0x60: {  	[sflag:s0] =	ssyncadd.s32 @!p0 s1  }
0x61: {  	[bflag:$0x3] =	sbarrier.arrive $0xFFFF  }
0x62: {  	_ =	shalt  }

// kernel: sparse-core-data-format-call.cloned.1.call-start
scs
called_computation_lowered:
.L_overlay_start_0:
0x0: {  	s2 =	sld [smem:$0x3FD9]  }
0x1: {  	s3 =	sld [smem:$0x3FFE];
	_ =	sdelay $0x1  }
0x2: {  	s1 =	srdreg.scid  }
0x3: {  	s0 =	sand.u32 $0x1, s1  }
0x4: {  	s18 =	sshll.u32 s0, $0xA;
	s2 =	sadd.s32 s3, s2  }
0x5: {  	s2 =	sadd.s32 s2, s18  }
0x6: {  	[smem:$0x3FBE] =	sst s2  }
0x7: {  	_ = 	snop  }
0x8: {  	s2 =	sld [smem:$0x3FC9];
	(tm) =	ssettm $0x1  }
0x9: {  	s19 =	sld [smem:$0x3FFB];
	_ =	sdelay $0x3  }
0xa: {  	_ =	strace s19  }
0xb: {  	s3 =	sld [smem:$0x3FFC];
	_ =	sdelay $0x3  }
0xc: {  	_ =	strace s3  }
0xd: {  	s3 =	sld [smem:$0x3FFD];
	_ =	sdelay $0x3  }
0xe: {  	_ =	strace s3  }
0xf: {  	_ =	strace $0x8FFFFFFF  }
0x10: {  	s20 =	sld [smem:$0x3FDB];
	_ =	sdelay $0x1  }
0x11: {  	s4 =	simm.s32 $_scs_section_size  }
0x12: {  	s5 =	simm.s32 $_size__tile_overlayer_lowered;
	s6 =	simm.s32 $_tile_overlayer_lowered  }
0x13: {  	s23 =	simm.s32 $0x1BFF;
	s22 =	sshll.u32 s6, $0x1;
	s3 =	sadd.s32 s4, s20  }
0x14: {  	s7 =	simm.s32 $0x0;
	s21 =	sshll.u32 s5, $0x1;
	s5 =	sadd.s32 s22, s3  }
0x15: {  	[timem:s7], [sflag:s23] =	dma.local [hbm:s5], s21  }
0x16: {  	_ =	swait.ge [sflag:s23], s21  }
0x17: {  	s4 =	ssub.s32 $0x0, s21;
	[sflag:s23] =	ssyncset.done $0x0  }
0x18: {  	[sflag:s23] =	ssyncadd.s32 s4;
	_ =	sdelay $0x1  }
0x19: {  	s24 =	simm.s32 $0x1B8B  }
0x1a: {  	_ =	swait.ge [sflag:s24], $0x1  }
0x1b: {  	[sflag:s24] =	ssyncset.done $0x0  }
0x1c: {  	s26 =	simm.s32 $0x1B8E;
	s25 =	sld [smem:$0x3FFE];
	[sflag:s24] =	ssyncadd.s32 $0xFFFFFFFF  }
0x1d: {  	s27 =	simm.s32 $execute0_lowered;
	[smem:$0x3FD2] =	sst s26  }
0x1e: {  	s5 =	sshll.u32 s27, $0x1;
	_ =	strace $0x80000046;
	[dreg:$0x1] =	wrdreg $0xFFFFFFFF  }
0x1f: {  	s28 =	simm.s32 $_size_execute0_lowered;
	s3 =	sadd.s32 s3, s5;
	[dreg:$0x0] =	wrdreg $0x0  }
0x20: {  	s5 =	sshll.u32 s28, $0x1;
	[dreg:$0x2] =	wrdreg s3  }
0x21: {  	[dreg:$0x3] =	wrdreg s5  }
0x22: {  	[dreg:$0x4] =	wrdreg $0xC0  }
0x23: {  	_ =	task [dreg:s7], $0x5FFFF  }
0x24: {  	[dreg:$0x1] =	wrdreg $0xFFFFFFFF  }
0x25: {  	[dreg:$0x0] =	wrdreg $0x60  }
0x26: {  	[dreg:$0x2] =	wrdreg s2  }
0x27: {  	[dreg:$0x3] =	wrdreg s25  }
0x28: {  	[dreg:$0x4] =	wrdreg $0x9  }
0x29: {  	_ =	task.clear_ibuf [dreg:s7], $0x5FFFF;
	_ =	strace $0x90000046  }
0x2a: {  	s29 =	simm.s32 $0x9;
	_ =	strace $0x80000048  }
0x2b: {  	_ =	swait.ge [sflag:s29], $0x1  }
0x2c: {  	[sflag:s29] =	ssyncadd.s32 $0xFFFFFFFF  }
0x2d: {  	_ =	strace $0x90000048  }
0x2e: {  	_ =	sfence  }
0x2f: {  	s30 =	sld [smem:$0x0];
	_ =	sdelay $0x2  }
0x30: {  	s31 =	sshll.u32 s1, $0xD;
	s1 =	sshrl.u32 s1, $0x2  }
0x31: {  	s3 =	sand.u32 $0x4000, s31;
	s1 =	sadd.s32 s1, s30  }
0x32: {  	s0 =	sor.u32 s3, s0;
	s1 =	sshll.u32 s1, $0x11  }
0x33: {  	s0 =	sor.u32 s1, s0  }
0x34: {  	s0 =	sadd.s32 $0x8F2B, s0  }
0x35: {  	[sflag:s0] =	ssyncadd.remote.s32 $0x1  }
0x36: {  	_ =	sfence.sel $0xFFFF  }
0x37: {  	[dreg:$0x0] =	wrdreg $0xFFFFFFFF;
	(pc) =	sbr.abs _section_cstart, $3  }
0x38: {  	[dreg:$0x1] =	wrdreg $0xFFFFFFFF  }
0x39: {  	_ =	task.clear_ibuf [dreg:s7], $0x2FFFF;
	_ =	strace $0x9FFFFFFF  }
0x3a: {  	(tm) =	ssettm $0x7FFFFFFF  }
0x3b: {  	_ =	shalt  }
tec
execute0_lowered:
.L_overlay_start_1:
0x0: {  	(tag) =	ssettag $0x1  }
0x1: {  	s2 =	rddreg [dreg:$0x0]  }
0x2: {  	s1 =	rddreg [dreg:$0x1]  }
0x3: {  	s0 =	rddreg [dreg:$0x2];
	_ =	strace $0x80000047;
	s4 =	srdreg.scid  }
0x4: {  	s6 =	simm.s32 $0x2;
	s11 =	simm.s32 $0x0;
	p0 =	por $0x0, $0x0  }
.Ltmp0:
0x5: {  	s7 =	simm.s32 $0x8000;
	s12 =	simm.s32 $0x0;
	(pc) =	sbr.rel .LBB1_1-.Ltmp0, $4  }
0x6: {  	s9 =	simm.s32 $0x0;
	s3 =	sadd.s32 $0x4E00, s1;
	s5 =	sshll.u32 s4, $0x4  }
0x7: {  	s1 =	stileid.u32;
	s4 =	simm.s32 $0x1;
	s5 =	sand.u32 $0x10, s5  }
0x8: {  	s8 =	simm.s32 $0x0;
	[sflag:s4] =	ssyncpa.u1 $0x0;
	s5 =	sor.u32 s1, s5  }
0x9: {  	[sflag:s6] =	ssyncpa.u1 $0x0;
	s6 =	simm.s32 $0x80;
	s10 =	smov.u32 s5  }
.LBB1_5:
0xa: {  	s13 =	sadd.s32 $0x80, s9  }
0xb: {  	s11 =	sadd.s32 $0x20, s10;
	s15 =	smov.u32 s10;
	p2 =	sgt.s32 s13, $0xFF  }
0xc: {  	p1 =	slt.u32 s8, $0x2;
	s15 =	smov.u32 @p2 s11  }
0xd: {  	s8 =	sadd.s32 $0x1, s8;
	s13 =	simm.s32 @p2 $0x0;
	p2 =	sgt.s32 s15, $0xFF  }
0xe: {  	s15 =	smov.u32 @p2 s5;
	p2 =	sne.s32 s8, $0x12  }
.Ltmp1:
0xf: {  	_ = 	snop;
	(pc) =	sbr.rel @!p2 .LBB1_6-.Ltmp1, $4  }
0x10: {  	s14 =	simm.s32 @!p1 $0x2  }
0x11: {  	s12 =	smov.u32 s10;
	_ =	swait.ge @!p1 [sflag:s14], $0x4000  }
0x12: {  	p0 =	por !p0, !p0;
	s11 =	smov.u32 s9;
	[sflag:s14] =	ssyncset.done @!p1 $0x0  }
0x13: {  	s9 =	smov.u32 s13;
	[sflag:s14] =	ssyncadd.s32 @!p1 $0xFFFFC000;
	s10 =	smov.u32 s15  }
.LBB1_1:
0x14: {  	p1 =	sgt.u32 s8, $0xF  }
0x15: {  	s13 =	sxor.u32 @!p1 $0xFFFFFFFF, s8;
	s14 =	sshll.u32 @!p1 s10, $0xC;
	s15 =	sshll.u32 @!p1 s9, $0x4  }
0x16: {  	s13 =	sshll.u32 @!p1 s13, $0xE;
	s15 =	sand.u32 @!p1 $0xFF0, s15;
	s14 =	sadd.s32 @!p1 s2, s14  }
0x17: {  	s13 =	sand.u32 @!p1 $0x4000, s13;
	s14 =	sadd.s32 @!p1 s15, s14;
	s15 =	simm.s32 @!p1 $0x0  }
0x18: {  	[tilespmem:s13], [sflag:$0x1] =	stream.linear.gather @!p1 [hbm4b:s14+s15], $0x4000, $0x38;
	[tilespmem:$0x10000] =	vst v63  }
0x19: {  	p1 =	seq.s32 s8, $0x0  }
0x1a: {  	p2 =	seq.s32 @!p1 s8, $0x11  }
0x1b: {  	p1 =	por p1, p2  }
.Ltmp2:
0x1c: {  	_ = 	snop;
	(pc) =	sbr.rel @p1 .LBB1_5-.Ltmp2, $1  }
0x1d: {  	_ =	sdelay $0x3  }
0x1e: {  	s13 =	simm.s32 $0x1  }
0x1f: {  	s13 =	simm.s32 @!p0 $0x0  }
0x20: {  	s13 =	sshll.u32 s13, $0xE  }
0x21: {  	s14 =	sor.u32 $0x40, s13  }
0x22: {  	v1 =	vmov s14;
	_ =	sdelay $0x1  }
0x23: {  	_ =	swait.ge [sflag:s4], $0x4000  }
0x24: {  	[sflag:s4] =	ssyncset.done $0x0  }
0x25: {  	[sflag:s4] =	ssyncadd.s32 $0xFFFFC000;
	s14 =	simm.s32 $0x0  }
0x26: {  	s13 =	sor.u32 $0x8070, s13;
	v7 =	vld.idx.msk [tilespmem:v1+s14+$0x30 ss:$0x1], $0xffff  }
0x27: {  	v0 =	vmov s13;
	v8 =	vld.idx.msk [tilespmem:v1+s14+$0xFFFFFFC0 ss:$0x1], $0xffff  }
0x28: {  	v6 =	vld.idx.msk [tilespmem:v1+s14+$0xFFFFFFD0 ss:$0x1], $0xffff  }
0x29: {  	v4 =	vld.idx.msk [tilespmem:v1+s14+$0xFFFFFFE0 ss:$0x1], $0xffff  }
0x2a: {  	v2 =	vld.idx.msk [tilespmem:v1+s14+$0xFFFFFFF0 ss:$0x1], $0xffff  }
0x2b: {  	s31 =	sshll.u32 s8, $0xE;
	v3 =	vld.idx.msk [tilespmem:v1+s14+$0x0 ss:$0x1], $0xffff  }
0x2c: {  	s13 =	sand.u32 $0x4000, s31;
	v5 =	vld.idx.msk [tilespmem:v1+s14+$0x10 ss:$0x1], $0xffff;
	[tilespmem:v0+s14+$0x0 ss:$0x1] =	vst.idx.msk $0xffff, v7  }
0x2d: {  	s15 =	simm.s32 $0x80;
	s16 =	simm.s32 $0x400;
	s13 =	sor.u32 $0x8000, s13;
	[tilespmem:v0+s14+$0xFFFFFF90 ss:$0x1] =	vst.idx.msk $0xffff, v8;
	v7 =	vld.idx.msk [tilespmem:v1+s14+$0x20 ss:$0x1], $0xffff  }
.LBB1_3:
0x2e: {  	p1 =	sne.s32 s16, $0xFE00;
	v8 =	vld.idx.msk [tilespmem:v1+s15+$0x30 ss:$0x1], $0xffff;
	[tilespmem:v0+s14+$0xFFFFFFA0 ss:$0x1] =	vst.idx.msk $0xffff, v6  }
0x2f: {  	v9 =	vld.idx.msk [tilespmem:v1+s15+$0xFFFFFFC0 ss:$0x1], $0xffff;
	[tilespmem:v0+s14+$0xFFFFFFB0 ss:$0x1] =	vst.idx.msk $0xffff, v4  }
0x30: {  	v6 =	vld.idx.msk [tilespmem:v1+s15+$0xFFFFFFD0 ss:$0x1], $0xffff;
	[tilespmem:v0+s14+$0xFFFFFFC0 ss:$0x1] =	vst.idx.msk $0xffff, v2  }
.Ltmp3:
0x31: {  	v4 =	vld.idx.msk [tilespmem:v1+s15+$0xFFFFFFE0 ss:$0x1], $0xffff;
	[tilespmem:v0+s14+$0xFFFFFFD0 ss:$0x1] =	vst.idx.msk $0xffff, v3;
	(pc) =	sbr.rel @p1 .LBB1_3-.Ltmp3, $4  }
0x32: {  	v2 =	vld.idx.msk [tilespmem:v1+s15+$0xFFFFFFF0 ss:$0x1], $0xffff;
	[tilespmem:v0+s14+$0xFFFFFFE0 ss:$0x1] =	vst.idx.msk $0xffff, v5  }
0x33: {  	v3 =	vld.idx.msk [tilespmem:v1+s15+$0x0 ss:$0x1], $0xffff;
	[tilespmem:v0+s14+$0xFFFFFFF0 ss:$0x1] =	vst.idx.msk $0xffff, v7;
	s14 =	smov.u32 s15  }
0x34: {  	v5 =	vld.idx.msk [tilespmem:v1+s14+$0x10 ss:$0x1], $0xffff;
	[tilespmem:v0+s14+$0x0 ss:$0x1] =	vst.idx.msk $0xffff, v8  }
0x35: {  	s15 =	sshra.s32 s16, $0x2;
	s16 =	sadd.s32 $0x200, s16;
	[tilespmem:v0+s14+$0xFFFFFF90 ss:$0x1] =	vst.idx.msk $0xffff, v9;
	v7 =	vld.idx.msk [tilespmem:v1+s14+$0x20 ss:$0x1], $0xffff  }
0x36: {  	_ =	sdelay $0x3  }
0x37: {  	[tilespmem:v0+s14+$0xFFFFFFA0 ss:$0x1] =	vst.idx.msk $0xffff, v6  }
0x38: {  	v56 =	vld.idx.msk [tilespmem:v1+s15+$0x30 ss:$0x1], $0xffff;
	[tilespmem:v0+s14+$0xFFFFFFB0 ss:$0x1] =	vst.idx.msk $0xffff, v4  }
0x39: {  	v57 =	vld.idx.msk [tilespmem:v1+s15+$0xFFFFFFC0 ss:$0x1], $0xffff;
	[tilespmem:v0+s14+$0xFFFFFFC0 ss:$0x1] =	vst.idx.msk $0xffff, v2  }
0x3a: {  	v58 =	vld.idx.msk [tilespmem:v1+s15+$0xFFFFFFD0 ss:$0x1], $0xffff;
	[tilespmem:v0+s14+$0xFFFFFFD0 ss:$0x1] =	vst.idx.msk $0xffff, v3  }
0x3b: {  	v59 =	vld.idx.msk [tilespmem:v1+s15+$0xFFFFFFE0 ss:$0x1], $0xffff;
	[tilespmem:v0+s14+$0xFFFFFFE0 ss:$0x1] =	vst.idx.msk $0xffff, v5  }
0x3c: {  	v60 =	vld.idx.msk [tilespmem:v1+s15+$0xFFFFFFF0 ss:$0x1], $0xffff;
	[tilespmem:v0+s14+$0xFFFFFFF0 ss:$0x1] =	vst.idx.msk $0xffff, v7  }
0x3d: {  	v61 =	vld.idx.msk [tilespmem:v1+s15+$0x0 ss:$0x1], $0xffff;
	[tilespmem:v0+s15+$0x0 ss:$0x1] =	vst.idx.msk $0xffff, v56  }
0x3e: {  	v62 =	vld.idx.msk [tilespmem:v1+s15+$0x10 ss:$0x1], $0xffff;
	[tilespmem:v0+s15+$0xFFFFFF90 ss:$0x1] =	vst.idx.msk $0xffff, v57  }
0x3f: {  	v63 =	vld.idx.msk [tilespmem:v1+s15+$0x20 ss:$0x1], $0xffff;
	[tilespmem:v0+s15+$0xFFFFFFA0 ss:$0x1] =	vst.idx.msk $0xffff, v58  }
0x40: {  	[tilespmem:v0+s15+$0xFFFFFFB0 ss:$0x1] =	vst.idx.msk $0xffff, v59  }
.Ltmp4:
0x41: {  	s12 =	sshll.u32 s12, $0x4;
	[tilespmem:v0+s15+$0xFFFFFFC0 ss:$0x1] =	vst.idx.msk $0xffff, v60;
	(pc) =	sbr.rel .LBB1_5-.Ltmp4, $4  }
0x42: {  	s12 =	sand.u32 $0xFF0, s12;
	[tilespmem:v0+s15+$0xFFFFFFD0 ss:$0x1] =	vst.idx.msk $0xffff, v61  }
0x43: {  	s11 =	sshll.u32 s11, $0xC;
	s12 =	sadd.s32 s3, s12;
	[tilespmem:v0+s15+$0xFFFFFFE0 ss:$0x1] =	vst.idx.msk $0xffff, v62  }
0x44: {  	s11 =	sadd.s32 s11, s12;
	[tilespmem:v0+s15+$0xFFFFFFF0 ss:$0x1] =	vst.idx.msk $0xffff, v63  }
0x45: {  	[hbm4b:s11+s6] =	stream.strided.scatter [tilespmem:s13], [sflag:$0x2], $0x4000, s7, s6, $0x38;
	[tilespmem:$0x10000] =	vst v63  }
.LBB1_6:
0x46: {  	_ =	sfence.sel $0x180000  }
0x47: {  	s2 =	simm.s32 $0x1;
	[bflag:$0x0] =	sbarrier.arrive $0xFFFF  }
0x48: {  	s31 =	simm.s32 $0x2;
	[sflag:s2] =	ssyncpa.u1 $0x1  }
0x49: {  	[sflag:s31] =	ssyncpa.u1 $0x1  }
0x4a: {  	p0 =	sne.s32 s1, $0x0;
	_ =	strace $0x90000047  }
0x4b: {  	s0 =	sadd.s32 @!p0 $0x100000, s0;
	[bflag:$0x2] =	sbarrier.arrive $0xFFFF  }
0x4c: {  	[sflag:s0] =	ssyncadd.tile.s32 @!p0 $0x1;
	_ =	shalt  }
.Lfunc_end1:
_tile_overlayer_lowered:
.L_overlay_start_2:
0x4d: {  	(tag) =	ssettag $0x2  }
0x4e: {  	s0 =	rddreg [dreg:$0x0];
	s2 =	stileid.u32  }
0x4f: {  	s1 =	rddreg [dreg:$0x1];
	p0 =	sne.s32 s2, $0x0  }
0x50: {  	s3 =	rddreg [dreg:$0x2];
	[bflag:$0x3] =	sbarrier.arrive $0xFFFF;
	s2 =	simm.s32 @!p0 $0x1C01  }
0x51: {  	[timem:s3], [sflag:s2] =	dma.local @!p0 [hbm:s0], s1  }
0x52: {  	s0 =	simm.s32 @!p0 $0x1  }
0x53: {  	_ =	swait.ge @!p0 [sflag:s0], s1  }
0x54: {  	s1 =	ssub.s32 @!p0 $0x0, s1;
	[sflag:s0] =	ssyncset.done @!p0 $0x0  }
0x55: {  	[sflag:s0] =	ssyncadd.s32 @!p0 s1  }
0x56: {  	[bflag:$0x3] =	sbarrier.arrive $0xFFFF  }
0x57: {  	_ =	shalt  }

</sc_bundles>
